<compile_context>
chip_gen: v7x
topology: tpu7x:2x2x1
jax: 0.10.2.dev20260603
libtpu: 0.0.44.dev20260713+nightly
codegen_flags: <defaults>
</compile_context>

<pallas_src>
import functools

import jax
import jax.numpy as jnp
from jax import lax
from jax.experimental import pallas as pl
from jax.experimental.pallas import tpu as pltpu
from jax.experimental.pallas import tpu_sc as plsc

_N = 10000
_D = 128
_E = 320000
_NT = 1000
_NI = 5000
_W = 144
_EPS = 1e-15

_NS = 16
_K = 80
_CROWS = _E // _K
_CPC = _CROWS // 2
_CH = _CPC // _NS
_ACCR = 10000
_RPT = _ACCR // _NS
_GC = 5
_NG = _CH // _GC


def _tag_agg(T, S):
    rest = T[:, 1:]
    x0 = jnp.sqrt(1.0 + jnp.sum(rest * rest, axis=1, keepdims=True))
    y = rest / (x0 + 1.0)
    y2 = jnp.sum(y * y, axis=1, keepdims=True)
    xk = 2.0 * y / (1.0 + y2)
    g = 1.0 / jnp.sqrt(jnp.clip(1.0 - jnp.sum(xk * xk, axis=1, keepdims=True), _EPS))
    G = jnp.concatenate([g * xk, g], axis=1)
    R = jnp.dot(S.astype(jnp.bfloat16), G.astype(jnp.bfloat16),
                preferred_element_type=jnp.float32)
    num = R[:, : _D - 1]
    den = jnp.clip(R[:, _D - 1 :], _EPS)
    mean = num / den
    m2 = jnp.sum(mean * mean, axis=1, keepdims=True)
    kp = mean / (1.0 + jnp.sqrt(jnp.clip(1.0 - m2, _EPS)))
    k2 = jnp.sum(kp * kp, axis=1, keepdims=True)
    dn = jnp.clip(1.0 - k2, _EPS)
    return jnp.concatenate([(1.0 + k2) / dn, 2.0 * kp / dn], axis=1)


def _msg(X, Wm):
    rest = X[:, 1:]
    r2 = jnp.sum(rest * rest, axis=1, keepdims=True)
    x0 = jnp.clip(jnp.sqrt(1.0 + r2), 1.0 + 1e-7)
    dist = jnp.log(x0 + jnp.sqrt((x0 - 1.0) * (x0 + 1.0)))
    rn = jnp.sqrt(jnp.clip(r2, _EPS))
    u = dist * rest / rn
    t = jnp.concatenate([jnp.zeros_like(X[:, :1]), u], axis=1)
    return jnp.dot(t, Wm, preferred_element_type=jnp.float32)


def _tc2_body(x_ref, w_ref, m_ref):
    ones = jnp.ones((x_ref.shape[0], _W - _D), jnp.float32)
    m_ref[...] = jnp.concatenate([_msg(x_ref[...], w_ref[...]), ones], axis=1)


def _tc2(X, Wm):
    BM = 1000
    return pl.pallas_call(
        _tc2_body,
        grid=(_N // BM,),
        in_specs=[
            pl.BlockSpec((BM, _D), lambda i: (i, 0)),
            pl.BlockSpec((_D, _D), lambda i: (0, 0)),
        ],
        out_specs=pl.BlockSpec((BM, _W), lambda i: (i, 0)),
        out_shape=jax.ShapeDtypeStruct((_N, _W), jnp.float32),
    )(X, Wm)


def _tc1_body(t_ref, sps_ref, out_ref):
    out_ref[...] = _tag_agg(t_ref[...], sps_ref[...])


def _tc1(T_weight, sps):
    BM = 1000
    return pl.pallas_call(
        _tc1_body,
        grid=(_NI // BM,),
        in_specs=[
            pl.BlockSpec((_NT, _D), lambda i: (0, 0)),
            pl.BlockSpec((BM, _NT), lambda i: (i, 0)),
        ],
        out_specs=pl.BlockSpec((BM, _D), lambda i: (i, 0)),
        out_shape=jax.ShapeDtypeStruct((_NI, _D), jnp.float32),
    )(T_weight, sps)


_NBUF = 3
_TRI = 3 * _GC
_NTRI = (_NG - 1) // 3


def _sc_scatter(m, src2d, dst2d, zrows):
    mesh = plsc.VectorSubcoreMesh(core_axis_name="c", subcore_axis_name="s")

    @functools.partial(
        pl.kernel,
        out_type=(
            jax.ShapeDtypeStruct((_ACCR, _W), jnp.float32),
            jax.ShapeDtypeStruct((_ACCR, _W), jnp.float32),
        ),
        mesh=mesh,
        compiler_params=pltpu.CompilerParams(use_tc_tiling_on_sc=False),
        scratch_types=[pltpu.VMEM((_GC, _K), jnp.int32)] * 6
        + [pltpu.VMEM((_K, _W), jnp.float32)] * _NBUF
        + [pltpu.VMEM_SHARED((_ACCR, _W), jnp.float32)]
        + [pltpu.SemaphoreType.DMA] * (3 * _NBUF),
    )
    def scatter_kernel(m01_hbm, src_hbm, dst_hbm, z_hbm,
                       out0_hbm, out1_hbm, *rest):
        srcq = list(rest[0:3])
        dstq = list(rest[3:6])
        rowb = list(rest[6 : 6 + _NBUF])
        acc = rest[6 + _NBUF]
        gsem = list(rest[7 + _NBUF : 7 + 2 * _NBUF])
        ssem = list(rest[7 + 2 * _NBUF : 7 + 3 * _NBUF])
        isem = list(rest[7 + 3 * _NBUF :])
        c = lax.axis_index("c")
        s = lax.axis_index("s")
        rb = s * _RPT
        rowbase = c * _CPC + s * _CH

        def load_idx(grow, q, sem):
            pltpu.async_copy(src_hbm.at[pl.ds(grow, _GC)], srcq[q], sem)
            pltpu.async_copy(dst_hbm.at[pl.ds(grow, _GC)], dstq[q], sem)

        def wait_idx(grow, q, sem):
            pltpu.make_async_copy(src_hbm.at[pl.ds(grow, _GC)], srcq[q], sem).wait()
            pltpu.make_async_copy(dst_hbm.at[pl.ds(grow, _GC)], dstq[q], sem).wait()

        def process(p, q, jbase, nxt):
            for b in range(_GC):
                bb = (p * _GC + b) % _NBUF
                pltpu.make_async_copy(
                    m01_hbm.at[srcq[q].at[b]], rowb[bb], gsem[bb]
                ).wait()
                pb = (p * _GC + b - 1) % _NBUF
                if p == 0 and b == 0:
                    @pl.when(jbase > 0)
                    def _():
                        pltpu.make_async_copy(
                            rowb[pb], acc.at[dstq[q].at[0]], ssem[pb]
                        ).wait()
                else:
                    pltpu.make_async_copy(
                        rowb[pb], acc.at[dstq[q].at[0]], ssem[pb]
                    ).wait()
                if b + 2 < _GC:
                    nb = (p * _GC + b + 2) % _NBUF
                    pltpu.async_copy(m01_hbm.at[srcq[q].at[b + 2]], rowb[nb], gsem[nb])
                elif nxt is not None:
                    nq, ngrow = nxt
                    if b == _GC - 2:
                        wait_idx(ngrow, nq, isem[nq])
                    nb = (p * _GC + b + 2) % _NBUF
                    pltpu.async_copy(
                        m01_hbm.at[srcq[nq].at[b + 2 - _GC]], rowb[nb], gsem[nb]
                    )
                pltpu.async_copy(rowb[bb], acc.at[dstq[q].at[b]], ssem[bb], add=True)

        pltpu.sync_copy(z_hbm, acc.at[pl.ds(rb, _RPT)])
        pltpu.sync_copy(src_hbm.at[pl.ds(rowbase, _GC)], srcq[0])
        pltpu.sync_copy(dst_hbm.at[pl.ds(rowbase, _GC)], dstq[0])
        for b in range(_NBUF - 1):
            pltpu.async_copy(m01_hbm.at[srcq[0].at[b]], rowb[b], gsem[b])
        load_idx(rowbase + _GC, 1, isem[1])
        load_idx(rowbase + 2 * _GC, 2, isem[2])
        plsc.subcore_barrier()

        def triple(k, carry):
            gb = rowbase + k * _TRI
            jb = k * _TRI
            process(0, 0, jb, (1, gb + _GC))
            load_idx(gb + 3 * _GC, 0, isem[0])
            process(1, 1, jb + _GC, (2, gb + 2 * _GC))

            @pl.when(k < _NTRI - 1)
            def _():
                load_idx(gb + 4 * _GC, 1, isem[1])

            process(2, 2, jb + 2 * _GC, (0, gb + 3 * _GC))

            @pl.when(k < _NTRI - 1)
            def _():
                load_idx(gb + 5 * _GC, 2, isem[2])

            return carry

        lax.fori_loop(0, _NTRI, triple, 0)
        process(0, 0, (_NG - 1) * _GC, None)
        lastb = (_CH - 1) % _NBUF
        pltpu.make_async_copy(rowb[lastb], acc.at[dstq[0].at[0]], ssem[lastb]).wait()
        plsc.subcore_barrier()

        @pl.when(c == 0)
        def _():
            pltpu.sync_copy(acc.at[pl.ds(rb, _RPT)], out0_hbm.at[pl.ds(rb, _RPT)])

        @pl.when(c == 1)
        def _():
            pltpu.sync_copy(acc.at[pl.ds(rb, _RPT)], out1_hbm.at[pl.ds(rb, _RPT)])

    return scatter_kernel(m, src2d, dst2d, zrows)


def _emap(v):
    sp = v[:, 1:]
    n = jnp.sqrt(jnp.clip(jnp.sum(sp * sp, axis=1, keepdims=True), _EPS))
    e = jnp.exp(n)
    ei = 1.0 / e
    x0 = 0.5 * (e + ei)
    rest = 0.5 * (e - ei) * sp / n
    return jnp.concatenate([x0, rest], axis=1)


def _tc3_body(a0a_ref, a0b_ref, a1a_ref, a1b_ref, m0_ref, m1_ref, out_ref):
    A0 = a0a_ref[...] + a0b_ref[...]
    A1 = a1a_ref[...] + a1b_ref[...]
    M0 = m0_ref[...]
    M1 = m1_ref[...]
    deg = A0[:, _D : _D + 1] + M0[:, _D : _D + 1]
    h1 = _emap((A0[:, :_D] + M0[:, :_D]) / deg)
    h2 = _emap((A1[:, :_D] + M1[:, :_D]) / deg)
    out_ref[...] = jnp.concatenate([h1, h2], axis=1)


def _tc3(A0a, A0b, A1a, A1b, M0, M1):
    BM = 1000
    return pl.pallas_call(
        _tc3_body,
        grid=(_N // BM,),
        in_specs=[pl.BlockSpec((BM, _W), lambda i: (i, 0))] * 6,
        out_specs=pl.BlockSpec((BM, 2 * _D), lambda i: (i, 0)),
        out_shape=jax.ShapeDtypeStruct((_N, 2 * _D), jnp.float32),
    )(A0a, A0b, A1a, A1b, M0, M1)


def kernel(edge_index, emb_weight, T_weight, ugr_weight, sps, W1, W2):
    src2d = edge_index[0].reshape(_CROWS, _K)
    dst2d = edge_index[1].reshape(_CROWS, _K)
    zrows = jnp.zeros((_RPT, _W), jnp.float32)

    M0 = _tc2(emb_weight, W1)
    A0a, A0b = _sc_scatter(M0, src2d, dst2d, zrows)
    x2_items = _tc1(T_weight, sps)
    X2 = jnp.concatenate([ugr_weight, x2_items], axis=0)
    M1 = _tc2(X2, W2)
    A1a, A1b = _sc_scatter(M1, src2d, dst2d, zrows)
    return _tc3(A0a, A0b, A1a, A1b, M0, M1)

# --- scband reference (transcript-rebuilt; emitter-appended) ---
"""Pipeline reference for scband-taxo-rec-75136157876855 (READ-ONLY COPY).

The authoritative reference and input builder live on the scoring server;
editing this copy changes nothing except your own understanding.
"""

import jax, jax.numpy as jnp
import numpy as np

C = 1.0
EPS = 1e-15
NUM_USERS = 5000
NUM_ITEMS = 5000
N = NUM_USERS + NUM_ITEMS
NUM_TAGS = 1000
D = 128
E = 320000


def _projx(x):
    rest = x[..., 1:]
    x0 = jnp.sqrt(1.0 / C + jnp.sum(rest * rest, axis=-1, keepdims=True))
    return jnp.concatenate([x0, rest], axis=-1)


def _expmap0(v):
    space = v[..., 1:]
    n = jnp.sqrt(jnp.clip(jnp.sum(space * space, axis=-1, keepdims=True), EPS))
    sqrtC = jnp.sqrt(C)
    x0 = jnp.cosh(sqrtC * n) / sqrtC
    rest = jnp.sinh(sqrtC * n) * space / (sqrtC * n)
    return jnp.concatenate([x0, rest], axis=-1)


def _logmap0(x):
    sqrtC = jnp.sqrt(C)
    x0 = jnp.clip(x[..., :1] * sqrtC, 1.0 + 1e-7)
    dist = jnp.arccosh(x0) / sqrtC
    rest = x[..., 1:]
    rn = jnp.sqrt(jnp.clip(jnp.sum(rest * rest, axis=-1, keepdims=True), EPS))
    u = dist * rest / rn
    return jnp.concatenate([jnp.zeros_like(x[..., :1]), u], axis=-1)


def _l2p(x):
    return x[..., 1:] / (x[..., :1] + 1.0 / jnp.sqrt(C))


def _p2l(y):
    y2 = jnp.sum(y * y, axis=-1, keepdims=True)
    denom = jnp.clip(1.0 - C * y2, EPS)
    x0 = (1.0 + C * y2) / (denom * jnp.sqrt(C))
    rest = 2.0 * y / denom
    return jnp.concatenate([x0, rest], axis=-1)


def _p2k(y):
    denom = 1.0 + C * jnp.sum(y * y, axis=-1, keepdims=True)
    return 2.0 * y / denom


def _k2p(x):
    denom = 1.0 + jnp.sqrt(jnp.clip(1.0 - C * jnp.sum(x * x, axis=-1, keepdims=True), EPS))
    return x / denom


def _lorentz_factor(x):
    return 1.0 / jnp.sqrt(jnp.clip(1.0 - C * jnp.sum(x * x, axis=-1, keepdims=True), EPS))


def _hyper_agg(weights, x):
    x_p = _l2p(x)
    x_k = _p2k(x_p)
    gamma = _lorentz_factor(jax.lax.stop_gradient(x_k))
    mean = (weights @ (gamma * x_k)) / jnp.clip(weights @ gamma, EPS)
    return _p2l(_k2p(mean))


def _hg_layer(x, edge_index, W):
    t = _logmap0(x)
    m = t @ W
    src = edge_index[0]
    dst = edge_index[1]
    agg = jnp.zeros_like(m).at[dst].add(m[src]) + m
    deg = jnp.zeros((m.shape[0], 1), dtype=m.dtype).at[dst].add(1.0) + 1.0
    return _expmap0(agg / deg)


def setup_inputs(seed: int = 0):
    key = jax.random.key(seed)
    ks = jax.random.split(key, 7)
    edge_index = jax.random.randint(ks[0], (2, E), 0, N, dtype=jnp.int32)
    emb_weight = jax.random.normal(ks[1], (N, D), dtype=jnp.float32) * 0.1
    T_weight = jax.random.uniform(ks[2], (NUM_TAGS, D), dtype=jnp.float32, minval=-0.1, maxval=0.1)
    ugr_weight = jax.random.normal(ks[3], (NUM_USERS, D), dtype=jnp.float32) * 0.1
    raw = jax.random.uniform(ks[4], (NUM_ITEMS, NUM_TAGS), dtype=jnp.float32)
    sps = raw / jnp.sum(raw, axis=1, keepdims=True)
    W1 = jax.random.normal(ks[5], (D, D), dtype=jnp.float32) / np.sqrt(D)
    W2 = jax.random.normal(ks[6], (D, D), dtype=jnp.float32) / np.sqrt(D)
    return {"edge_index": edge_index, "emb_weight": emb_weight, "T_weight": T_weight, "ugr_weight": ugr_weight, "sps": sps, "W1": W1, "W2": W2}


def reference(edge_index, emb_weight, T_weight, ugr_weight, sps, W1, W2):
    # TaxoRec.encode(adj)
    x1 = _projx(emb_weight)
    h_in = _hg_layer(x1, edge_index, W1)
    emb_tag = _projx(T_weight)
    emb_tag_in = _projx(ugr_weight)
    emb_tag_out = _hyper_agg(sps, emb_tag)
    x2 = jnp.concatenate([emb_tag_in, emb_tag_out], axis=0)
    h_gr = _hg_layer(x2, edge_index, W2)
    return jnp.concatenate([h_in, h_gr], axis=-1)

if __name__ == "__main__":
    import jax
    _d = setup_inputs()
    print(jax.jit(kernel)(*tuple(_d.values())))

</pallas_src>

<mosaic_0001>
#map = affine_map<(d0, d1) -> (0, 0)>
module attributes {stable_mosaic.version = 14 : i64} {
  func.func @scatter_kernel(%arg0: i32, %arg1: i32, %arg2: memref<10000x144xf32, #tpu.memory_space<hbm>>, %arg3: memref<4000x80xi32, #tpu.memory_space<hbm>>, %arg4: memref<4000x80xi32, #tpu.memory_space<hbm>>, %arg5: memref<625x144xf32, #tpu.memory_space<hbm>>, %arg6: memref<10000x144xf32, #tpu.memory_space<hbm>>, %arg7: memref<10000x144xf32, #tpu.memory_space<hbm>>, %arg8: memref<5x80xi32, #tpu.memory_space<vmem>>, %arg9: memref<5x80xi32, #tpu.memory_space<vmem>>, %arg10: memref<5x80xi32, #tpu.memory_space<vmem>>, %arg11: memref<5x80xi32, #tpu.memory_space<vmem>>, %arg12: memref<5x80xi32, #tpu.memory_space<vmem>>, %arg13: memref<5x80xi32, #tpu.memory_space<vmem>>, %arg14: memref<80x144xf32, #tpu.memory_space<vmem>>, %arg15: memref<80x144xf32, #tpu.memory_space<vmem>>, %arg16: memref<80x144xf32, #tpu.memory_space<vmem>>, %arg17: memref<10000x144xf32, #tpu.memory_space<vmem_shared>>, %arg18: memref<!tpu.dma_semaphore, #tpu.memory_space<semaphore_mem>>, %arg19: memref<!tpu.dma_semaphore, #tpu.memory_space<semaphore_mem>>, %arg20: memref<!tpu.dma_semaphore, #tpu.memory_space<semaphore_mem>>, %arg21: memref<!tpu.dma_semaphore, #tpu.memory_space<semaphore_mem>>, %arg22: memref<!tpu.dma_semaphore, #tpu.memory_space<semaphore_mem>>, %arg23: memref<!tpu.dma_semaphore, #tpu.memory_space<semaphore_mem>>, %arg24: memref<!tpu.dma_semaphore, #tpu.memory_space<semaphore_mem>>, %arg25: memref<!tpu.dma_semaphore, #tpu.memory_space<semaphore_mem>>, %arg26: memref<!tpu.dma_semaphore, #tpu.memory_space<semaphore_mem>>) attributes {dimension_semantics = [#tpu.dimension_semantics<core_parallel>, #tpu.dimension_semantics<subcore_parallel>], iteration_bounds = array<i64: 2, 16>, scalar_prefetch = 0 : i64, scratch_operands = 19 : i64, tpu.core_type = #tpu.core_type<sc_vector_subcore>, window_params = [{transform_indices = #map}, {transform_indices = #map}, {transform_indices = #map}, {transform_indices = #map}, {transform_indices = #map}, {transform_indices = #map}]} {
    %mul3A = arith.constant 625 : i32
    %mul3A_0 = arith.muli %arg1, %mul3A : i32
    %mul3A_1 = arith.constant 2000 : i32
    %mul3A_2 = arith.muli %arg0, %mul3A_1 : i32
    %mul3A_3 = arith.constant 125 : i32
    %mul3A_4 = arith.muli %arg1, %mul3A_3 : i32
    %add3A = arith.addi %mul3A_2, %mul3A_4 : i32
    "tpu.region"() ({
      %run_scoped3A = tpu.sem_alloc : memref<!tpu.dma_semaphore, #tpu.memory_space<semaphore_mem>>
      %dma_start3A_183 = arith.constant 0 : i32
      %dma_start3A_184 = tpu.memref_slice %arg17[%mul3A_0, %dma_start3A_183] : memref<10000x144xf32, #tpu.memory_space<vmem_shared>> -> memref<625x144xf32, #tpu.memory_space<vmem_shared>>
      tpu.enqueue_dma source(%arg5 : memref<625x144xf32, #tpu.memory_space<hbm>>) target(%dma_start3A_184 : memref<625x144xf32, #tpu.memory_space<vmem_shared>>) target_semaphore(%run_scoped3A : memref<!tpu.dma_semaphore, #tpu.memory_space<semaphore_mem>>)
      %dma_wait3A_185 = arith.constant 0 : i32
      %dma_wait3A_186 = tpu.memref_slice %arg17[%mul3A_0, %dma_wait3A_185] : memref<10000x144xf32, #tpu.memory_space<vmem_shared>> -> memref<625x144xf32, #tpu.memory_space<vmem_shared>>
      tpu.wait_dma2 semaphore(%run_scoped3A : memref<!tpu.dma_semaphore, #tpu.memory_space<semaphore_mem>>) src(%arg5 : memref<625x144xf32, #tpu.memory_space<hbm>>) dst(%dma_wait3A_186 : memref<625x144xf32, #tpu.memory_space<vmem_shared>>)
      tpu.yield
    }) : () -> ()
    "tpu.region"() ({
      %run_scoped3A = tpu.sem_alloc : memref<!tpu.dma_semaphore, #tpu.memory_space<semaphore_mem>>
      %dma_start3A_183 = arith.constant 0 : i32
      %dma_start3A_184 = tpu.memref_slice %arg3[%add3A, %dma_start3A_183] : memref<4000x80xi32, #tpu.memory_space<hbm>> -> memref<5x80xi32, #tpu.memory_space<hbm>>
      %dma_start3A_185 = arith.constant 0 : i32
      %dma_start3A_186 = tpu.memref_slice %arg3[%add3A, %dma_start3A_185] : memref<4000x80xi32, #tpu.memory_space<hbm>> -> memref<5x80xi32, #tpu.memory_space<hbm>>
      tpu.enqueue_dma source(%dma_start3A_186 : memref<5x80xi32, #tpu.memory_space<hbm>>) target(%arg8 : memref<5x80xi32, #tpu.memory_space<vmem>>) target_semaphore(%run_scoped3A : memref<!tpu.dma_semaphore, #tpu.memory_space<semaphore_mem>>)
      %dma_wait3A_187 = arith.constant 0 : i32
      %dma_wait3A_188 = tpu.memref_slice %arg3[%add3A, %dma_wait3A_187] : memref<4000x80xi32, #tpu.memory_space<hbm>> -> memref<5x80xi32, #tpu.memory_space<hbm>>
      %dma_wait3A_189 = arith.constant 0 : i32
      %dma_wait3A_190 = tpu.memref_slice %arg3[%add3A, %dma_wait3A_189] : memref<4000x80xi32, #tpu.memory_space<hbm>> -> memref<5x80xi32, #tpu.memory_space<hbm>>
      tpu.wait_dma2 semaphore(%run_scoped3A : memref<!tpu.dma_semaphore, #tpu.memory_space<semaphore_mem>>) src(%dma_wait3A_190 : memref<5x80xi32, #tpu.memory_space<hbm>>) dst(%arg8 : memref<5x80xi32, #tpu.memory_space<vmem>>)
      tpu.yield
    }) : () -> ()
    "tpu.region"() ({
      %run_scoped3A = tpu.sem_alloc : memref<!tpu.dma_semaphore, #tpu.memory_space<semaphore_mem>>
      %dma_start3A_183 = arith.constant 0 : i32
      %dma_start3A_184 = tpu.memref_slice %arg4[%add3A, %dma_start3A_183] : memref<4000x80xi32, #tpu.memory_space<hbm>> -> memref<5x80xi32, #tpu.memory_space<hbm>>
      %dma_start3A_185 = arith.constant 0 : i32
      %dma_start3A_186 = tpu.memref_slice %arg4[%add3A, %dma_start3A_185] : memref<4000x80xi32, #tpu.memory_space<hbm>> -> memref<5x80xi32, #tpu.memory_space<hbm>>
      tpu.enqueue_dma source(%dma_start3A_186 : memref<5x80xi32, #tpu.memory_space<hbm>>) target(%arg11 : memref<5x80xi32, #tpu.memory_space<vmem>>) target_semaphore(%run_scoped3A : memref<!tpu.dma_semaphore, #tpu.memory_space<semaphore_mem>>)
      %dma_wait3A_187 = arith.constant 0 : i32
      %dma_wait3A_188 = tpu.memref_slice %arg4[%add3A, %dma_wait3A_187] : memref<4000x80xi32, #tpu.memory_space<hbm>> -> memref<5x80xi32, #tpu.memory_space<hbm>>
      %dma_wait3A_189 = arith.constant 0 : i32
      %dma_wait3A_190 = tpu.memref_slice %arg4[%add3A, %dma_wait3A_189] : memref<4000x80xi32, #tpu.memory_space<hbm>> -> memref<5x80xi32, #tpu.memory_space<hbm>>
      tpu.wait_dma2 semaphore(%run_scoped3A : memref<!tpu.dma_semaphore, #tpu.memory_space<semaphore_mem>>) src(%dma_wait3A_190 : memref<5x80xi32, #tpu.memory_space<hbm>>) dst(%arg11 : memref<5x80xi32, #tpu.memory_space<vmem>>)
      tpu.yield
    }) : () -> ()
    %dma_start3A = arith.constant 0 : i32
    %dma_start3A_5 = arith.constant 0 : i32
    %dma_start3A_6 = tpu.memref_slice %arg8[%dma_start3A, %dma_start3A_5] : memref<5x80xi32, #tpu.memory_space<vmem>> -> memref<1x80xi32, #tpu.memory_space<vmem>>
    %dma_start3A_7 = tpu.memref_squeeze %dma_start3A_6 : memref<1x80xi32, #tpu.memory_space<vmem>> -> memref<80xi32, #tpu.memory_space<vmem>>
    %dma_start3A_8 = arith.constant 0 : i32
    %dma_start3A_9 = arith.constant 0 : i32
    %dma_start3A_10 = tpu.memref_slice %arg2[%dma_start3A_8, %dma_start3A_9] : memref<10000x144xf32, #tpu.memory_space<hbm>> -> memref<10000x144xf32, #tpu.memory_space<hbm>>
    tpu.enqueue_indirect_dma source(%dma_start3A_10 : memref<10000x144xf32, #tpu.memory_space<hbm>>) target(%arg14 : memref<80x144xf32, #tpu.memory_space<vmem>>) offsets(%dma_start3A_7 : memref<80xi32, #tpu.memory_space<vmem>>) semaphore(%arg18 : memref<!tpu.dma_semaphore, #tpu.memory_space<semaphore_mem>>)
    %dma_start3A_11 = arith.constant 1 : i32
    %dma_start3A_12 = arith.constant 0 : i32
    %dma_start3A_13 = tpu.memref_slice %arg8[%dma_start3A_11, %dma_start3A_12] : memref<5x80xi32, #tpu.memory_space<vmem>> -> memref<1x80xi32, #tpu.memory_space<vmem>>
    %dma_start3A_14 = tpu.memref_squeeze %dma_start3A_13 : memref<1x80xi32, #tpu.memory_space<vmem>> -> memref<80xi32, #tpu.memory_space<vmem>>
    %dma_start3A_15 = arith.constant 0 : i32
    %dma_start3A_16 = arith.constant 0 : i32
    %dma_start3A_17 = tpu.memref_slice %arg2[%dma_start3A_15, %dma_start3A_16] : memref<10000x144xf32, #tpu.memory_space<hbm>> -> memref<10000x144xf32, #tpu.memory_space<hbm>>
    tpu.enqueue_indirect_dma source(%dma_start3A_17 : memref<10000x144xf32, #tpu.memory_space<hbm>>) target(%arg15 : memref<80x144xf32, #tpu.memory_space<vmem>>) offsets(%dma_start3A_14 : memref<80xi32, #tpu.memory_space<vmem>>) semaphore(%arg19 : memref<!tpu.dma_semaphore, #tpu.memory_space<semaphore_mem>>)
    %add3A_18 = arith.constant 5 : i32
    %add3A_19 = arith.addi %add3A, %add3A_18 : i32
    %dma_start3A_20 = arith.constant 0 : i32
    %dma_start3A_21 = tpu.memref_slice %arg3[%add3A_19, %dma_start3A_20] : memref<4000x80xi32, #tpu.memory_space<hbm>> -> memref<5x80xi32, #tpu.memory_space<hbm>>
    %dma_start3A_22 = arith.constant 0 : i32
    %dma_start3A_23 = tpu.memref_slice %arg3[%add3A_19, %dma_start3A_22] : memref<4000x80xi32, #tpu.memory_space<hbm>> -> memref<5x80xi32, #tpu.memory_space<hbm>>
    tpu.enqueue_dma source(%dma_start3A_23 : memref<5x80xi32, #tpu.memory_space<hbm>>) target(%arg9 : memref<5x80xi32, #tpu.memory_space<vmem>>) target_semaphore(%arg25 : memref<!tpu.dma_semaphore, #tpu.memory_space<semaphore_mem>>)
    %dma_start3A_24 = arith.constant 0 : i32
    %dma_start3A_25 = tpu.memref_slice %arg4[%add3A_19, %dma_start3A_24] : memref<4000x80xi32, #tpu.memory_space<hbm>> -> memref<5x80xi32, #tpu.memory_space<hbm>>
    %dma_start3A_26 = arith.constant 0 : i32
    %dma_start3A_27 = tpu.memref_slice %arg4[%add3A_19, %dma_start3A_26] : memref<4000x80xi32, #tpu.memory_space<hbm>> -> memref<5x80xi32, #tpu.memory_space<hbm>>
    tpu.enqueue_dma source(%dma_start3A_27 : memref<5x80xi32, #tpu.memory_space<hbm>>) target(%arg12 : memref<5x80xi32, #tpu.memory_space<vmem>>) target_semaphore(%arg25 : memref<!tpu.dma_semaphore, #tpu.memory_space<semaphore_mem>>)
    %add3A_28 = arith.constant 10 : i32
    %add3A_29 = arith.addi %add3A, %add3A_28 : i32
    %dma_start3A_30 = arith.constant 0 : i32
    %dma_start3A_31 = tpu.memref_slice %arg3[%add3A_29, %dma_start3A_30] : memref<4000x80xi32, #tpu.memory_space<hbm>> -> memref<5x80xi32, #tpu.memory_space<hbm>>
    %dma_start3A_32 = arith.constant 0 : i32
    %dma_start3A_33 = tpu.memref_slice %arg3[%add3A_29, %dma_start3A_32] : memref<4000x80xi32, #tpu.memory_space<hbm>> -> memref<5x80xi32, #tpu.memory_space<hbm>>
    tpu.enqueue_dma source(%dma_start3A_33 : memref<5x80xi32, #tpu.memory_space<hbm>>) target(%arg10 : memref<5x80xi32, #tpu.memory_space<vmem>>) target_semaphore(%arg26 : memref<!tpu.dma_semaphore, #tpu.memory_space<semaphore_mem>>)
    %dma_start3A_34 = arith.constant 0 : i32
    %dma_start3A_35 = tpu.memref_slice %arg4[%add3A_29, %dma_start3A_34] : memref<4000x80xi32, #tpu.memory_space<hbm>> -> memref<5x80xi32, #tpu.memory_space<hbm>>
    %dma_start3A_36 = arith.constant 0 : i32
    %dma_start3A_37 = tpu.memref_slice %arg4[%add3A_29, %dma_start3A_36] : memref<4000x80xi32, #tpu.memory_space<hbm>> -> memref<5x80xi32, #tpu.memory_space<hbm>>
    tpu.enqueue_dma source(%dma_start3A_37 : memref<5x80xi32, #tpu.memory_space<hbm>>) target(%arg13 : memref<5x80xi32, #tpu.memory_space<vmem>>) target_semaphore(%arg26 : memref<!tpu.dma_semaphore, #tpu.memory_space<semaphore_mem>>)
    %barrier3A = arith.constant 0 : index
    tpu.barrier barrier_id(%barrier3A)
    %scan3A = arith.constant 0 : i32
    %scan3A_38 = arith.constant 0 : i32
    %scan3A_39 = arith.constant 8 : i32
    %scan3A_40 = arith.addi %scan3A_38, %scan3A_39 : i32
    %scan3A_41 = arith.constant 1 : i32
    scf.for %scan3A_183 = %scan3A_38 to %scan3A_40 step %scan3A_41  : i32 {
      %mul3A_184 = arith.constant 15 : i32
      %mul3A_185 = arith.muli %scan3A_183, %mul3A_184 : i32
      %add3A_186 = arith.addi %add3A, %mul3A_185 : i32
      %mul3A_187 = arith.constant 15 : i32
      %mul3A_188 = arith.muli %scan3A_183, %mul3A_187 : i32
      %add3A_189 = arith.constant 5 : i32
      %add3A_190 = arith.addi %add3A_186, %add3A_189 : i32
      %dma_wait3A_191 = arith.constant 0 : i32
      %dma_wait3A_192 = arith.constant 0 : i32
      %dma_wait3A_193 = tpu.memref_slice %arg8[%dma_wait3A_191, %dma_wait3A_192] : memref<5x80xi32, #tpu.memory_space<vmem>> -> memref<1x80xi32, #tpu.memory_space<vmem>>
      %dma_wait3A_194 = tpu.memref_squeeze %dma_wait3A_193 : memref<1x80xi32, #tpu.memory_space<vmem>> -> memref<80xi32, #tpu.memory_space<vmem>>
      %dma_wait3A_195 = arith.constant 0 : i32
      %dma_wait3A_196 = arith.constant 0 : i32
      %dma_wait3A_197 = tpu.memref_slice %arg2[%dma_wait3A_195, %dma_wait3A_196] : memref<10000x144xf32, #tpu.memory_space<hbm>> -> memref<10000x144xf32, #tpu.memory_space<hbm>>
      tpu.wait_indirect_dma semaphore(%arg18 : memref<!tpu.dma_semaphore, #tpu.memory_space<semaphore_mem>>) src(%dma_wait3A_197 : memref<10000x144xf32, #tpu.memory_space<hbm>>) dst(%arg14 : memref<80x144xf32, #tpu.memory_space<vmem>>)
      %gt3A = arith.constant 0 : i32
      %gt3A_198 = arith.cmpi sgt, %mul3A_188, %gt3A : i32
      %convert_element_type3A_199 = arith.extui %gt3A_198 : i1 to i32
      %cond3A_200 = arith.constant 0 : i32
      %cond3A_201 = arith.cmpi ne, %convert_element_type3A_199, %cond3A_200 : i32
      scf.if %cond3A_201 {
        %dma_wait3A_659 = arith.constant 0 : i32
        %dma_wait3A_660 = arith.constant 0 : i32
        %dma_wait3A_661 = tpu.memref_slice %arg11[%dma_wait3A_659, %dma_wait3A_660] : memref<5x80xi32, #tpu.memory_space<vmem>> -> memref<1x80xi32, #tpu.memory_space<vmem>>
        %dma_wait3A_662 = tpu.memref_squeeze %dma_wait3A_661 : memref<1x80xi32, #tpu.memory_space<vmem>> -> memref<80xi32, #tpu.memory_space<vmem>>
        %dma_wait3A_663 = arith.constant 0 : i32
        %dma_wait3A_664 = arith.constant 0 : i32
        %dma_wait3A_665 = tpu.memref_slice %arg17[%dma_wait3A_663, %dma_wait3A_664] : memref<10000x144xf32, #tpu.memory_space<vmem_shared>> -> memref<10000x144xf32, #tpu.memory_space<vmem_shared>>
        tpu.wait_indirect_dma semaphore(%arg23 : memref<!tpu.dma_semaphore, #tpu.memory_space<semaphore_mem>>) src(%arg16 : memref<80x144xf32, #tpu.memory_space<vmem>>) dst(%dma_wait3A_665 : memref<10000x144xf32, #tpu.memory_space<vmem_shared>>)
      } else {
      }
      %dma_start3A_202 = arith.constant 2 : i32
      %dma_start3A_203 = arith.constant 0 : i32
      %dma_start3A_204 = tpu.memref_slice %arg8[%dma_start3A_202, %dma_start3A_203] : memref<5x80xi32, #tpu.memory_space<vmem>> -> memref<1x80xi32, #tpu.memory_space<vmem>>
      %dma_start3A_205 = tpu.memref_squeeze %dma_start3A_204 : memref<1x80xi32, #tpu.memory_space<vmem>> -> memref<80xi32, #tpu.memory_space<vmem>>
      %dma_start3A_206 = arith.constant 0 : i32
      %dma_start3A_207 = arith.constant 0 : i32
      %dma_start3A_208 = tpu.memref_slice %arg2[%dma_start3A_206, %dma_start3A_207] : memref<10000x144xf32, #tpu.memory_space<hbm>> -> memref<10000x144xf32, #tpu.memory_space<hbm>>
      tpu.enqueue_indirect_dma source(%dma_start3A_208 : memref<10000x144xf32, #tpu.memory_space<hbm>>) target(%arg16 : memref<80x144xf32, #tpu.memory_space<vmem>>) offsets(%dma_start3A_205 : memref<80xi32, #tpu.memory_space<vmem>>) semaphore(%arg20 : memref<!tpu.dma_semaphore, #tpu.memory_space<semaphore_mem>>)
      %dma_start3A_209 = arith.constant 0 : i32
      %dma_start3A_210 = arith.constant 0 : i32
      %dma_start3A_211 = tpu.memref_slice %arg11[%dma_start3A_209, %dma_start3A_210] : memref<5x80xi32, #tpu.memory_space<vmem>> -> memref<1x80xi32, #tpu.memory_space<vmem>>
      %dma_start3A_212 = tpu.memref_squeeze %dma_start3A_211 : memref<1x80xi32, #tpu.memory_space<vmem>> -> memref<80xi32, #tpu.memory_space<vmem>>
      %dma_start3A_213 = arith.constant 0 : i32
      %dma_start3A_214 = arith.constant 0 : i32
      %dma_start3A_215 = tpu.memref_slice %arg17[%dma_start3A_213, %dma_start3A_214] : memref<10000x144xf32, #tpu.memory_space<vmem_shared>> -> memref<10000x144xf32, #tpu.memory_space<vmem_shared>>
      tpu.enqueue_indirect_dma source(%arg14 : memref<80x144xf32, #tpu.memory_space<vmem>>) target(%dma_start3A_215 : memref<10000x144xf32, #tpu.memory_space<vmem_shared>>) offsets(%dma_start3A_212 : memref<80xi32, #tpu.memory_space<vmem>>) semaphore(%arg21 : memref<!tpu.dma_semaphore, #tpu.memory_space<semaphore_mem>>) {add = true}
      %dma_wait3A_216 = arith.constant 1 : i32
      %dma_wait3A_217 = arith.constant 0 : i32
      %dma_wait3A_218 = tpu.memref_slice %arg8[%dma_wait3A_216, %dma_wait3A_217] : memref<5x80xi32, #tpu.memory_space<vmem>> -> memref<1x80xi32, #tpu.memory_space<vmem>>
      %dma_wait3A_219 = tpu.memref_squeeze %dma_wait3A_218 : memref<1x80xi32, #tpu.memory_space<vmem>> -> memref<80xi32, #tpu.memory_space<vmem>>
      %dma_wait3A_220 = arith.constant 0 : i32
      %dma_wait3A_221 = arith.constant 0 : i32
      %dma_wait3A_222 = tpu.memref_slice %arg2[%dma_wait3A_220, %dma_wait3A_221] : memref<10000x144xf32, #tpu.memory_space<hbm>> -> memref<10000x144xf32, #tpu.memory_space<hbm>>
      tpu.wait_indirect_dma semaphore(%arg19 : memref<!tpu.dma_semaphore, #tpu.memory_space<semaphore_mem>>) src(%dma_wait3A_222 : memref<10000x144xf32, #tpu.memory_space<hbm>>) dst(%arg15 : memref<80x144xf32, #tpu.memory_space<vmem>>)
      %dma_wait3A_223 = arith.constant 0 : i32
      %dma_wait3A_224 = arith.constant 0 : i32
      %dma_wait3A_225 = tpu.memref_slice %arg11[%dma_wait3A_223, %dma_wait3A_224] : memref<5x80xi32, #tpu.memory_space<vmem>> -> memref<1x80xi32, #tpu.memory_space<vmem>>
      %dma_wait3A_226 = tpu.memref_squeeze %dma_wait3A_225 : memref<1x80xi32, #tpu.memory_space<vmem>> -> memref<80xi32, #tpu.memory_space<vmem>>
      %dma_wait3A_227 = arith.constant 0 : i32
      %dma_wait3A_228 = arith.constant 0 : i32
      %dma_wait3A_229 = tpu.memref_slice %arg17[%dma_wait3A_227, %dma_wait3A_228] : memref<10000x144xf32, #tpu.memory_space<vmem_shared>> -> memref<10000x144xf32, #tpu.memory_space<vmem_shared>>
      tpu.wait_indirect_dma semaphore(%arg21 : memref<!tpu.dma_semaphore, #tpu.memory_space<semaphore_mem>>) src(%arg14 : memref<80x144xf32, #tpu.memory_space<vmem>>) dst(%dma_wait3A_229 : memref<10000x144xf32, #tpu.memory_space<vmem_shared>>)
      %dma_start3A_230 = arith.constant 3 : i32
      %dma_start3A_231 = arith.constant 0 : i32
      %dma_start3A_232 = tpu.memref_slice %arg8[%dma_start3A_230, %dma_start3A_231] : memref<5x80xi32, #tpu.memory_space<vmem>> -> memref<1x80xi32, #tpu.memory_space<vmem>>
      %dma_start3A_233 = tpu.memref_squeeze %dma_start3A_232 : memref<1x80xi32, #tpu.memory_space<vmem>> -> memref<80xi32, #tpu.memory_space<vmem>>
      %dma_start3A_234 = arith.constant 0 : i32
      %dma_start3A_235 = arith.constant 0 : i32
      %dma_start3A_236 = tpu.memref_slice %arg2[%dma_start3A_234, %dma_start3A_235] : memref<10000x144xf32, #tpu.memory_space<hbm>> -> memref<10000x144xf32, #tpu.memory_space<hbm>>
      tpu.enqueue_indirect_dma source(%dma_start3A_236 : memref<10000x144xf32, #tpu.memory_space<hbm>>) target(%arg14 : memref<80x144xf32, #tpu.memory_space<vmem>>) offsets(%dma_start3A_233 : memref<80xi32, #tpu.memory_space<vmem>>) semaphore(%arg18 : memref<!tpu.dma_semaphore, #tpu.memory_space<semaphore_mem>>)
      %dma_start3A_237 = arith.constant 1 : i32
      %dma_start3A_238 = arith.constant 0 : i32
      %dma_start3A_239 = tpu.memref_slice %arg11[%dma_start3A_237, %dma_start3A_238] : memref<5x80xi32, #tpu.memory_space<vmem>> -> memref<1x80xi32, #tpu.memory_space<vmem>>
      %dma_start3A_240 = tpu.memref_squeeze %dma_start3A_239 : memref<1x80xi32, #tpu.memory_space<vmem>> -> memref<80xi32, #tpu.memory_space<vmem>>
      %dma_start3A_241 = arith.constant 0 : i32
      %dma_start3A_242 = arith.constant 0 : i32
      %dma_start3A_243 = tpu.memref_slice %arg17[%dma_start3A_241, %dma_start3A_242] : memref<10000x144xf32, #tpu.memory_space<vmem_shared>> -> memref<10000x144xf32, #tpu.memory_space<vmem_shared>>
      tpu.enqueue_indirect_dma source(%arg15 : memref<80x144xf32, #tpu.memory_space<vmem>>) target(%dma_start3A_243 : memref<10000x144xf32, #tpu.memory_space<vmem_shared>>) offsets(%dma_start3A_240 : memref<80xi32, #tpu.memory_space<vmem>>) semaphore(%arg22 : memref<!tpu.dma_semaphore, #tpu.memory_space<semaphore_mem>>) {add = true}
      %dma_wait3A_244 = arith.constant 2 : i32
      %dma_wait3A_245 = arith.constant 0 : i32
      %dma_wait3A_246 = tpu.memref_slice %arg8[%dma_wait3A_244, %dma_wait3A_245] : memref<5x80xi32, #tpu.memory_space<vmem>> -> memref<1x80xi32, #tpu.memory_space<vmem>>
      %dma_wait3A_247 = tpu.memref_squeeze %dma_wait3A_246 : memref<1x80xi32, #tpu.memory_space<vmem>> -> memref<80xi32, #tpu.memory_space<vmem>>
      %dma_wait3A_248 = arith.constant 0 : i32
      %dma_wait3A_249 = arith.constant 0 : i32
      %dma_wait3A_250 = tpu.memref_slice %arg2[%dma_wait3A_248, %dma_wait3A_249] : memref<10000x144xf32, #tpu.memory_space<hbm>> -> memref<10000x144xf32, #tpu.memory_space<hbm>>
      tpu.wait_indirect_dma semaphore(%arg20 : memref<!tpu.dma_semaphore, #tpu.memory_space<semaphore_mem>>) src(%dma_wait3A_250 : memref<10000x144xf32, #tpu.memory_space<hbm>>) dst(%arg16 : memref<80x144xf32, #tpu.memory_space<vmem>>)
      %dma_wait3A_251 = arith.constant 0 : i32
      %dma_wait3A_252 = arith.constant 0 : i32
      %dma_wait3A_253 = tpu.memref_slice %arg11[%dma_wait3A_251, %dma_wait3A_252] : memref<5x80xi32, #tpu.memory_space<vmem>> -> memref<1x80xi32, #tpu.memory_space<vmem>>
      %dma_wait3A_254 = tpu.memref_squeeze %dma_wait3A_253 : memref<1x80xi32, #tpu.memory_space<vmem>> -> memref<80xi32, #tpu.memory_space<vmem>>
      %dma_wait3A_255 = arith.constant 0 : i32
      %dma_wait3A_256 = arith.constant 0 : i32
      %dma_wait3A_257 = tpu.memref_slice %arg17[%dma_wait3A_255, %dma_wait3A_256] : memref<10000x144xf32, #tpu.memory_space<vmem_shared>> -> memref<10000x144xf32, #tpu.memory_space<vmem_shared>>
      tpu.wait_indirect_dma semaphore(%arg22 : memref<!tpu.dma_semaphore, #tpu.memory_space<semaphore_mem>>) src(%arg15 : memref<80x144xf32, #tpu.memory_space<vmem>>) dst(%dma_wait3A_257 : memref<10000x144xf32, #tpu.memory_space<vmem_shared>>)
      %dma_start3A_258 = arith.constant 4 : i32
      %dma_start3A_259 = arith.constant 0 : i32
      %dma_start3A_260 = tpu.memref_slice %arg8[%dma_start3A_258, %dma_start3A_259] : memref<5x80xi32, #tpu.memory_space<vmem>> -> memref<1x80xi32, #tpu.memory_space<vmem>>
      %dma_start3A_261 = tpu.memref_squeeze %dma_start3A_260 : memref<1x80xi32, #tpu.memory_space<vmem>> -> memref<80xi32, #tpu.memory_space<vmem>>
      %dma_start3A_262 = arith.constant 0 : i32
      %dma_start3A_263 = arith.constant 0 : i32
      %dma_start3A_264 = tpu.memref_slice %arg2[%dma_start3A_262, %dma_start3A_263] : memref<10000x144xf32, #tpu.memory_space<hbm>> -> memref<10000x144xf32, #tpu.memory_space<hbm>>
      tpu.enqueue_indirect_dma source(%dma_start3A_264 : memref<10000x144xf32, #tpu.memory_space<hbm>>) target(%arg15 : memref<80x144xf32, #tpu.memory_space<vmem>>) offsets(%dma_start3A_261 : memref<80xi32, #tpu.memory_space<vmem>>) semaphore(%arg19 : memref<!tpu.dma_semaphore, #tpu.memory_space<semaphore_mem>>)
      %dma_start3A_265 = arith.constant 2 : i32
      %dma_start3A_266 = arith.constant 0 : i32
      %dma_start3A_267 = tpu.memref_slice %arg11[%dma_start3A_265, %dma_start3A_266] : memref<5x80xi32, #tpu.memory_space<vmem>> -> memref<1x80xi32, #tpu.memory_space<vmem>>
      %dma_start3A_268 = tpu.memref_squeeze %dma_start3A_267 : memref<1x80xi32, #tpu.memory_space<vmem>> -> memref<80xi32, #tpu.memory_space<vmem>>
      %dma_start3A_269 = arith.constant 0 : i32
      %dma_start3A_270 = arith.constant 0 : i32
      %dma_start3A_271 = tpu.memref_slice %arg17[%dma_start3A_269, %dma_start3A_270] : memref<10000x144xf32, #tpu.memory_space<vmem_shared>> -> memref<10000x144xf32, #tpu.memory_space<vmem_shared>>
      tpu.enqueue_indirect_dma source(%arg16 : memref<80x144xf32, #tpu.memory_space<vmem>>) target(%dma_start3A_271 : memref<10000x144xf32, #tpu.memory_space<vmem_shared>>) offsets(%dma_start3A_268 : memref<80xi32, #tpu.memory_space<vmem>>) semaphore(%arg23 : memref<!tpu.dma_semaphore, #tpu.memory_space<semaphore_mem>>) {add = true}
      %dma_wait3A_272 = arith.constant 3 : i32
      %dma_wait3A_273 = arith.constant 0 : i32
      %dma_wait3A_274 = tpu.memref_slice %arg8[%dma_wait3A_272, %dma_wait3A_273] : memref<5x80xi32, #tpu.memory_space<vmem>> -> memref<1x80xi32, #tpu.memory_space<vmem>>
      %dma_wait3A_275 = tpu.memref_squeeze %dma_wait3A_274 : memref<1x80xi32, #tpu.memory_space<vmem>> -> memref<80xi32, #tpu.memory_space<vmem>>
      %dma_wait3A_276 = arith.constant 0 : i32
      %dma_wait3A_277 = arith.constant 0 : i32
      %dma_wait3A_278 = tpu.memref_slice %arg2[%dma_wait3A_276, %dma_wait3A_277] : memref<10000x144xf32, #tpu.memory_space<hbm>> -> memref<10000x144xf32, #tpu.memory_space<hbm>>
      tpu.wait_indirect_dma semaphore(%arg18 : memref<!tpu.dma_semaphore, #tpu.memory_space<semaphore_mem>>) src(%dma_wait3A_278 : memref<10000x144xf32, #tpu.memory_space<hbm>>) dst(%arg14 : memref<80x144xf32, #tpu.memory_space<vmem>>)
      %dma_wait3A_279 = arith.constant 0 : i32
      %dma_wait3A_280 = arith.constant 0 : i32
      %dma_wait3A_281 = tpu.memref_slice %arg11[%dma_wait3A_279, %dma_wait3A_280] : memref<5x80xi32, #tpu.memory_space<vmem>> -> memref<1x80xi32, #tpu.memory_space<vmem>>
      %dma_wait3A_282 = tpu.memref_squeeze %dma_wait3A_281 : memref<1x80xi32, #tpu.memory_space<vmem>> -> memref<80xi32, #tpu.memory_space<vmem>>
      %dma_wait3A_283 = arith.constant 0 : i32
      %dma_wait3A_284 = arith.constant 0 : i32
      %dma_wait3A_285 = tpu.memref_slice %arg17[%dma_wait3A_283, %dma_wait3A_284] : memref<10000x144xf32, #tpu.memory_space<vmem_shared>> -> memref<10000x144xf32, #tpu.memory_space<vmem_shared>>
      tpu.wait_indirect_dma semaphore(%arg23 : memref<!tpu.dma_semaphore, #tpu.memory_space<semaphore_mem>>) src(%arg16 : memref<80x144xf32, #tpu.memory_space<vmem>>) dst(%dma_wait3A_285 : memref<10000x144xf32, #tpu.memory_space<vmem_shared>>)
      %dma_wait3A_286 = arith.constant 0 : i32
      %dma_wait3A_287 = tpu.memref_slice %arg3[%add3A_190, %dma_wait3A_286] : memref<4000x80xi32, #tpu.memory_space<hbm>> -> memref<5x80xi32, #tpu.memory_space<hbm>>
      %dma_wait3A_288 = arith.constant 0 : i32
      %dma_wait3A_289 = tpu.memref_slice %arg3[%add3A_190, %dma_wait3A_288] : memref<4000x80xi32, #tpu.memory_space<hbm>> -> memref<5x80xi32, #tpu.memory_space<hbm>>
      tpu.wait_dma2 semaphore(%arg25 : memref<!tpu.dma_semaphore, #tpu.memory_space<semaphore_mem>>) src(%dma_wait3A_289 : memref<5x80xi32, #tpu.memory_space<hbm>>) dst(%arg9 : memref<5x80xi32, #tpu.memory_space<vmem>>)
      %dma_wait3A_290 = arith.constant 0 : i32
      %dma_wait3A_291 = tpu.memref_slice %arg4[%add3A_190, %dma_wait3A_290] : memref<4000x80xi32, #tpu.memory_space<hbm>> -> memref<5x80xi32, #tpu.memory_space<hbm>>
      %dma_wait3A_292 = arith.constant 0 : i32
      %dma_wait3A_293 = tpu.memref_slice %arg4[%add3A_190, %dma_wait3A_292] : memref<4000x80xi32, #tpu.memory_space<hbm>> -> memref<5x80xi32, #tpu.memory_space<hbm>>
      tpu.wait_dma2 semaphore(%arg25 : memref<!tpu.dma_semaphore, #tpu.memory_space<semaphore_mem>>) src(%dma_wait3A_293 : memref<5x80xi32, #tpu.memory_space<hbm>>) dst(%arg12 : memref<5x80xi32, #tpu.memory_space<vmem>>)
      %dma_start3A_294 = arith.constant 0 : i32
      %dma_start3A_295 = arith.constant 0 : i32
      %dma_start3A_296 = tpu.memref_slice %arg9[%dma_start3A_294, %dma_start3A_295] : memref<5x80xi32, #tpu.memory_space<vmem>> -> memref<1x80xi32, #tpu.memory_space<vmem>>
      %dma_start3A_297 = tpu.memref_squeeze %dma_start3A_296 : memref<1x80xi32, #tpu.memory_space<vmem>> -> memref<80xi32, #tpu.memory_space<vmem>>
      %dma_start3A_298 = arith.constant 0 : i32
      %dma_start3A_299 = arith.constant 0 : i32
      %dma_start3A_300 = tpu.memref_slice %arg2[%dma_start3A_298, %dma_start3A_299] : memref<10000x144xf32, #tpu.memory_space<hbm>> -> memref<10000x144xf32, #tpu.memory_space<hbm>>
      tpu.enqueue_indirect_dma source(%dma_start3A_300 : memref<10000x144xf32, #tpu.memory_space<hbm>>) target(%arg16 : memref<80x144xf32, #tpu.memory_space<vmem>>) offsets(%dma_start3A_297 : memref<80xi32, #tpu.memory_space<vmem>>) semaphore(%arg20 : memref<!tpu.dma_semaphore, #tpu.memory_space<semaphore_mem>>)
      %dma_start3A_301 = arith.constant 3 : i32
      %dma_start3A_302 = arith.constant 0 : i32
      %dma_start3A_303 = tpu.memref_slice %arg11[%dma_start3A_301, %dma_start3A_302] : memref<5x80xi32, #tpu.memory_space<vmem>> -> memref<1x80xi32, #tpu.memory_space<vmem>>
      %dma_start3A_304 = tpu.memref_squeeze %dma_start3A_303 : memref<1x80xi32, #tpu.memory_space<vmem>> -> memref<80xi32, #tpu.memory_space<vmem>>
      %dma_start3A_305 = arith.constant 0 : i32
      %dma_start3A_306 = arith.constant 0 : i32
      %dma_start3A_307 = tpu.memref_slice %arg17[%dma_start3A_305, %dma_start3A_306] : memref<10000x144xf32, #tpu.memory_space<vmem_shared>> -> memref<10000x144xf32, #tpu.memory_space<vmem_shared>>
      tpu.enqueue_indirect_dma source(%arg14 : memref<80x144xf32, #tpu.memory_space<vmem>>) target(%dma_start3A_307 : memref<10000x144xf32, #tpu.memory_space<vmem_shared>>) offsets(%dma_start3A_304 : memref<80xi32, #tpu.memory_space<vmem>>) semaphore(%arg21 : memref<!tpu.dma_semaphore, #tpu.memory_space<semaphore_mem>>) {add = true}
      %dma_wait3A_308 = arith.constant 4 : i32
      %dma_wait3A_309 = arith.constant 0 : i32
      %dma_wait3A_310 = tpu.memref_slice %arg8[%dma_wait3A_308, %dma_wait3A_309] : memref<5x80xi32, #tpu.memory_space<vmem>> -> memref<1x80xi32, #tpu.memory_space<vmem>>
      %dma_wait3A_311 = tpu.memref_squeeze %dma_wait3A_310 : memref<1x80xi32, #tpu.memory_space<vmem>> -> memref<80xi32, #tpu.memory_space<vmem>>
      %dma_wait3A_312 = arith.constant 0 : i32
      %dma_wait3A_313 = arith.constant 0 : i32
      %dma_wait3A_314 = tpu.memref_slice %arg2[%dma_wait3A_312, %dma_wait3A_313] : memref<10000x144xf32, #tpu.memory_space<hbm>> -> memref<10000x144xf32, #tpu.memory_space<hbm>>
      tpu.wait_indirect_dma semaphore(%arg19 : memref<!tpu.dma_semaphore, #tpu.memory_space<semaphore_mem>>) src(%dma_wait3A_314 : memref<10000x144xf32, #tpu.memory_space<hbm>>) dst(%arg15 : memref<80x144xf32, #tpu.memory_space<vmem>>)
      %dma_wait3A_315 = arith.constant 0 : i32
      %dma_wait3A_316 = arith.constant 0 : i32
      %dma_wait3A_317 = tpu.memref_slice %arg11[%dma_wait3A_315, %dma_wait3A_316] : memref<5x80xi32, #tpu.memory_space<vmem>> -> memref<1x80xi32, #tpu.memory_space<vmem>>
      %dma_wait3A_318 = tpu.memref_squeeze %dma_wait3A_317 : memref<1x80xi32, #tpu.memory_space<vmem>> -> memref<80xi32, #tpu.memory_space<vmem>>
      %dma_wait3A_319 = arith.constant 0 : i32
      %dma_wait3A_320 = arith.constant 0 : i32
      %dma_wait3A_321 = tpu.memref_slice %arg17[%dma_wait3A_319, %dma_wait3A_320] : memref<10000x144xf32, #tpu.memory_space<vmem_shared>> -> memref<10000x144xf32, #tpu.memory_space<vmem_shared>>
      tpu.wait_indirect_dma semaphore(%arg21 : memref<!tpu.dma_semaphore, #tpu.memory_space<semaphore_mem>>) src(%arg14 : memref<80x144xf32, #tpu.memory_space<vmem>>) dst(%dma_wait3A_321 : memref<10000x144xf32, #tpu.memory_space<vmem_shared>>)
      %dma_start3A_322 = arith.constant 1 : i32
      %dma_start3A_323 = arith.constant 0 : i32
      %dma_start3A_324 = tpu.memref_slice %arg9[%dma_start3A_322, %dma_start3A_323] : memref<5x80xi32, #tpu.memory_space<vmem>> -> memref<1x80xi32, #tpu.memory_space<vmem>>
      %dma_start3A_325 = tpu.memref_squeeze %dma_start3A_324 : memref<1x80xi32, #tpu.memory_space<vmem>> -> memref<80xi32, #tpu.memory_space<vmem>>
      %dma_start3A_326 = arith.constant 0 : i32
      %dma_start3A_327 = arith.constant 0 : i32
      %dma_start3A_328 = tpu.memref_slice %arg2[%dma_start3A_326, %dma_start3A_327] : memref<10000x144xf32, #tpu.memory_space<hbm>> -> memref<10000x144xf32, #tpu.memory_space<hbm>>
      tpu.enqueue_indirect_dma source(%dma_start3A_328 : memref<10000x144xf32, #tpu.memory_space<hbm>>) target(%arg14 : memref<80x144xf32, #tpu.memory_space<vmem>>) offsets(%dma_start3A_325 : memref<80xi32, #tpu.memory_space<vmem>>) semaphore(%arg18 : memref<!tpu.dma_semaphore, #tpu.memory_space<semaphore_mem>>)
      %dma_start3A_329 = arith.constant 4 : i32
      %dma_start3A_330 = arith.constant 0 : i32
      %dma_start3A_331 = tpu.memref_slice %arg11[%dma_start3A_329, %dma_start3A_330] : memref<5x80xi32, #tpu.memory_space<vmem>> -> memref<1x80xi32, #tpu.memory_space<vmem>>
      %dma_start3A_332 = tpu.memref_squeeze %dma_start3A_331 : memref<1x80xi32, #tpu.memory_space<vmem>> -> memref<80xi32, #tpu.memory_space<vmem>>
      %dma_start3A_333 = arith.constant 0 : i32
      %dma_start3A_334 = arith.constant 0 : i32
      %dma_start3A_335 = tpu.memref_slice %arg17[%dma_start3A_333, %dma_start3A_334] : memref<10000x144xf32, #tpu.memory_space<vmem_shared>> -> memref<10000x144xf32, #tpu.memory_space<vmem_shared>>
      tpu.enqueue_indirect_dma source(%arg15 : memref<80x144xf32, #tpu.memory_space<vmem>>) target(%dma_start3A_335 : memref<10000x144xf32, #tpu.memory_space<vmem_shared>>) offsets(%dma_start3A_332 : memref<80xi32, #tpu.memory_space<vmem>>) semaphore(%arg22 : memref<!tpu.dma_semaphore, #tpu.memory_space<semaphore_mem>>) {add = true}
      %add3A_336 = arith.constant 15 : i32
      %add3A_337 = arith.addi %add3A_186, %add3A_336 : i32
      %dma_start3A_338 = arith.constant 0 : i32
      %dma_start3A_339 = tpu.memref_slice %arg3[%add3A_337, %dma_start3A_338] : memref<4000x80xi32, #tpu.memory_space<hbm>> -> memref<5x80xi32, #tpu.memory_space<hbm>>
      %dma_start3A_340 = arith.constant 0 : i32
      %dma_start3A_341 = tpu.memref_slice %arg3[%add3A_337, %dma_start3A_340] : memref<4000x80xi32, #tpu.memory_space<hbm>> -> memref<5x80xi32, #tpu.memory_space<hbm>>
      tpu.enqueue_dma source(%dma_start3A_341 : memref<5x80xi32, #tpu.memory_space<hbm>>) target(%arg8 : memref<5x80xi32, #tpu.memory_space<vmem>>) target_semaphore(%arg24 : memref<!tpu.dma_semaphore, #tpu.memory_space<semaphore_mem>>)
      %dma_start3A_342 = arith.constant 0 : i32
      %dma_start3A_343 = tpu.memref_slice %arg4[%add3A_337, %dma_start3A_342] : memref<4000x80xi32, #tpu.memory_space<hbm>> -> memref<5x80xi32, #tpu.memory_space<hbm>>
      %dma_start3A_344 = arith.constant 0 : i32
      %dma_start3A_345 = tpu.memref_slice %arg4[%add3A_337, %dma_start3A_344] : memref<4000x80xi32, #tpu.memory_space<hbm>> -> memref<5x80xi32, #tpu.memory_space<hbm>>
      tpu.enqueue_dma source(%dma_start3A_345 : memref<5x80xi32, #tpu.memory_space<hbm>>) target(%arg11 : memref<5x80xi32, #tpu.memory_space<vmem>>) target_semaphore(%arg24 : memref<!tpu.dma_semaphore, #tpu.memory_space<semaphore_mem>>)
      %add3A_346 = arith.constant 5 : i32
      %add3A_347 = arith.addi %mul3A_188, %add3A_346 : i32
      %add3A_348 = arith.constant 10 : i32
      %add3A_349 = arith.addi %add3A_186, %add3A_348 : i32
      %dma_wait3A_350 = arith.constant 0 : i32
      %dma_wait3A_351 = arith.constant 0 : i32
      %dma_wait3A_352 = tpu.memref_slice %arg9[%dma_wait3A_350, %dma_wait3A_351] : memref<5x80xi32, #tpu.memory_space<vmem>> -> memref<1x80xi32, #tpu.memory_space<vmem>>
      %dma_wait3A_353 = tpu.memref_squeeze %dma_wait3A_352 : memref<1x80xi32, #tpu.memory_space<vmem>> -> memref<80xi32, #tpu.memory_space<vmem>>
      %dma_wait3A_354 = arith.constant 0 : i32
      %dma_wait3A_355 = arith.constant 0 : i32
      %dma_wait3A_356 = tpu.memref_slice %arg2[%dma_wait3A_354, %dma_wait3A_355] : memref<10000x144xf32, #tpu.memory_space<hbm>> -> memref<10000x144xf32, #tpu.memory_space<hbm>>
      tpu.wait_indirect_dma semaphore(%arg20 : memref<!tpu.dma_semaphore, #tpu.memory_space<semaphore_mem>>) src(%dma_wait3A_356 : memref<10000x144xf32, #tpu.memory_space<hbm>>) dst(%arg16 : memref<80x144xf32, #tpu.memory_space<vmem>>)
      %dma_wait3A_357 = arith.constant 0 : i32
      %dma_wait3A_358 = arith.constant 0 : i32
      %dma_wait3A_359 = tpu.memref_slice %arg12[%dma_wait3A_357, %dma_wait3A_358] : memref<5x80xi32, #tpu.memory_space<vmem>> -> memref<1x80xi32, #tpu.memory_space<vmem>>
      %dma_wait3A_360 = tpu.memref_squeeze %dma_wait3A_359 : memref<1x80xi32, #tpu.memory_space<vmem>> -> memref<80xi32, #tpu.memory_space<vmem>>
      %dma_wait3A_361 = arith.constant 0 : i32
      %dma_wait3A_362 = arith.constant 0 : i32
      %dma_wait3A_363 = tpu.memref_slice %arg17[%dma_wait3A_361, %dma_wait3A_362] : memref<10000x144xf32, #tpu.memory_space<vmem_shared>> -> memref<10000x144xf32, #tpu.memory_space<vmem_shared>>
      tpu.wait_indirect_dma semaphore(%arg22 : memref<!tpu.dma_semaphore, #tpu.memory_space<semaphore_mem>>) src(%arg15 : memref<80x144xf32, #tpu.memory_space<vmem>>) dst(%dma_wait3A_363 : memref<10000x144xf32, #tpu.memory_space<vmem_shared>>)
      %dma_start3A_364 = arith.constant 2 : i32
      %dma_start3A_365 = arith.constant 0 : i32
      %dma_start3A_366 = tpu.memref_slice %arg9[%dma_start3A_364, %dma_start3A_365] : memref<5x80xi32, #tpu.memory_space<vmem>> -> memref<1x80xi32, #tpu.memory_space<vmem>>
      %dma_start3A_367 = tpu.memref_squeeze %dma_start3A_366 : memref<1x80xi32, #tpu.memory_space<vmem>> -> memref<80xi32, #tpu.memory_space<vmem>>
      %dma_start3A_368 = arith.constant 0 : i32
      %dma_start3A_369 = arith.constant 0 : i32
      %dma_start3A_370 = tpu.memref_slice %arg2[%dma_start3A_368, %dma_start3A_369] : memref<10000x144xf32, #tpu.memory_space<hbm>> -> memref<10000x144xf32, #tpu.memory_space<hbm>>
      tpu.enqueue_indirect_dma source(%dma_start3A_370 : memref<10000x144xf32, #tpu.memory_space<hbm>>) target(%arg15 : memref<80x144xf32, #tpu.memory_space<vmem>>) offsets(%dma_start3A_367 : memref<80xi32, #tpu.memory_space<vmem>>) semaphore(%arg19 : memref<!tpu.dma_semaphore, #tpu.memory_space<semaphore_mem>>)
      %dma_start3A_371 = arith.constant 0 : i32
      %dma_start3A_372 = arith.constant 0 : i32
      %dma_start3A_373 = tpu.memref_slice %arg12[%dma_start3A_371, %dma_start3A_372] : memref<5x80xi32, #tpu.memory_space<vmem>> -> memref<1x80xi32, #tpu.memory_space<vmem>>
      %dma_start3A_374 = tpu.memref_squeeze %dma_start3A_373 : memref<1x80xi32, #tpu.memory_space<vmem>> -> memref<80xi32, #tpu.memory_space<vmem>>
      %dma_start3A_375 = arith.constant 0 : i32
      %dma_start3A_376 = arith.constant 0 : i32
      %dma_start3A_377 = tpu.memref_slice %arg17[%dma_start3A_375, %dma_start3A_376] : memref<10000x144xf32, #tpu.memory_space<vmem_shared>> -> memref<10000x144xf32, #tpu.memory_space<vmem_shared>>
      tpu.enqueue_indirect_dma source(%arg16 : memref<80x144xf32, #tpu.memory_space<vmem>>) target(%dma_start3A_377 : memref<10000x144xf32, #tpu.memory_space<vmem_shared>>) offsets(%dma_start3A_374 : memref<80xi32, #tpu.memory_space<vmem>>) semaphore(%arg23 : memref<!tpu.dma_semaphore, #tpu.memory_space<semaphore_mem>>) {add = true}
      %dma_wait3A_378 = arith.constant 1 : i32
      %dma_wait3A_379 = arith.constant 0 : i32
      %dma_wait3A_380 = tpu.memref_slice %arg9[%dma_wait3A_378, %dma_wait3A_379] : memref<5x80xi32, #tpu.memory_space<vmem>> -> memref<1x80xi32, #tpu.memory_space<vmem>>
      %dma_wait3A_381 = tpu.memref_squeeze %dma_wait3A_380 : memref<1x80xi32, #tpu.memory_space<vmem>> -> memref<80xi32, #tpu.memory_space<vmem>>
      %dma_wait3A_382 = arith.constant 0 : i32
      %dma_wait3A_383 = arith.constant 0 : i32
      %dma_wait3A_384 = tpu.memref_slice %arg2[%dma_wait3A_382, %dma_wait3A_383] : memref<10000x144xf32, #tpu.memory_space<hbm>> -> memref<10000x144xf32, #tpu.memory_space<hbm>>
      tpu.wait_indirect_dma semaphore(%arg18 : memref<!tpu.dma_semaphore, #tpu.memory_space<semaphore_mem>>) src(%dma_wait3A_384 : memref<10000x144xf32, #tpu.memory_space<hbm>>) dst(%arg14 : memref<80x144xf32, #tpu.memory_space<vmem>>)
      %dma_wait3A_385 = arith.constant 0 : i32
      %dma_wait3A_386 = arith.constant 0 : i32
      %dma_wait3A_387 = tpu.memref_slice %arg12[%dma_wait3A_385, %dma_wait3A_386] : memref<5x80xi32, #tpu.memory_space<vmem>> -> memref<1x80xi32, #tpu.memory_space<vmem>>
      %dma_wait3A_388 = tpu.memref_squeeze %dma_wait3A_387 : memref<1x80xi32, #tpu.memory_space<vmem>> -> memref<80xi32, #tpu.memory_space<vmem>>
      %dma_wait3A_389 = arith.constant 0 : i32
      %dma_wait3A_390 = arith.constant 0 : i32
      %dma_wait3A_391 = tpu.memref_slice %arg17[%dma_wait3A_389, %dma_wait3A_390] : memref<10000x144xf32, #tpu.memory_space<vmem_shared>> -> memref<10000x144xf32, #tpu.memory_space<vmem_shared>>
      tpu.wait_indirect_dma semaphore(%arg23 : memref<!tpu.dma_semaphore, #tpu.memory_space<semaphore_mem>>) src(%arg16 : memref<80x144xf32, #tpu.memory_space<vmem>>) dst(%dma_wait3A_391 : memref<10000x144xf32, #tpu.memory_space<vmem_shared>>)
      %dma_start3A_392 = arith.constant 3 : i32
      %dma_start3A_393 = arith.constant 0 : i32
      %dma_start3A_394 = tpu.memref_slice %arg9[%dma_start3A_392, %dma_start3A_393] : memref<5x80xi32, #tpu.memory_space<vmem>> -> memref<1x80xi32, #tpu.memory_space<vmem>>
      %dma_start3A_395 = tpu.memref_squeeze %dma_start3A_394 : memref<1x80xi32, #tpu.memory_space<vmem>> -> memref<80xi32, #tpu.memory_space<vmem>>
      %dma_start3A_396 = arith.constant 0 : i32
      %dma_start3A_397 = arith.constant 0 : i32
      %dma_start3A_398 = tpu.memref_slice %arg2[%dma_start3A_396, %dma_start3A_397] : memref<10000x144xf32, #tpu.memory_space<hbm>> -> memref<10000x144xf32, #tpu.memory_space<hbm>>
      tpu.enqueue_indirect_dma source(%dma_start3A_398 : memref<10000x144xf32, #tpu.memory_space<hbm>>) target(%arg16 : memref<80x144xf32, #tpu.memory_space<vmem>>) offsets(%dma_start3A_395 : memref<80xi32, #tpu.memory_space<vmem>>) semaphore(%arg20 : memref<!tpu.dma_semaphore, #tpu.memory_space<semaphore_mem>>)
      %dma_start3A_399 = arith.constant 1 : i32
      %dma_start3A_400 = arith.constant 0 : i32
      %dma_start3A_401 = tpu.memref_slice %arg12[%dma_start3A_399, %dma_start3A_400] : memref<5x80xi32, #tpu.memory_space<vmem>> -> memref<1x80xi32, #tpu.memory_space<vmem>>
      %dma_start3A_402 = tpu.memref_squeeze %dma_start3A_401 : memref<1x80xi32, #tpu.memory_space<vmem>> -> memref<80xi32, #tpu.memory_space<vmem>>
      %dma_start3A_403 = arith.constant 0 : i32
      %dma_start3A_404 = arith.constant 0 : i32
      %dma_start3A_405 = tpu.memref_slice %arg17[%dma_start3A_403, %dma_start3A_404] : memref<10000x144xf32, #tpu.memory_space<vmem_shared>> -> memref<10000x144xf32, #tpu.memory_space<vmem_shared>>
      tpu.enqueue_indirect_dma source(%arg14 : memref<80x144xf32, #tpu.memory_space<vmem>>) target(%dma_start3A_405 : memref<10000x144xf32, #tpu.memory_space<vmem_shared>>) offsets(%dma_start3A_402 : memref<80xi32, #tpu.memory_space<vmem>>) semaphore(%arg21 : memref<!tpu.dma_semaphore, #tpu.memory_space<semaphore_mem>>) {add = true}
      %dma_wait3A_406 = arith.constant 2 : i32
      %dma_wait3A_407 = arith.constant 0 : i32
      %dma_wait3A_408 = tpu.memref_slice %arg9[%dma_wait3A_406, %dma_wait3A_407] : memref<5x80xi32, #tpu.memory_space<vmem>> -> memref<1x80xi32, #tpu.memory_space<vmem>>
      %dma_wait3A_409 = tpu.memref_squeeze %dma_wait3A_408 : memref<1x80xi32, #tpu.memory_space<vmem>> -> memref<80xi32, #tpu.memory_space<vmem>>
      %dma_wait3A_410 = arith.constant 0 : i32
      %dma_wait3A_411 = arith.constant 0 : i32
      %dma_wait3A_412 = tpu.memref_slice %arg2[%dma_wait3A_410, %dma_wait3A_411] : memref<10000x144xf32, #tpu.memory_space<hbm>> -> memref<10000x144xf32, #tpu.memory_space<hbm>>
      tpu.wait_indirect_dma semaphore(%arg19 : memref<!tpu.dma_semaphore, #tpu.memory_space<semaphore_mem>>) src(%dma_wait3A_412 : memref<10000x144xf32, #tpu.memory_space<hbm>>) dst(%arg15 : memref<80x144xf32, #tpu.memory_space<vmem>>)
      %dma_wait3A_413 = arith.constant 0 : i32
      %dma_wait3A_414 = arith.constant 0 : i32
      %dma_wait3A_415 = tpu.memref_slice %arg12[%dma_wait3A_413, %dma_wait3A_414] : memref<5x80xi32, #tpu.memory_space<vmem>> -> memref<1x80xi32, #tpu.memory_space<vmem>>
      %dma_wait3A_416 = tpu.memref_squeeze %dma_wait3A_415 : memref<1x80xi32, #tpu.memory_space<vmem>> -> memref<80xi32, #tpu.memory_space<vmem>>
      %dma_wait3A_417 = arith.constant 0 : i32
      %dma_wait3A_418 = arith.constant 0 : i32
      %dma_wait3A_419 = tpu.memref_slice %arg17[%dma_wait3A_417, %dma_wait3A_418] : memref<10000x144xf32, #tpu.memory_space<vmem_shared>> -> memref<10000x144xf32, #tpu.memory_space<vmem_shared>>
      tpu.wait_indirect_dma semaphore(%arg21 : memref<!tpu.dma_semaphore, #tpu.memory_space<semaphore_mem>>) src(%arg14 : memref<80x144xf32, #tpu.memory_space<vmem>>) dst(%dma_wait3A_419 : memref<10000x144xf32, #tpu.memory_space<vmem_shared>>)
      %dma_start3A_420 = arith.constant 4 : i32
      %dma_start3A_421 = arith.constant 0 : i32
      %dma_start3A_422 = tpu.memref_slice %arg9[%dma_start3A_420, %dma_start3A_421] : memref<5x80xi32, #tpu.memory_space<vmem>> -> memref<1x80xi32, #tpu.memory_space<vmem>>
      %dma_start3A_423 = tpu.memref_squeeze %dma_start3A_422 : memref<1x80xi32, #tpu.memory_space<vmem>> -> memref<80xi32, #tpu.memory_space<vmem>>
      %dma_start3A_424 = arith.constant 0 : i32
      %dma_start3A_425 = arith.constant 0 : i32
      %dma_start3A_426 = tpu.memref_slice %arg2[%dma_start3A_424, %dma_start3A_425] : memref<10000x144xf32, #tpu.memory_space<hbm>> -> memref<10000x144xf32, #tpu.memory_space<hbm>>
      tpu.enqueue_indirect_dma source(%dma_start3A_426 : memref<10000x144xf32, #tpu.memory_space<hbm>>) target(%arg14 : memref<80x144xf32, #tpu.memory_space<vmem>>) offsets(%dma_start3A_423 : memref<80xi32, #tpu.memory_space<vmem>>) semaphore(%arg18 : memref<!tpu.dma_semaphore, #tpu.memory_space<semaphore_mem>>)
      %dma_start3A_427 = arith.constant 2 : i32
      %dma_start3A_428 = arith.constant 0 : i32
      %dma_start3A_429 = tpu.memref_slice %arg12[%dma_start3A_427, %dma_start3A_428] : memref<5x80xi32, #tpu.memory_space<vmem>> -> memref<1x80xi32, #tpu.memory_space<vmem>>
      %dma_start3A_430 = tpu.memref_squeeze %dma_start3A_429 : memref<1x80xi32, #tpu.memory_space<vmem>> -> memref<80xi32, #tpu.memory_space<vmem>>
      %dma_start3A_431 = arith.constant 0 : i32
      %dma_start3A_432 = arith.constant 0 : i32
      %dma_start3A_433 = tpu.memref_slice %arg17[%dma_start3A_431, %dma_start3A_432] : memref<10000x144xf32, #tpu.memory_space<vmem_shared>> -> memref<10000x144xf32, #tpu.memory_space<vmem_shared>>
      tpu.enqueue_indirect_dma source(%arg15 : memref<80x144xf32, #tpu.memory_space<vmem>>) target(%dma_start3A_433 : memref<10000x144xf32, #tpu.memory_space<vmem_shared>>) offsets(%dma_start3A_430 : memref<80xi32, #tpu.memory_space<vmem>>) semaphore(%arg22 : memref<!tpu.dma_semaphore, #tpu.memory_space<semaphore_mem>>) {add = true}
      %dma_wait3A_434 = arith.constant 3 : i32
      %dma_wait3A_435 = arith.constant 0 : i32
      %dma_wait3A_436 = tpu.memref_slice %arg9[%dma_wait3A_434, %dma_wait3A_435] : memref<5x80xi32, #tpu.memory_space<vmem>> -> memref<1x80xi32, #tpu.memory_space<vmem>>
      %dma_wait3A_437 = tpu.memref_squeeze %dma_wait3A_436 : memref<1x80xi32, #tpu.memory_space<vmem>> -> memref<80xi32, #tpu.memory_space<vmem>>
      %dma_wait3A_438 = arith.constant 0 : i32
      %dma_wait3A_439 = arith.constant 0 : i32
      %dma_wait3A_440 = tpu.memref_slice %arg2[%dma_wait3A_438, %dma_wait3A_439] : memref<10000x144xf32, #tpu.memory_space<hbm>> -> memref<10000x144xf32, #tpu.memory_space<hbm>>
      tpu.wait_indirect_dma semaphore(%arg20 : memref<!tpu.dma_semaphore, #tpu.memory_space<semaphore_mem>>) src(%dma_wait3A_440 : memref<10000x144xf32, #tpu.memory_space<hbm>>) dst(%arg16 : memref<80x144xf32, #tpu.memory_space<vmem>>)
      %dma_wait3A_441 = arith.constant 0 : i32
      %dma_wait3A_442 = arith.constant 0 : i32
      %dma_wait3A_443 = tpu.memref_slice %arg12[%dma_wait3A_441, %dma_wait3A_442] : memref<5x80xi32, #tpu.memory_space<vmem>> -> memref<1x80xi32, #tpu.memory_space<vmem>>
      %dma_wait3A_444 = tpu.memref_squeeze %dma_wait3A_443 : memref<1x80xi32, #tpu.memory_space<vmem>> -> memref<80xi32, #tpu.memory_space<vmem>>
      %dma_wait3A_445 = arith.constant 0 : i32
      %dma_wait3A_446 = arith.constant 0 : i32
      %dma_wait3A_447 = tpu.memref_slice %arg17[%dma_wait3A_445, %dma_wait3A_446] : memref<10000x144xf32, #tpu.memory_space<vmem_shared>> -> memref<10000x144xf32, #tpu.memory_space<vmem_shared>>
      tpu.wait_indirect_dma semaphore(%arg22 : memref<!tpu.dma_semaphore, #tpu.memory_space<semaphore_mem>>) src(%arg15 : memref<80x144xf32, #tpu.memory_space<vmem>>) dst(%dma_wait3A_447 : memref<10000x144xf32, #tpu.memory_space<vmem_shared>>)
      %dma_wait3A_448 = arith.constant 0 : i32
      %dma_wait3A_449 = tpu.memref_slice %arg3[%add3A_349, %dma_wait3A_448] : memref<4000x80xi32, #tpu.memory_space<hbm>> -> memref<5x80xi32, #tpu.memory_space<hbm>>
      %dma_wait3A_450 = arith.constant 0 : i32
      %dma_wait3A_451 = tpu.memref_slice %arg3[%add3A_349, %dma_wait3A_450] : memref<4000x80xi32, #tpu.memory_space<hbm>> -> memref<5x80xi32, #tpu.memory_space<hbm>>
      tpu.wait_dma2 semaphore(%arg26 : memref<!tpu.dma_semaphore, #tpu.memory_space<semaphore_mem>>) src(%dma_wait3A_451 : memref<5x80xi32, #tpu.memory_space<hbm>>) dst(%arg10 : memref<5x80xi32, #tpu.memory_space<vmem>>)
      %dma_wait3A_452 = arith.constant 0 : i32
      %dma_wait3A_453 = tpu.memref_slice %arg4[%add3A_349, %dma_wait3A_452] : memref<4000x80xi32, #tpu.memory_space<hbm>> -> memref<5x80xi32, #tpu.memory_space<hbm>>
      %dma_wait3A_454 = arith.constant 0 : i32
      %dma_wait3A_455 = tpu.memref_slice %arg4[%add3A_349, %dma_wait3A_454] : memref<4000x80xi32, #tpu.memory_space<hbm>> -> memref<5x80xi32, #tpu.memory_space<hbm>>
      tpu.wait_dma2 semaphore(%arg26 : memref<!tpu.dma_semaphore, #tpu.memory_space<semaphore_mem>>) src(%dma_wait3A_455 : memref<5x80xi32, #tpu.memory_space<hbm>>) dst(%arg13 : memref<5x80xi32, #tpu.memory_space<vmem>>)
      %dma_start3A_456 = arith.constant 0 : i32
      %dma_start3A_457 = arith.constant 0 : i32
      %dma_start3A_458 = tpu.memref_slice %arg10[%dma_start3A_456, %dma_start3A_457] : memref<5x80xi32, #tpu.memory_space<vmem>> -> memref<1x80xi32, #tpu.memory_space<vmem>>
      %dma_start3A_459 = tpu.memref_squeeze %dma_start3A_458 : memref<1x80xi32, #tpu.memory_space<vmem>> -> memref<80xi32, #tpu.memory_space<vmem>>
      %dma_start3A_460 = arith.constant 0 : i32
      %dma_start3A_461 = arith.constant 0 : i32
      %dma_start3A_462 = tpu.memref_slice %arg2[%dma_start3A_460, %dma_start3A_461] : memref<10000x144xf32, #tpu.memory_space<hbm>> -> memref<10000x144xf32, #tpu.memory_space<hbm>>
      tpu.enqueue_indirect_dma source(%dma_start3A_462 : memref<10000x144xf32, #tpu.memory_space<hbm>>) target(%arg15 : memref<80x144xf32, #tpu.memory_space<vmem>>) offsets(%dma_start3A_459 : memref<80xi32, #tpu.memory_space<vmem>>) semaphore(%arg19 : memref<!tpu.dma_semaphore, #tpu.memory_space<semaphore_mem>>)
      %dma_start3A_463 = arith.constant 3 : i32
      %dma_start3A_464 = arith.constant 0 : i32
      %dma_start3A_465 = tpu.memref_slice %arg12[%dma_start3A_463, %dma_start3A_464] : memref<5x80xi32, #tpu.memory_space<vmem>> -> memref<1x80xi32, #tpu.memory_space<vmem>>
      %dma_start3A_466 = tpu.memref_squeeze %dma_start3A_465 : memref<1x80xi32, #tpu.memory_space<vmem>> -> memref<80xi32, #tpu.memory_space<vmem>>
      %dma_start3A_467 = arith.constant 0 : i32
      %dma_start3A_468 = arith.constant 0 : i32
      %dma_start3A_469 = tpu.memref_slice %arg17[%dma_start3A_467, %dma_start3A_468] : memref<10000x144xf32, #tpu.memory_space<vmem_shared>> -> memref<10000x144xf32, #tpu.memory_space<vmem_shared>>
      tpu.enqueue_indirect_dma source(%arg16 : memref<80x144xf32, #tpu.memory_space<vmem>>) target(%dma_start3A_469 : memref<10000x144xf32, #tpu.memory_space<vmem_shared>>) offsets(%dma_start3A_466 : memref<80xi32, #tpu.memory_space<vmem>>) semaphore(%arg23 : memref<!tpu.dma_semaphore, #tpu.memory_space<semaphore_mem>>) {add = true}
      %dma_wait3A_470 = arith.constant 4 : i32
      %dma_wait3A_471 = arith.constant 0 : i32
      %dma_wait3A_472 = tpu.memref_slice %arg9[%dma_wait3A_470, %dma_wait3A_471] : memref<5x80xi32, #tpu.memory_space<vmem>> -> memref<1x80xi32, #tpu.memory_space<vmem>>
      %dma_wait3A_473 = tpu.memref_squeeze %dma_wait3A_472 : memref<1x80xi32, #tpu.memory_space<vmem>> -> memref<80xi32, #tpu.memory_space<vmem>>
      %dma_wait3A_474 = arith.constant 0 : i32
      %dma_wait3A_475 = arith.constant 0 : i32
      %dma_wait3A_476 = tpu.memref_slice %arg2[%dma_wait3A_474, %dma_wait3A_475] : memref<10000x144xf32, #tpu.memory_space<hbm>> -> memref<10000x144xf32, #tpu.memory_space<hbm>>
      tpu.wait_indirect_dma semaphore(%arg18 : memref<!tpu.dma_semaphore, #tpu.memory_space<semaphore_mem>>) src(%dma_wait3A_476 : memref<10000x144xf32, #tpu.memory_space<hbm>>) dst(%arg14 : memref<80x144xf32, #tpu.memory_space<vmem>>)
      %dma_wait3A_477 = arith.constant 0 : i32
      %dma_wait3A_478 = arith.constant 0 : i32
      %dma_wait3A_479 = tpu.memref_slice %arg12[%dma_wait3A_477, %dma_wait3A_478] : memref<5x80xi32, #tpu.memory_space<vmem>> -> memref<1x80xi32, #tpu.memory_space<vmem>>
      %dma_wait3A_480 = tpu.memref_squeeze %dma_wait3A_479 : memref<1x80xi32, #tpu.memory_space<vmem>> -> memref<80xi32, #tpu.memory_space<vmem>>
      %dma_wait3A_481 = arith.constant 0 : i32
      %dma_wait3A_482 = arith.constant 0 : i32
      %dma_wait3A_483 = tpu.memref_slice %arg17[%dma_wait3A_481, %dma_wait3A_482] : memref<10000x144xf32, #tpu.memory_space<vmem_shared>> -> memref<10000x144xf32, #tpu.memory_space<vmem_shared>>
      tpu.wait_indirect_dma semaphore(%arg23 : memref<!tpu.dma_semaphore, #tpu.memory_space<semaphore_mem>>) src(%arg16 : memref<80x144xf32, #tpu.memory_space<vmem>>) dst(%dma_wait3A_483 : memref<10000x144xf32, #tpu.memory_space<vmem_shared>>)
      %dma_start3A_484 = arith.constant 1 : i32
      %dma_start3A_485 = arith.constant 0 : i32
      %dma_start3A_486 = tpu.memref_slice %arg10[%dma_start3A_484, %dma_start3A_485] : memref<5x80xi32, #tpu.memory_space<vmem>> -> memref<1x80xi32, #tpu.memory_space<vmem>>
      %dma_start3A_487 = tpu.memref_squeeze %dma_start3A_486 : memref<1x80xi32, #tpu.memory_space<vmem>> -> memref<80xi32, #tpu.memory_space<vmem>>
      %dma_start3A_488 = arith.constant 0 : i32
      %dma_start3A_489 = arith.constant 0 : i32
      %dma_start3A_490 = tpu.memref_slice %arg2[%dma_start3A_488, %dma_start3A_489] : memref<10000x144xf32, #tpu.memory_space<hbm>> -> memref<10000x144xf32, #tpu.memory_space<hbm>>
      tpu.enqueue_indirect_dma source(%dma_start3A_490 : memref<10000x144xf32, #tpu.memory_space<hbm>>) target(%arg16 : memref<80x144xf32, #tpu.memory_space<vmem>>) offsets(%dma_start3A_487 : memref<80xi32, #tpu.memory_space<vmem>>) semaphore(%arg20 : memref<!tpu.dma_semaphore, #tpu.memory_space<semaphore_mem>>)
      %dma_start3A_491 = arith.constant 4 : i32
      %dma_start3A_492 = arith.constant 0 : i32
      %dma_start3A_493 = tpu.memref_slice %arg12[%dma_start3A_491, %dma_start3A_492] : memref<5x80xi32, #tpu.memory_space<vmem>> -> memref<1x80xi32, #tpu.memory_space<vmem>>
      %dma_start3A_494 = tpu.memref_squeeze %dma_start3A_493 : memref<1x80xi32, #tpu.memory_space<vmem>> -> memref<80xi32, #tpu.memory_space<vmem>>
      %dma_start3A_495 = arith.constant 0 : i32
      %dma_start3A_496 = arith.constant 0 : i32
      %dma_start3A_497 = tpu.memref_slice %arg17[%dma_start3A_495, %dma_start3A_496] : memref<10000x144xf32, #tpu.memory_space<vmem_shared>> -> memref<10000x144xf32, #tpu.memory_space<vmem_shared>>
      tpu.enqueue_indirect_dma source(%arg14 : memref<80x144xf32, #tpu.memory_space<vmem>>) target(%dma_start3A_497 : memref<10000x144xf32, #tpu.memory_space<vmem_shared>>) offsets(%dma_start3A_494 : memref<80xi32, #tpu.memory_space<vmem>>) semaphore(%arg21 : memref<!tpu.dma_semaphore, #tpu.memory_space<semaphore_mem>>) {add = true}
      %lt3A = arith.constant 7 : i32
      %lt3A_498 = arith.cmpi slt, %scan3A_183, %lt3A : i32
      %convert_element_type3A_499 = arith.extui %lt3A_498 : i1 to i32
      %cond3A_500 = arith.constant 0 : i32
      %cond3A_501 = arith.cmpi ne, %convert_element_type3A_499, %cond3A_500 : i32
      scf.if %cond3A_501 {
        %add3A_659 = arith.constant 20 : i32
        %add3A_660 = arith.addi %add3A_186, %add3A_659 : i32
        %dma_start3A_661 = arith.constant 0 : i32
        %dma_start3A_662 = tpu.memref_slice %arg3[%add3A_660, %dma_start3A_661] : memref<4000x80xi32, #tpu.memory_space<hbm>> -> memref<5x80xi32, #tpu.memory_space<hbm>>
        %dma_start3A_663 = arith.constant 0 : i32
        %dma_start3A_664 = tpu.memref_slice %arg3[%add3A_660, %dma_start3A_663] : memref<4000x80xi32, #tpu.memory_space<hbm>> -> memref<5x80xi32, #tpu.memory_space<hbm>>
        tpu.enqueue_dma source(%dma_start3A_664 : memref<5x80xi32, #tpu.memory_space<hbm>>) target(%arg9 : memref<5x80xi32, #tpu.memory_space<vmem>>) target_semaphore(%arg25 : memref<!tpu.dma_semaphore, #tpu.memory_space<semaphore_mem>>)
        %dma_start3A_665 = arith.constant 0 : i32
        %dma_start3A_666 = tpu.memref_slice %arg4[%add3A_660, %dma_start3A_665] : memref<4000x80xi32, #tpu.memory_space<hbm>> -> memref<5x80xi32, #tpu.memory_space<hbm>>
        %dma_start3A_667 = arith.constant 0 : i32
        %dma_start3A_668 = tpu.memref_slice %arg4[%add3A_660, %dma_start3A_667] : memref<4000x80xi32, #tpu.memory_space<hbm>> -> memref<5x80xi32, #tpu.memory_space<hbm>>
        tpu.enqueue_dma source(%dma_start3A_668 : memref<5x80xi32, #tpu.memory_space<hbm>>) target(%arg12 : memref<5x80xi32, #tpu.memory_space<vmem>>) target_semaphore(%arg25 : memref<!tpu.dma_semaphore, #tpu.memory_space<semaphore_mem>>)
      } else {
      }
      %add3A_502 = arith.constant 10 : i32
      %add3A_503 = arith.addi %mul3A_188, %add3A_502 : i32
      %add3A_504 = arith.constant 15 : i32
      %add3A_505 = arith.addi %add3A_186, %add3A_504 : i32
      %dma_wait3A_506 = arith.constant 0 : i32
      %dma_wait3A_507 = arith.constant 0 : i32
      %dma_wait3A_508 = tpu.memref_slice %arg10[%dma_wait3A_506, %dma_wait3A_507] : memref<5x80xi32, #tpu.memory_space<vmem>> -> memref<1x80xi32, #tpu.memory_space<vmem>>
      %dma_wait3A_509 = tpu.memref_squeeze %dma_wait3A_508 : memref<1x80xi32, #tpu.memory_space<vmem>> -> memref<80xi32, #tpu.memory_space<vmem>>
      %dma_wait3A_510 = arith.constant 0 : i32
      %dma_wait3A_511 = arith.constant 0 : i32
      %dma_wait3A_512 = tpu.memref_slice %arg2[%dma_wait3A_510, %dma_wait3A_511] : memref<10000x144xf32, #tpu.memory_space<hbm>> -> memref<10000x144xf32, #tpu.memory_space<hbm>>
      tpu.wait_indirect_dma semaphore(%arg19 : memref<!tpu.dma_semaphore, #tpu.memory_space<semaphore_mem>>) src(%dma_wait3A_512 : memref<10000x144xf32, #tpu.memory_space<hbm>>) dst(%arg15 : memref<80x144xf32, #tpu.memory_space<vmem>>)
      %dma_wait3A_513 = arith.constant 0 : i32
      %dma_wait3A_514 = arith.constant 0 : i32
      %dma_wait3A_515 = tpu.memref_slice %arg13[%dma_wait3A_513, %dma_wait3A_514] : memref<5x80xi32, #tpu.memory_space<vmem>> -> memref<1x80xi32, #tpu.memory_space<vmem>>
      %dma_wait3A_516 = tpu.memref_squeeze %dma_wait3A_515 : memref<1x80xi32, #tpu.memory_space<vmem>> -> memref<80xi32, #tpu.memory_space<vmem>>
      %dma_wait3A_517 = arith.constant 0 : i32
      %dma_wait3A_518 = arith.constant 0 : i32
      %dma_wait3A_519 = tpu.memref_slice %arg17[%dma_wait3A_517, %dma_wait3A_518] : memref<10000x144xf32, #tpu.memory_space<vmem_shared>> -> memref<10000x144xf32, #tpu.memory_space<vmem_shared>>
      tpu.wait_indirect_dma semaphore(%arg21 : memref<!tpu.dma_semaphore, #tpu.memory_space<semaphore_mem>>) src(%arg14 : memref<80x144xf32, #tpu.memory_space<vmem>>) dst(%dma_wait3A_519 : memref<10000x144xf32, #tpu.memory_space<vmem_shared>>)
      %dma_start3A_520 = arith.constant 2 : i32
      %dma_start3A_521 = arith.constant 0 : i32
      %dma_start3A_522 = tpu.memref_slice %arg10[%dma_start3A_520, %dma_start3A_521] : memref<5x80xi32, #tpu.memory_space<vmem>> -> memref<1x80xi32, #tpu.memory_space<vmem>>
      %dma_start3A_523 = tpu.memref_squeeze %dma_start3A_522 : memref<1x80xi32, #tpu.memory_space<vmem>> -> memref<80xi32, #tpu.memory_space<vmem>>
      %dma_start3A_524 = arith.constant 0 : i32
      %dma_start3A_525 = arith.constant 0 : i32
      %dma_start3A_526 = tpu.memref_slice %arg2[%dma_start3A_524, %dma_start3A_525] : memref<10000x144xf32, #tpu.memory_space<hbm>> -> memref<10000x144xf32, #tpu.memory_space<hbm>>
      tpu.enqueue_indirect_dma source(%dma_start3A_526 : memref<10000x144xf32, #tpu.memory_space<hbm>>) target(%arg14 : memref<80x144xf32, #tpu.memory_space<vmem>>) offsets(%dma_start3A_523 : memref<80xi32, #tpu.memory_space<vmem>>) semaphore(%arg18 : memref<!tpu.dma_semaphore, #tpu.memory_space<semaphore_mem>>)
      %dma_start3A_527 = arith.constant 0 : i32
      %dma_start3A_528 = arith.constant 0 : i32
      %dma_start3A_529 = tpu.memref_slice %arg13[%dma_start3A_527, %dma_start3A_528] : memref<5x80xi32, #tpu.memory_space<vmem>> -> memref<1x80xi32, #tpu.memory_space<vmem>>
      %dma_start3A_530 = tpu.memref_squeeze %dma_start3A_529 : memref<1x80xi32, #tpu.memory_space<vmem>> -> memref<80xi32, #tpu.memory_space<vmem>>
      %dma_start3A_531 = arith.constant 0 : i32
      %dma_start3A_532 = arith.constant 0 : i32
      %dma_start3A_533 = tpu.memref_slice %arg17[%dma_start3A_531, %dma_start3A_532] : memref<10000x144xf32, #tpu.memory_space<vmem_shared>> -> memref<10000x144xf32, #tpu.memory_space<vmem_shared>>
      tpu.enqueue_indirect_dma source(%arg15 : memref<80x144xf32, #tpu.memory_space<vmem>>) target(%dma_start3A_533 : memref<10000x144xf32, #tpu.memory_space<vmem_shared>>) offsets(%dma_start3A_530 : memref<80xi32, #tpu.memory_space<vmem>>) semaphore(%arg22 : memref<!tpu.dma_semaphore, #tpu.memory_space<semaphore_mem>>) {add = true}
      %dma_wait3A_534 = arith.constant 1 : i32
      %dma_wait3A_535 = arith.constant 0 : i32
      %dma_wait3A_536 = tpu.memref_slice %arg10[%dma_wait3A_534, %dma_wait3A_535] : memref<5x80xi32, #tpu.memory_space<vmem>> -> memref<1x80xi32, #tpu.memory_space<vmem>>
      %dma_wait3A_537 = tpu.memref_squeeze %dma_wait3A_536 : memref<1x80xi32, #tpu.memory_space<vmem>> -> memref<80xi32, #tpu.memory_space<vmem>>
      %dma_wait3A_538 = arith.constant 0 : i32
      %dma_wait3A_539 = arith.constant 0 : i32
      %dma_wait3A_540 = tpu.memref_slice %arg2[%dma_wait3A_538, %dma_wait3A_539] : memref<10000x144xf32, #tpu.memory_space<hbm>> -> memref<10000x144xf32, #tpu.memory_space<hbm>>
      tpu.wait_indirect_dma semaphore(%arg20 : memref<!tpu.dma_semaphore, #tpu.memory_space<semaphore_mem>>) src(%dma_wait3A_540 : memref<10000x144xf32, #tpu.memory_space<hbm>>) dst(%arg16 : memref<80x144xf32, #tpu.memory_space<vmem>>)
      %dma_wait3A_541 = arith.constant 0 : i32
      %dma_wait3A_542 = arith.constant 0 : i32
      %dma_wait3A_543 = tpu.memref_slice %arg13[%dma_wait3A_541, %dma_wait3A_542] : memref<5x80xi32, #tpu.memory_space<vmem>> -> memref<1x80xi32, #tpu.memory_space<vmem>>
      %dma_wait3A_544 = tpu.memref_squeeze %dma_wait3A_543 : memref<1x80xi32, #tpu.memory_space<vmem>> -> memref<80xi32, #tpu.memory_space<vmem>>
      %dma_wait3A_545 = arith.constant 0 : i32
      %dma_wait3A_546 = arith.constant 0 : i32
      %dma_wait3A_547 = tpu.memref_slice %arg17[%dma_wait3A_545, %dma_wait3A_546] : memref<10000x144xf32, #tpu.memory_space<vmem_shared>> -> memref<10000x144xf32, #tpu.memory_space<vmem_shared>>
      tpu.wait_indirect_dma semaphore(%arg22 : memref<!tpu.dma_semaphore, #tpu.memory_space<semaphore_mem>>) src(%arg15 : memref<80x144xf32, #tpu.memory_space<vmem>>) dst(%dma_wait3A_547 : memref<10000x144xf32, #tpu.memory_space<vmem_shared>>)
      %dma_start3A_548 = arith.constant 3 : i32
      %dma_start3A_549 = arith.constant 0 : i32
      %dma_start3A_550 = tpu.memref_slice %arg10[%dma_start3A_548, %dma_start3A_549] : memref<5x80xi32, #tpu.memory_space<vmem>> -> memref<1x80xi32, #tpu.memory_space<vmem>>
      %dma_start3A_551 = tpu.memref_squeeze %dma_start3A_550 : memref<1x80xi32, #tpu.memory_space<vmem>> -> memref<80xi32, #tpu.memory_space<vmem>>
      %dma_start3A_552 = arith.constant 0 : i32
      %dma_start3A_553 = arith.constant 0 : i32
      %dma_start3A_554 = tpu.memref_slice %arg2[%dma_start3A_552, %dma_start3A_553] : memref<10000x144xf32, #tpu.memory_space<hbm>> -> memref<10000x144xf32, #tpu.memory_space<hbm>>
      tpu.enqueue_indirect_dma source(%dma_start3A_554 : memref<10000x144xf32, #tpu.memory_space<hbm>>) target(%arg15 : memref<80x144xf32, #tpu.memory_space<vmem>>) offsets(%dma_start3A_551 : memref<80xi32, #tpu.memory_space<vmem>>) semaphore(%arg19 : memref<!tpu.dma_semaphore, #tpu.memory_space<semaphore_mem>>)
      %dma_start3A_555 = arith.constant 1 : i32
      %dma_start3A_556 = arith.constant 0 : i32
      %dma_start3A_557 = tpu.memref_slice %arg13[%dma_start3A_555, %dma_start3A_556] : memref<5x80xi32, #tpu.memory_space<vmem>> -> memref<1x80xi32, #tpu.memory_space<vmem>>
      %dma_start3A_558 = tpu.memref_squeeze %dma_start3A_557 : memref<1x80xi32, #tpu.memory_space<vmem>> -> memref<80xi32, #tpu.memory_space<vmem>>
      %dma_start3A_559 = arith.constant 0 : i32
      %dma_start3A_560 = arith.constant 0 : i32
      %dma_start3A_561 = tpu.memref_slice %arg17[%dma_start3A_559, %dma_start3A_560] : memref<10000x144xf32, #tpu.memory_space<vmem_shared>> -> memref<10000x144xf32, #tpu.memory_space<vmem_shared>>
      tpu.enqueue_indirect_dma source(%arg16 : memref<80x144xf32, #tpu.memory_space<vmem>>) target(%dma_start3A_561 : memref<10000x144xf32, #tpu.memory_space<vmem_shared>>) offsets(%dma_start3A_558 : memref<80xi32, #tpu.memory_space<vmem>>) semaphore(%arg23 : memref<!tpu.dma_semaphore, #tpu.memory_space<semaphore_mem>>) {add = true}
      %dma_wait3A_562 = arith.constant 2 : i32
      %dma_wait3A_563 = arith.constant 0 : i32
      %dma_wait3A_564 = tpu.memref_slice %arg10[%dma_wait3A_562, %dma_wait3A_563] : memref<5x80xi32, #tpu.memory_space<vmem>> -> memref<1x80xi32, #tpu.memory_space<vmem>>
      %dma_wait3A_565 = tpu.memref_squeeze %dma_wait3A_564 : memref<1x80xi32, #tpu.memory_space<vmem>> -> memref<80xi32, #tpu.memory_space<vmem>>
      %dma_wait3A_566 = arith.constant 0 : i32
      %dma_wait3A_567 = arith.constant 0 : i32
      %dma_wait3A_568 = tpu.memref_slice %arg2[%dma_wait3A_566, %dma_wait3A_567] : memref<10000x144xf32, #tpu.memory_space<hbm>> -> memref<10000x144xf32, #tpu.memory_space<hbm>>
      tpu.wait_indirect_dma semaphore(%arg18 : memref<!tpu.dma_semaphore, #tpu.memory_space<semaphore_mem>>) src(%dma_wait3A_568 : memref<10000x144xf32, #tpu.memory_space<hbm>>) dst(%arg14 : memref<80x144xf32, #tpu.memory_space<vmem>>)
      %dma_wait3A_569 = arith.constant 0 : i32
      %dma_wait3A_570 = arith.constant 0 : i32
      %dma_wait3A_571 = tpu.memref_slice %arg13[%dma_wait3A_569, %dma_wait3A_570] : memref<5x80xi32, #tpu.memory_space<vmem>> -> memref<1x80xi32, #tpu.memory_space<vmem>>
      %dma_wait3A_572 = tpu.memref_squeeze %dma_wait3A_571 : memref<1x80xi32, #tpu.memory_space<vmem>> -> memref<80xi32, #tpu.memory_space<vmem>>
      %dma_wait3A_573 = arith.constant 0 : i32
      %dma_wait3A_574 = arith.constant 0 : i32
      %dma_wait3A_575 = tpu.memref_slice %arg17[%dma_wait3A_573, %dma_wait3A_574] : memref<10000x144xf32, #tpu.memory_space<vmem_shared>> -> memref<10000x144xf32, #tpu.memory_space<vmem_shared>>
      tpu.wait_indirect_dma semaphore(%arg23 : memref<!tpu.dma_semaphore, #tpu.memory_space<semaphore_mem>>) src(%arg16 : memref<80x144xf32, #tpu.memory_space<vmem>>) dst(%dma_wait3A_575 : memref<10000x144xf32, #tpu.memory_space<vmem_shared>>)
      %dma_start3A_576 = arith.constant 4 : i32
      %dma_start3A_577 = arith.constant 0 : i32
      %dma_start3A_578 = tpu.memref_slice %arg10[%dma_start3A_576, %dma_start3A_577] : memref<5x80xi32, #tpu.memory_space<vmem>> -> memref<1x80xi32, #tpu.memory_space<vmem>>
      %dma_start3A_579 = tpu.memref_squeeze %dma_start3A_578 : memref<1x80xi32, #tpu.memory_space<vmem>> -> memref<80xi32, #tpu.memory_space<vmem>>
      %dma_start3A_580 = arith.constant 0 : i32
      %dma_start3A_581 = arith.constant 0 : i32
      %dma_start3A_582 = tpu.memref_slice %arg2[%dma_start3A_580, %dma_start3A_581] : memref<10000x144xf32, #tpu.memory_space<hbm>> -> memref<10000x144xf32, #tpu.memory_space<hbm>>
      tpu.enqueue_indirect_dma source(%dma_start3A_582 : memref<10000x144xf32, #tpu.memory_space<hbm>>) target(%arg16 : memref<80x144xf32, #tpu.memory_space<vmem>>) offsets(%dma_start3A_579 : memref<80xi32, #tpu.memory_space<vmem>>) semaphore(%arg20 : memref<!tpu.dma_semaphore, #tpu.memory_space<semaphore_mem>>)
      %dma_start3A_583 = arith.constant 2 : i32
      %dma_start3A_584 = arith.constant 0 : i32
      %dma_start3A_585 = tpu.memref_slice %arg13[%dma_start3A_583, %dma_start3A_584] : memref<5x80xi32, #tpu.memory_space<vmem>> -> memref<1x80xi32, #tpu.memory_space<vmem>>
      %dma_start3A_586 = tpu.memref_squeeze %dma_start3A_585 : memref<1x80xi32, #tpu.memory_space<vmem>> -> memref<80xi32, #tpu.memory_space<vmem>>
      %dma_start3A_587 = arith.constant 0 : i32
      %dma_start3A_588 = arith.constant 0 : i32
      %dma_start3A_589 = tpu.memref_slice %arg17[%dma_start3A_587, %dma_start3A_588] : memref<10000x144xf32, #tpu.memory_space<vmem_shared>> -> memref<10000x144xf32, #tpu.memory_space<vmem_shared>>
      tpu.enqueue_indirect_dma source(%arg14 : memref<80x144xf32, #tpu.memory_space<vmem>>) target(%dma_start3A_589 : memref<10000x144xf32, #tpu.memory_space<vmem_shared>>) offsets(%dma_start3A_586 : memref<80xi32, #tpu.memory_space<vmem>>) semaphore(%arg21 : memref<!tpu.dma_semaphore, #tpu.memory_space<semaphore_mem>>) {add = true}
      %dma_wait3A_590 = arith.constant 3 : i32
      %dma_wait3A_591 = arith.constant 0 : i32
      %dma_wait3A_592 = tpu.memref_slice %arg10[%dma_wait3A_590, %dma_wait3A_591] : memref<5x80xi32, #tpu.memory_space<vmem>> -> memref<1x80xi32, #tpu.memory_space<vmem>>
      %dma_wait3A_593 = tpu.memref_squeeze %dma_wait3A_592 : memref<1x80xi32, #tpu.memory_space<vmem>> -> memref<80xi32, #tpu.memory_space<vmem>>
      %dma_wait3A_594 = arith.constant 0 : i32
      %dma_wait3A_595 = arith.constant 0 : i32
      %dma_wait3A_596 = tpu.memref_slice %arg2[%dma_wait3A_594, %dma_wait3A_595] : memref<10000x144xf32, #tpu.memory_space<hbm>> -> memref<10000x144xf32, #tpu.memory_space<hbm>>
      tpu.wait_indirect_dma semaphore(%arg19 : memref<!tpu.dma_semaphore, #tpu.memory_space<semaphore_mem>>) src(%dma_wait3A_596 : memref<10000x144xf32, #tpu.memory_space<hbm>>) dst(%arg15 : memref<80x144xf32, #tpu.memory_space<vmem>>)
      %dma_wait3A_597 = arith.constant 0 : i32
      %dma_wait3A_598 = arith.constant 0 : i32
      %dma_wait3A_599 = tpu.memref_slice %arg13[%dma_wait3A_597, %dma_wait3A_598] : memref<5x80xi32, #tpu.memory_space<vmem>> -> memref<1x80xi32, #tpu.memory_space<vmem>>
      %dma_wait3A_600 = tpu.memref_squeeze %dma_wait3A_599 : memref<1x80xi32, #tpu.memory_space<vmem>> -> memref<80xi32, #tpu.memory_space<vmem>>
      %dma_wait3A_601 = arith.constant 0 : i32
      %dma_wait3A_602 = arith.constant 0 : i32
      %dma_wait3A_603 = tpu.memref_slice %arg17[%dma_wait3A_601, %dma_wait3A_602] : memref<10000x144xf32, #tpu.memory_space<vmem_shared>> -> memref<10000x144xf32, #tpu.memory_space<vmem_shared>>
      tpu.wait_indirect_dma semaphore(%arg21 : memref<!tpu.dma_semaphore, #tpu.memory_space<semaphore_mem>>) src(%arg14 : memref<80x144xf32, #tpu.memory_space<vmem>>) dst(%dma_wait3A_603 : memref<10000x144xf32, #tpu.memory_space<vmem_shared>>)
      %dma_wait3A_604 = arith.constant 0 : i32
      %dma_wait3A_605 = tpu.memref_slice %arg3[%add3A_505, %dma_wait3A_604] : memref<4000x80xi32, #tpu.memory_space<hbm>> -> memref<5x80xi32, #tpu.memory_space<hbm>>
      %dma_wait3A_606 = arith.constant 0 : i32
      %dma_wait3A_607 = tpu.memref_slice %arg3[%add3A_505, %dma_wait3A_606] : memref<4000x80xi32, #tpu.memory_space<hbm>> -> memref<5x80xi32, #tpu.memory_space<hbm>>
      tpu.wait_dma2 semaphore(%arg24 : memref<!tpu.dma_semaphore, #tpu.memory_space<semaphore_mem>>) src(%dma_wait3A_607 : memref<5x80xi32, #tpu.memory_space<hbm>>) dst(%arg8 : memref<5x80xi32, #tpu.memory_space<vmem>>)
      %dma_wait3A_608 = arith.constant 0 : i32
      %dma_wait3A_609 = tpu.memref_slice %arg4[%add3A_505, %dma_wait3A_608] : memref<4000x80xi32, #tpu.memory_space<hbm>> -> memref<5x80xi32, #tpu.memory_space<hbm>>
      %dma_wait3A_610 = arith.constant 0 : i32
      %dma_wait3A_611 = tpu.memref_slice %arg4[%add3A_505, %dma_wait3A_610] : memref<4000x80xi32, #tpu.memory_space<hbm>> -> memref<5x80xi32, #tpu.memory_space<hbm>>
      tpu.wait_dma2 semaphore(%arg24 : memref<!tpu.dma_semaphore, #tpu.memory_space<semaphore_mem>>) src(%dma_wait3A_611 : memref<5x80xi32, #tpu.memory_space<hbm>>) dst(%arg11 : memref<5x80xi32, #tpu.memory_space<vmem>>)
      %dma_start3A_612 = arith.constant 0 : i32
      %dma_start3A_613 = arith.constant 0 : i32
      %dma_start3A_614 = tpu.memref_slice %arg8[%dma_start3A_612, %dma_start3A_613] : memref<5x80xi32, #tpu.memory_space<vmem>> -> memref<1x80xi32, #tpu.memory_space<vmem>>
      %dma_start3A_615 = tpu.memref_squeeze %dma_start3A_614 : memref<1x80xi32, #tpu.memory_space<vmem>> -> memref<80xi32, #tpu.memory_space<vmem>>
      %dma_start3A_616 = arith.constant 0 : i32
      %dma_start3A_617 = arith.constant 0 : i32
      %dma_start3A_618 = tpu.memref_slice %arg2[%dma_start3A_616, %dma_start3A_617] : memref<10000x144xf32, #tpu.memory_space<hbm>> -> memref<10000x144xf32, #tpu.memory_space<hbm>>
      tpu.enqueue_indirect_dma source(%dma_start3A_618 : memref<10000x144xf32, #tpu.memory_space<hbm>>) target(%arg14 : memref<80x144xf32, #tpu.memory_space<vmem>>) offsets(%dma_start3A_615 : memref<80xi32, #tpu.memory_space<vmem>>) semaphore(%arg18 : memref<!tpu.dma_semaphore, #tpu.memory_space<semaphore_mem>>)
      %dma_start3A_619 = arith.constant 3 : i32
      %dma_start3A_620 = arith.constant 0 : i32
      %dma_start3A_621 = tpu.memref_slice %arg13[%dma_start3A_619, %dma_start3A_620] : memref<5x80xi32, #tpu.memory_space<vmem>> -> memref<1x80xi32, #tpu.memory_space<vmem>>
      %dma_start3A_622 = tpu.memref_squeeze %dma_start3A_621 : memref<1x80xi32, #tpu.memory_space<vmem>> -> memref<80xi32, #tpu.memory_space<vmem>>
      %dma_start3A_623 = arith.constant 0 : i32
      %dma_start3A_624 = arith.constant 0 : i32
      %dma_start3A_625 = tpu.memref_slice %arg17[%dma_start3A_623, %dma_start3A_624] : memref<10000x144xf32, #tpu.memory_space<vmem_shared>> -> memref<10000x144xf32, #tpu.memory_space<vmem_shared>>
      tpu.enqueue_indirect_dma source(%arg15 : memref<80x144xf32, #tpu.memory_space<vmem>>) target(%dma_start3A_625 : memref<10000x144xf32, #tpu.memory_space<vmem_shared>>) offsets(%dma_start3A_622 : memref<80xi32, #tpu.memory_space<vmem>>) semaphore(%arg22 : memref<!tpu.dma_semaphore, #tpu.memory_space<semaphore_mem>>) {add = true}
      %dma_wait3A_626 = arith.constant 4 : i32
      %dma_wait3A_627 = arith.constant 0 : i32
      %dma_wait3A_628 = tpu.memref_slice %arg10[%dma_wait3A_626, %dma_wait3A_627] : memref<5x80xi32, #tpu.memory_space<vmem>> -> memref<1x80xi32, #tpu.memory_space<vmem>>
      %dma_wait3A_629 = tpu.memref_squeeze %dma_wait3A_628 : memref<1x80xi32, #tpu.memory_space<vmem>> -> memref<80xi32, #tpu.memory_space<vmem>>
      %dma_wait3A_630 = arith.constant 0 : i32
      %dma_wait3A_631 = arith.constant 0 : i32
      %dma_wait3A_632 = tpu.memref_slice %arg2[%dma_wait3A_630, %dma_wait3A_631] : memref<10000x144xf32, #tpu.memory_space<hbm>> -> memref<10000x144xf32, #tpu.memory_space<hbm>>
      tpu.wait_indirect_dma semaphore(%arg20 : memref<!tpu.dma_semaphore, #tpu.memory_space<semaphore_mem>>) src(%dma_wait3A_632 : memref<10000x144xf32, #tpu.memory_space<hbm>>) dst(%arg16 : memref<80x144xf32, #tpu.memory_space<vmem>>)
      %dma_wait3A_633 = arith.constant 0 : i32
      %dma_wait3A_634 = arith.constant 0 : i32
      %dma_wait3A_635 = tpu.memref_slice %arg13[%dma_wait3A_633, %dma_wait3A_634] : memref<5x80xi32, #tpu.memory_space<vmem>> -> memref<1x80xi32, #tpu.memory_space<vmem>>
      %dma_wait3A_636 = tpu.memref_squeeze %dma_wait3A_635 : memref<1x80xi32, #tpu.memory_space<vmem>> -> memref<80xi32, #tpu.memory_space<vmem>>
      %dma_wait3A_637 = arith.constant 0 : i32
      %dma_wait3A_638 = arith.constant 0 : i32
      %dma_wait3A_639 = tpu.memref_slice %arg17[%dma_wait3A_637, %dma_wait3A_638] : memref<10000x144xf32, #tpu.memory_space<vmem_shared>> -> memref<10000x144xf32, #tpu.memory_space<vmem_shared>>
      tpu.wait_indirect_dma semaphore(%arg22 : memref<!tpu.dma_semaphore, #tpu.memory_space<semaphore_mem>>) src(%arg15 : memref<80x144xf32, #tpu.memory_space<vmem>>) dst(%dma_wait3A_639 : memref<10000x144xf32, #tpu.memory_space<vmem_shared>>)
      %dma_start3A_640 = arith.constant 1 : i32
      %dma_start3A_641 = arith.constant 0 : i32
      %dma_start3A_642 = tpu.memref_slice %arg8[%dma_start3A_640, %dma_start3A_641] : memref<5x80xi32, #tpu.memory_space<vmem>> -> memref<1x80xi32, #tpu.memory_space<vmem>>
      %dma_start3A_643 = tpu.memref_squeeze %dma_start3A_642 : memref<1x80xi32, #tpu.memory_space<vmem>> -> memref<80xi32, #tpu.memory_space<vmem>>
      %dma_start3A_644 = arith.constant 0 : i32
      %dma_start3A_645 = arith.constant 0 : i32
      %dma_start3A_646 = tpu.memref_slice %arg2[%dma_start3A_644, %dma_start3A_645] : memref<10000x144xf32, #tpu.memory_space<hbm>> -> memref<10000x144xf32, #tpu.memory_space<hbm>>
      tpu.enqueue_indirect_dma source(%dma_start3A_646 : memref<10000x144xf32, #tpu.memory_space<hbm>>) target(%arg15 : memref<80x144xf32, #tpu.memory_space<vmem>>) offsets(%dma_start3A_643 : memref<80xi32, #tpu.memory_space<vmem>>) semaphore(%arg19 : memref<!tpu.dma_semaphore, #tpu.memory_space<semaphore_mem>>)
      %dma_start3A_647 = arith.constant 4 : i32
      %dma_start3A_648 = arith.constant 0 : i32
      %dma_start3A_649 = tpu.memref_slice %arg13[%dma_start3A_647, %dma_start3A_648] : memref<5x80xi32, #tpu.memory_space<vmem>> -> memref<1x80xi32, #tpu.memory_space<vmem>>
      %dma_start3A_650 = tpu.memref_squeeze %dma_start3A_649 : memref<1x80xi32, #tpu.memory_space<vmem>> -> memref<80xi32, #tpu.memory_space<vmem>>
      %dma_start3A_651 = arith.constant 0 : i32
      %dma_start3A_652 = arith.constant 0 : i32
      %dma_start3A_653 = tpu.memref_slice %arg17[%dma_start3A_651, %dma_start3A_652] : memref<10000x144xf32, #tpu.memory_space<vmem_shared>> -> memref<10000x144xf32, #tpu.memory_space<vmem_shared>>
      tpu.enqueue_indirect_dma source(%arg16 : memref<80x144xf32, #tpu.memory_space<vmem>>) target(%dma_start3A_653 : memref<10000x144xf32, #tpu.memory_space<vmem_shared>>) offsets(%dma_start3A_650 : memref<80xi32, #tpu.memory_space<vmem>>) semaphore(%arg23 : memref<!tpu.dma_semaphore, #tpu.memory_space<semaphore_mem>>) {add = true}
      %lt3A_654 = arith.constant 7 : i32
      %lt3A_655 = arith.cmpi slt, %scan3A_183, %lt3A_654 : i32
      %convert_element_type3A_656 = arith.extui %lt3A_655 : i1 to i32
      %cond3A_657 = arith.constant 0 : i32
      %cond3A_658 = arith.cmpi ne, %convert_element_type3A_656, %cond3A_657 : i32
      scf.if %cond3A_658 {
        %add3A_659 = arith.constant 25 : i32
        %add3A_660 = arith.addi %add3A_186, %add3A_659 : i32
        %dma_start3A_661 = arith.constant 0 : i32
        %dma_start3A_662 = tpu.memref_slice %arg3[%add3A_660, %dma_start3A_661] : memref<4000x80xi32, #tpu.memory_space<hbm>> -> memref<5x80xi32, #tpu.memory_space<hbm>>
        %dma_start3A_663 = arith.constant 0 : i32
        %dma_start3A_664 = tpu.memref_slice %arg3[%add3A_660, %dma_start3A_663] : memref<4000x80xi32, #tpu.memory_space<hbm>> -> memref<5x80xi32, #tpu.memory_space<hbm>>
        tpu.enqueue_dma source(%dma_start3A_664 : memref<5x80xi32, #tpu.memory_space<hbm>>) target(%arg10 : memref<5x80xi32, #tpu.memory_space<vmem>>) target_semaphore(%arg26 : memref<!tpu.dma_semaphore, #tpu.memory_space<semaphore_mem>>)
        %dma_start3A_665 = arith.constant 0 : i32
        %dma_start3A_666 = tpu.memref_slice %arg4[%add3A_660, %dma_start3A_665] : memref<4000x80xi32, #tpu.memory_space<hbm>> -> memref<5x80xi32, #tpu.memory_space<hbm>>
        %dma_start3A_667 = arith.constant 0 : i32
        %dma_start3A_668 = tpu.memref_slice %arg4[%add3A_660, %dma_start3A_667] : memref<4000x80xi32, #tpu.memory_space<hbm>> -> memref<5x80xi32, #tpu.memory_space<hbm>>
        tpu.enqueue_dma source(%dma_start3A_668 : memref<5x80xi32, #tpu.memory_space<hbm>>) target(%arg13 : memref<5x80xi32, #tpu.memory_space<vmem>>) target_semaphore(%arg26 : memref<!tpu.dma_semaphore, #tpu.memory_space<semaphore_mem>>)
      } else {
      }
    }
    %scan3A_42 = arith.constant 8 : i32
    %dma_wait3A = arith.constant 0 : i32
    %dma_wait3A_43 = arith.constant 0 : i32
    %dma_wait3A_44 = tpu.memref_slice %arg8[%dma_wait3A, %dma_wait3A_43] : memref<5x80xi32, #tpu.memory_space<vmem>> -> memref<1x80xi32, #tpu.memory_space<vmem>>
    %dma_wait3A_45 = tpu.memref_squeeze %dma_wait3A_44 : memref<1x80xi32, #tpu.memory_space<vmem>> -> memref<80xi32, #tpu.memory_space<vmem>>
    %dma_wait3A_46 = arith.constant 0 : i32
    %dma_wait3A_47 = arith.constant 0 : i32
    %dma_wait3A_48 = tpu.memref_slice %arg2[%dma_wait3A_46, %dma_wait3A_47] : memref<10000x144xf32, #tpu.memory_space<hbm>> -> memref<10000x144xf32, #tpu.memory_space<hbm>>
    tpu.wait_indirect_dma semaphore(%arg18 : memref<!tpu.dma_semaphore, #tpu.memory_space<semaphore_mem>>) src(%dma_wait3A_48 : memref<10000x144xf32, #tpu.memory_space<hbm>>) dst(%arg14 : memref<80x144xf32, #tpu.memory_space<vmem>>)
    %dma_wait3A_49 = arith.constant 0 : i32
    %dma_wait3A_50 = arith.constant 0 : i32
    %dma_wait3A_51 = tpu.memref_slice %arg11[%dma_wait3A_49, %dma_wait3A_50] : memref<5x80xi32, #tpu.memory_space<vmem>> -> memref<1x80xi32, #tpu.memory_space<vmem>>
    %dma_wait3A_52 = tpu.memref_squeeze %dma_wait3A_51 : memref<1x80xi32, #tpu.memory_space<vmem>> -> memref<80xi32, #tpu.memory_space<vmem>>
    %dma_wait3A_53 = arith.constant 0 : i32
    %dma_wait3A_54 = arith.constant 0 : i32
    %dma_wait3A_55 = tpu.memref_slice %arg17[%dma_wait3A_53, %dma_wait3A_54] : memref<10000x144xf32, #tpu.memory_space<vmem_shared>> -> memref<10000x144xf32, #tpu.memory_space<vmem_shared>>
    tpu.wait_indirect_dma semaphore(%arg23 : memref<!tpu.dma_semaphore, #tpu.memory_space<semaphore_mem>>) src(%arg16 : memref<80x144xf32, #tpu.memory_space<vmem>>) dst(%dma_wait3A_55 : memref<10000x144xf32, #tpu.memory_space<vmem_shared>>)
    %dma_start3A_56 = arith.constant 2 : i32
    %dma_start3A_57 = arith.constant 0 : i32
    %dma_start3A_58 = tpu.memref_slice %arg8[%dma_start3A_56, %dma_start3A_57] : memref<5x80xi32, #tpu.memory_space<vmem>> -> memref<1x80xi32, #tpu.memory_space<vmem>>
    %dma_start3A_59 = tpu.memref_squeeze %dma_start3A_58 : memref<1x80xi32, #tpu.memory_space<vmem>> -> memref<80xi32, #tpu.memory_space<vmem>>
    %dma_start3A_60 = arith.constant 0 : i32
    %dma_start3A_61 = arith.constant 0 : i32
    %dma_start3A_62 = tpu.memref_slice %arg2[%dma_start3A_60, %dma_start3A_61] : memref<10000x144xf32, #tpu.memory_space<hbm>> -> memref<10000x144xf32, #tpu.memory_space<hbm>>
    tpu.enqueue_indirect_dma source(%dma_start3A_62 : memref<10000x144xf32, #tpu.memory_space<hbm>>) target(%arg16 : memref<80x144xf32, #tpu.memory_space<vmem>>) offsets(%dma_start3A_59 : memref<80xi32, #tpu.memory_space<vmem>>) semaphore(%arg20 : memref<!tpu.dma_semaphore, #tpu.memory_space<semaphore_mem>>)
    %dma_start3A_63 = arith.constant 0 : i32
    %dma_start3A_64 = arith.constant 0 : i32
    %dma_start3A_65 = tpu.memref_slice %arg11[%dma_start3A_63, %dma_start3A_64] : memref<5x80xi32, #tpu.memory_space<vmem>> -> memref<1x80xi32, #tpu.memory_space<vmem>>
    %dma_start3A_66 = tpu.memref_squeeze %dma_start3A_65 : memref<1x80xi32, #tpu.memory_space<vmem>> -> memref<80xi32, #tpu.memory_space<vmem>>
    %dma_start3A_67 = arith.constant 0 : i32
    %dma_start3A_68 = arith.constant 0 : i32
    %dma_start3A_69 = tpu.memref_slice %arg17[%dma_start3A_67, %dma_start3A_68] : memref<10000x144xf32, #tpu.memory_space<vmem_shared>> -> memref<10000x144xf32, #tpu.memory_space<vmem_shared>>
    tpu.enqueue_indirect_dma source(%arg14 : memref<80x144xf32, #tpu.memory_space<vmem>>) target(%dma_start3A_69 : memref<10000x144xf32, #tpu.memory_space<vmem_shared>>) offsets(%dma_start3A_66 : memref<80xi32, #tpu.memory_space<vmem>>) semaphore(%arg21 : memref<!tpu.dma_semaphore, #tpu.memory_space<semaphore_mem>>) {add = true}
    %dma_wait3A_70 = arith.constant 1 : i32
    %dma_wait3A_71 = arith.constant 0 : i32
    %dma_wait3A_72 = tpu.memref_slice %arg8[%dma_wait3A_70, %dma_wait3A_71] : memref<5x80xi32, #tpu.memory_space<vmem>> -> memref<1x80xi32, #tpu.memory_space<vmem>>
    %dma_wait3A_73 = tpu.memref_squeeze %dma_wait3A_72 : memref<1x80xi32, #tpu.memory_space<vmem>> -> memref<80xi32, #tpu.memory_space<vmem>>
    %dma_wait3A_74 = arith.constant 0 : i32
    %dma_wait3A_75 = arith.constant 0 : i32
    %dma_wait3A_76 = tpu.memref_slice %arg2[%dma_wait3A_74, %dma_wait3A_75] : memref<10000x144xf32, #tpu.memory_space<hbm>> -> memref<10000x144xf32, #tpu.memory_space<hbm>>
    tpu.wait_indirect_dma semaphore(%arg19 : memref<!tpu.dma_semaphore, #tpu.memory_space<semaphore_mem>>) src(%dma_wait3A_76 : memref<10000x144xf32, #tpu.memory_space<hbm>>) dst(%arg15 : memref<80x144xf32, #tpu.memory_space<vmem>>)
    %dma_wait3A_77 = arith.constant 0 : i32
    %dma_wait3A_78 = arith.constant 0 : i32
    %dma_wait3A_79 = tpu.memref_slice %arg11[%dma_wait3A_77, %dma_wait3A_78] : memref<5x80xi32, #tpu.memory_space<vmem>> -> memref<1x80xi32, #tpu.memory_space<vmem>>
    %dma_wait3A_80 = tpu.memref_squeeze %dma_wait3A_79 : memref<1x80xi32, #tpu.memory_space<vmem>> -> memref<80xi32, #tpu.memory_space<vmem>>
    %dma_wait3A_81 = arith.constant 0 : i32
    %dma_wait3A_82 = arith.constant 0 : i32
    %dma_wait3A_83 = tpu.memref_slice %arg17[%dma_wait3A_81, %dma_wait3A_82] : memref<10000x144xf32, #tpu.memory_space<vmem_shared>> -> memref<10000x144xf32, #tpu.memory_space<vmem_shared>>
    tpu.wait_indirect_dma semaphore(%arg21 : memref<!tpu.dma_semaphore, #tpu.memory_space<semaphore_mem>>) src(%arg14 : memref<80x144xf32, #tpu.memory_space<vmem>>) dst(%dma_wait3A_83 : memref<10000x144xf32, #tpu.memory_space<vmem_shared>>)
    %dma_start3A_84 = arith.constant 3 : i32
    %dma_start3A_85 = arith.constant 0 : i32
    %dma_start3A_86 = tpu.memref_slice %arg8[%dma_start3A_84, %dma_start3A_85] : memref<5x80xi32, #tpu.memory_space<vmem>> -> memref<1x80xi32, #tpu.memory_space<vmem>>
    %dma_start3A_87 = tpu.memref_squeeze %dma_start3A_86 : memref<1x80xi32, #tpu.memory_space<vmem>> -> memref<80xi32, #tpu.memory_space<vmem>>
    %dma_start3A_88 = arith.constant 0 : i32
    %dma_start3A_89 = arith.constant 0 : i32
    %dma_start3A_90 = tpu.memref_slice %arg2[%dma_start3A_88, %dma_start3A_89] : memref<10000x144xf32, #tpu.memory_space<hbm>> -> memref<10000x144xf32, #tpu.memory_space<hbm>>
    tpu.enqueue_indirect_dma source(%dma_start3A_90 : memref<10000x144xf32, #tpu.memory_space<hbm>>) target(%arg14 : memref<80x144xf32, #tpu.memory_space<vmem>>) offsets(%dma_start3A_87 : memref<80xi32, #tpu.memory_space<vmem>>) semaphore(%arg18 : memref<!tpu.dma_semaphore, #tpu.memory_space<semaphore_mem>>)
    %dma_start3A_91 = arith.constant 1 : i32
    %dma_start3A_92 = arith.constant 0 : i32
    %dma_start3A_93 = tpu.memref_slice %arg11[%dma_start3A_91, %dma_start3A_92] : memref<5x80xi32, #tpu.memory_space<vmem>> -> memref<1x80xi32, #tpu.memory_space<vmem>>
    %dma_start3A_94 = tpu.memref_squeeze %dma_start3A_93 : memref<1x80xi32, #tpu.memory_space<vmem>> -> memref<80xi32, #tpu.memory_space<vmem>>
    %dma_start3A_95 = arith.constant 0 : i32
    %dma_start3A_96 = arith.constant 0 : i32
    %dma_start3A_97 = tpu.memref_slice %arg17[%dma_start3A_95, %dma_start3A_96] : memref<10000x144xf32, #tpu.memory_space<vmem_shared>> -> memref<10000x144xf32, #tpu.memory_space<vmem_shared>>
    tpu.enqueue_indirect_dma source(%arg15 : memref<80x144xf32, #tpu.memory_space<vmem>>) target(%dma_start3A_97 : memref<10000x144xf32, #tpu.memory_space<vmem_shared>>) offsets(%dma_start3A_94 : memref<80xi32, #tpu.memory_space<vmem>>) semaphore(%arg22 : memref<!tpu.dma_semaphore, #tpu.memory_space<semaphore_mem>>) {add = true}
    %dma_wait3A_98 = arith.constant 2 : i32
    %dma_wait3A_99 = arith.constant 0 : i32
    %dma_wait3A_100 = tpu.memref_slice %arg8[%dma_wait3A_98, %dma_wait3A_99] : memref<5x80xi32, #tpu.memory_space<vmem>> -> memref<1x80xi32, #tpu.memory_space<vmem>>
    %dma_wait3A_101 = tpu.memref_squeeze %dma_wait3A_100 : memref<1x80xi32, #tpu.memory_space<vmem>> -> memref<80xi32, #tpu.memory_space<vmem>>
    %dma_wait3A_102 = arith.constant 0 : i32
    %dma_wait3A_103 = arith.constant 0 : i32
    %dma_wait3A_104 = tpu.memref_slice %arg2[%dma_wait3A_102, %dma_wait3A_103] : memref<10000x144xf32, #tpu.memory_space<hbm>> -> memref<10000x144xf32, #tpu.memory_space<hbm>>
    tpu.wait_indirect_dma semaphore(%arg20 : memref<!tpu.dma_semaphore, #tpu.memory_space<semaphore_mem>>) src(%dma_wait3A_104 : memref<10000x144xf32, #tpu.memory_space<hbm>>) dst(%arg16 : memref<80x144xf32, #tpu.memory_space<vmem>>)
    %dma_wait3A_105 = arith.constant 0 : i32
    %dma_wait3A_106 = arith.constant 0 : i32
    %dma_wait3A_107 = tpu.memref_slice %arg11[%dma_wait3A_105, %dma_wait3A_106] : memref<5x80xi32, #tpu.memory_space<vmem>> -> memref<1x80xi32, #tpu.memory_space<vmem>>
    %dma_wait3A_108 = tpu.memref_squeeze %dma_wait3A_107 : memref<1x80xi32, #tpu.memory_space<vmem>> -> memref<80xi32, #tpu.memory_space<vmem>>
    %dma_wait3A_109 = arith.constant 0 : i32
    %dma_wait3A_110 = arith.constant 0 : i32
    %dma_wait3A_111 = tpu.memref_slice %arg17[%dma_wait3A_109, %dma_wait3A_110] : memref<10000x144xf32, #tpu.memory_space<vmem_shared>> -> memref<10000x144xf32, #tpu.memory_space<vmem_shared>>
    tpu.wait_indirect_dma semaphore(%arg22 : memref<!tpu.dma_semaphore, #tpu.memory_space<semaphore_mem>>) src(%arg15 : memref<80x144xf32, #tpu.memory_space<vmem>>) dst(%dma_wait3A_111 : memref<10000x144xf32, #tpu.memory_space<vmem_shared>>)
    %dma_start3A_112 = arith.constant 4 : i32
    %dma_start3A_113 = arith.constant 0 : i32
    %dma_start3A_114 = tpu.memref_slice %arg8[%dma_start3A_112, %dma_start3A_113] : memref<5x80xi32, #tpu.memory_space<vmem>> -> memref<1x80xi32, #tpu.memory_space<vmem>>
    %dma_start3A_115 = tpu.memref_squeeze %dma_start3A_114 : memref<1x80xi32, #tpu.memory_space<vmem>> -> memref<80xi32, #tpu.memory_space<vmem>>
    %dma_start3A_116 = arith.constant 0 : i32
    %dma_start3A_117 = arith.constant 0 : i32
    %dma_start3A_118 = tpu.memref_slice %arg2[%dma_start3A_116, %dma_start3A_117] : memref<10000x144xf32, #tpu.memory_space<hbm>> -> memref<10000x144xf32, #tpu.memory_space<hbm>>
    tpu.enqueue_indirect_dma source(%dma_start3A_118 : memref<10000x144xf32, #tpu.memory_space<hbm>>) target(%arg15 : memref<80x144xf32, #tpu.memory_space<vmem>>) offsets(%dma_start3A_115 : memref<80xi32, #tpu.memory_space<vmem>>) semaphore(%arg19 : memref<!tpu.dma_semaphore, #tpu.memory_space<semaphore_mem>>)
    %dma_start3A_119 = arith.constant 2 : i32
    %dma_start3A_120 = arith.constant 0 : i32
    %dma_start3A_121 = tpu.memref_slice %arg11[%dma_start3A_119, %dma_start3A_120] : memref<5x80xi32, #tpu.memory_space<vmem>> -> memref<1x80xi32, #tpu.memory_space<vmem>>
    %dma_start3A_122 = tpu.memref_squeeze %dma_start3A_121 : memref<1x80xi32, #tpu.memory_space<vmem>> -> memref<80xi32, #tpu.memory_space<vmem>>
    %dma_start3A_123 = arith.constant 0 : i32
    %dma_start3A_124 = arith.constant 0 : i32
    %dma_start3A_125 = tpu.memref_slice %arg17[%dma_start3A_123, %dma_start3A_124] : memref<10000x144xf32, #tpu.memory_space<vmem_shared>> -> memref<10000x144xf32, #tpu.memory_space<vmem_shared>>
    tpu.enqueue_indirect_dma source(%arg16 : memref<80x144xf32, #tpu.memory_space<vmem>>) target(%dma_start3A_125 : memref<10000x144xf32, #tpu.memory_space<vmem_shared>>) offsets(%dma_start3A_122 : memref<80xi32, #tpu.memory_space<vmem>>) semaphore(%arg23 : memref<!tpu.dma_semaphore, #tpu.memory_space<semaphore_mem>>) {add = true}
    %dma_wait3A_126 = arith.constant 3 : i32
    %dma_wait3A_127 = arith.constant 0 : i32
    %dma_wait3A_128 = tpu.memref_slice %arg8[%dma_wait3A_126, %dma_wait3A_127] : memref<5x80xi32, #tpu.memory_space<vmem>> -> memref<1x80xi32, #tpu.memory_space<vmem>>
    %dma_wait3A_129 = tpu.memref_squeeze %dma_wait3A_128 : memref<1x80xi32, #tpu.memory_space<vmem>> -> memref<80xi32, #tpu.memory_space<vmem>>
    %dma_wait3A_130 = arith.constant 0 : i32
    %dma_wait3A_131 = arith.constant 0 : i32
    %dma_wait3A_132 = tpu.memref_slice %arg2[%dma_wait3A_130, %dma_wait3A_131] : memref<10000x144xf32, #tpu.memory_space<hbm>> -> memref<10000x144xf32, #tpu.memory_space<hbm>>
    tpu.wait_indirect_dma semaphore(%arg18 : memref<!tpu.dma_semaphore, #tpu.memory_space<semaphore_mem>>) src(%dma_wait3A_132 : memref<10000x144xf32, #tpu.memory_space<hbm>>) dst(%arg14 : memref<80x144xf32, #tpu.memory_space<vmem>>)
    %dma_wait3A_133 = arith.constant 0 : i32
    %dma_wait3A_134 = arith.constant 0 : i32
    %dma_wait3A_135 = tpu.memref_slice %arg11[%dma_wait3A_133, %dma_wait3A_134] : memref<5x80xi32, #tpu.memory_space<vmem>> -> memref<1x80xi32, #tpu.memory_space<vmem>>
    %dma_wait3A_136 = tpu.memref_squeeze %dma_wait3A_135 : memref<1x80xi32, #tpu.memory_space<vmem>> -> memref<80xi32, #tpu.memory_space<vmem>>
    %dma_wait3A_137 = arith.constant 0 : i32
    %dma_wait3A_138 = arith.constant 0 : i32
    %dma_wait3A_139 = tpu.memref_slice %arg17[%dma_wait3A_137, %dma_wait3A_138] : memref<10000x144xf32, #tpu.memory_space<vmem_shared>> -> memref<10000x144xf32, #tpu.memory_space<vmem_shared>>
    tpu.wait_indirect_dma semaphore(%arg23 : memref<!tpu.dma_semaphore, #tpu.memory_space<semaphore_mem>>) src(%arg16 : memref<80x144xf32, #tpu.memory_space<vmem>>) dst(%dma_wait3A_139 : memref<10000x144xf32, #tpu.memory_space<vmem_shared>>)
    %dma_start3A_140 = arith.constant 3 : i32
    %dma_start3A_141 = arith.constant 0 : i32
    %dma_start3A_142 = tpu.memref_slice %arg11[%dma_start3A_140, %dma_start3A_141] : memref<5x80xi32, #tpu.memory_space<vmem>> -> memref<1x80xi32, #tpu.memory_space<vmem>>
    %dma_start3A_143 = tpu.memref_squeeze %dma_start3A_142 : memref<1x80xi32, #tpu.memory_space<vmem>> -> memref<80xi32, #tpu.memory_space<vmem>>
    %dma_start3A_144 = arith.constant 0 : i32
    %dma_start3A_145 = arith.constant 0 : i32
    %dma_start3A_146 = tpu.memref_slice %arg17[%dma_start3A_144, %dma_start3A_145] : memref<10000x144xf32, #tpu.memory_space<vmem_shared>> -> memref<10000x144xf32, #tpu.memory_space<vmem_shared>>
    tpu.enqueue_indirect_dma source(%arg14 : memref<80x144xf32, #tpu.memory_space<vmem>>) target(%dma_start3A_146 : memref<10000x144xf32, #tpu.memory_space<vmem_shared>>) offsets(%dma_start3A_143 : memref<80xi32, #tpu.memory_space<vmem>>) semaphore(%arg21 : memref<!tpu.dma_semaphore, #tpu.memory_space<semaphore_mem>>) {add = true}
    %dma_wait3A_147 = arith.constant 4 : i32
    %dma_wait3A_148 = arith.constant 0 : i32
    %dma_wait3A_149 = tpu.memref_slice %arg8[%dma_wait3A_147, %dma_wait3A_148] : memref<5x80xi32, #tpu.memory_space<vmem>> -> memref<1x80xi32, #tpu.memory_space<vmem>>
    %dma_wait3A_150 = tpu.memref_squeeze %dma_wait3A_149 : memref<1x80xi32, #tpu.memory_space<vmem>> -> memref<80xi32, #tpu.memory_space<vmem>>
    %dma_wait3A_151 = arith.constant 0 : i32
    %dma_wait3A_152 = arith.constant 0 : i32
    %dma_wait3A_153 = tpu.memref_slice %arg2[%dma_wait3A_151, %dma_wait3A_152] : memref<10000x144xf32, #tpu.memory_space<hbm>> -> memref<10000x144xf32, #tpu.memory_space<hbm>>
    tpu.wait_indirect_dma semaphore(%arg19 : memref<!tpu.dma_semaphore, #tpu.memory_space<semaphore_mem>>) src(%dma_wait3A_153 : memref<10000x144xf32, #tpu.memory_space<hbm>>) dst(%arg15 : memref<80x144xf32, #tpu.memory_space<vmem>>)
    %dma_wait3A_154 = arith.constant 0 : i32
    %dma_wait3A_155 = arith.constant 0 : i32
    %dma_wait3A_156 = tpu.memref_slice %arg11[%dma_wait3A_154, %dma_wait3A_155] : memref<5x80xi32, #tpu.memory_space<vmem>> -> memref<1x80xi32, #tpu.memory_space<vmem>>
    %dma_wait3A_157 = tpu.memref_squeeze %dma_wait3A_156 : memref<1x80xi32, #tpu.memory_space<vmem>> -> memref<80xi32, #tpu.memory_space<vmem>>
    %dma_wait3A_158 = arith.constant 0 : i32
    %dma_wait3A_159 = arith.constant 0 : i32
    %dma_wait3A_160 = tpu.memref_slice %arg17[%dma_wait3A_158, %dma_wait3A_159] : memref<10000x144xf32, #tpu.memory_space<vmem_shared>> -> memref<10000x144xf32, #tpu.memory_space<vmem_shared>>
    tpu.wait_indirect_dma semaphore(%arg21 : memref<!tpu.dma_semaphore, #tpu.memory_space<semaphore_mem>>) src(%arg14 : memref<80x144xf32, #tpu.memory_space<vmem>>) dst(%dma_wait3A_160 : memref<10000x144xf32, #tpu.memory_space<vmem_shared>>)
    %dma_start3A_161 = arith.constant 4 : i32
    %dma_start3A_162 = arith.constant 0 : i32
    %dma_start3A_163 = tpu.memref_slice %arg11[%dma_start3A_161, %dma_start3A_162] : memref<5x80xi32, #tpu.memory_space<vmem>> -> memref<1x80xi32, #tpu.memory_space<vmem>>
    %dma_start3A_164 = tpu.memref_squeeze %dma_start3A_163 : memref<1x80xi32, #tpu.memory_space<vmem>> -> memref<80xi32, #tpu.memory_space<vmem>>
    %dma_start3A_165 = arith.constant 0 : i32
    %dma_start3A_166 = arith.constant 0 : i32
    %dma_start3A_167 = tpu.memref_slice %arg17[%dma_start3A_165, %dma_start3A_166] : memref<10000x144xf32, #tpu.memory_space<vmem_shared>> -> memref<10000x144xf32, #tpu.memory_space<vmem_shared>>
    tpu.enqueue_indirect_dma source(%arg15 : memref<80x144xf32, #tpu.memory_space<vmem>>) target(%dma_start3A_167 : memref<10000x144xf32, #tpu.memory_space<vmem_shared>>) offsets(%dma_start3A_164 : memref<80xi32, #tpu.memory_space<vmem>>) semaphore(%arg22 : memref<!tpu.dma_semaphore, #tpu.memory_space<semaphore_mem>>) {add = true}
    %dma_wait3A_168 = arith.constant 0 : i32
    %dma_wait3A_169 = arith.constant 0 : i32
    %dma_wait3A_170 = tpu.memref_slice %arg11[%dma_wait3A_168, %dma_wait3A_169] : memref<5x80xi32, #tpu.memory_space<vmem>> -> memref<1x80xi32, #tpu.memory_space<vmem>>
    %dma_wait3A_171 = tpu.memref_squeeze %dma_wait3A_170 : memref<1x80xi32, #tpu.memory_space<vmem>> -> memref<80xi32, #tpu.memory_space<vmem>>
    %dma_wait3A_172 = arith.constant 0 : i32
    %dma_wait3A_173 = arith.constant 0 : i32
    %dma_wait3A_174 = tpu.memref_slice %arg17[%dma_wait3A_172, %dma_wait3A_173] : memref<10000x144xf32, #tpu.memory_space<vmem_shared>> -> memref<10000x144xf32, #tpu.memory_space<vmem_shared>>
    tpu.wait_indirect_dma semaphore(%arg22 : memref<!tpu.dma_semaphore, #tpu.memory_space<semaphore_mem>>) src(%arg15 : memref<80x144xf32, #tpu.memory_space<vmem>>) dst(%dma_wait3A_174 : memref<10000x144xf32, #tpu.memory_space<vmem_shared>>)
    %barrier3A_175 = arith.constant 0 : index
    tpu.barrier barrier_id(%barrier3A_175)
    %eq3A = arith.constant 0 : i32
    %eq3A_176 = arith.cmpi eq, %arg0, %eq3A : i32
    %convert_element_type3A = arith.extui %eq3A_176 : i1 to i32
    %cond3A = arith.constant 0 : i32
    %cond3A_177 = arith.cmpi ne, %convert_element_type3A, %cond3A : i32
    scf.if %cond3A_177 {
      "tpu.region"() ({
        %run_scoped3A = tpu.sem_alloc : memref<!tpu.dma_semaphore, #tpu.memory_space<semaphore_mem>>
        %dma_start3A_183 = arith.constant 0 : i32
        %dma_start3A_184 = tpu.memref_slice %arg6[%mul3A_0, %dma_start3A_183] : memref<10000x144xf32, #tpu.memory_space<hbm>> -> memref<625x144xf32, #tpu.memory_space<hbm>>
        %dma_start3A_185 = arith.constant 0 : i32
        %dma_start3A_186 = tpu.memref_slice %arg17[%mul3A_0, %dma_start3A_185] : memref<10000x144xf32, #tpu.memory_space<vmem_shared>> -> memref<625x144xf32, #tpu.memory_space<vmem_shared>>
        tpu.enqueue_dma source(%dma_start3A_186 : memref<625x144xf32, #tpu.memory_space<vmem_shared>>) target(%dma_start3A_184 : memref<625x144xf32, #tpu.memory_space<hbm>>) target_semaphore(%run_scoped3A : memref<!tpu.dma_semaphore, #tpu.memory_space<semaphore_mem>>)
        %dma_wait3A_187 = arith.constant 0 : i32
        %dma_wait3A_188 = tpu.memref_slice %arg6[%mul3A_0, %dma_wait3A_187] : memref<10000x144xf32, #tpu.memory_space<hbm>> -> memref<625x144xf32, #tpu.memory_space<hbm>>
        %dma_wait3A_189 = arith.constant 0 : i32
        %dma_wait3A_190 = tpu.memref_slice %arg17[%mul3A_0, %dma_wait3A_189] : memref<10000x144xf32, #tpu.memory_space<vmem_shared>> -> memref<625x144xf32, #tpu.memory_space<vmem_shared>>
        tpu.wait_dma2 semaphore(%run_scoped3A : memref<!tpu.dma_semaphore, #tpu.memory_space<semaphore_mem>>) src(%dma_wait3A_190 : memref<625x144xf32, #tpu.memory_space<vmem_shared>>) dst(%dma_wait3A_188 : memref<625x144xf32, #tpu.memory_space<hbm>>)
        tpu.yield
      }) : () -> ()
    } else {
    }
    %eq3A_178 = arith.constant 1 : i32
    %eq3A_179 = arith.cmpi eq, %arg0, %eq3A_178 : i32
    %convert_element_type3A_180 = arith.extui %eq3A_179 : i1 to i32
    %cond3A_181 = arith.constant 0 : i32
    %cond3A_182 = arith.cmpi ne, %convert_element_type3A_180, %cond3A_181 : i32
    scf.if %cond3A_182 {
      "tpu.region"() ({
        %run_scoped3A = tpu.sem_alloc : memref<!tpu.dma_semaphore, #tpu.memory_space<semaphore_mem>>
        %dma_start3A_183 = arith.constant 0 : i32
        %dma_start3A_184 = tpu.memref_slice %arg7[%mul3A_0, %dma_start3A_183] : memref<10000x144xf32, #tpu.memory_space<hbm>> -> memref<625x144xf32, #tpu.memory_space<hbm>>
        %dma_start3A_185 = arith.constant 0 : i32
        %dma_start3A_186 = tpu.memref_slice %arg17[%mul3A_0, %dma_start3A_185] : memref<10000x144xf32, #tpu.memory_space<vmem_shared>> -> memref<625x144xf32, #tpu.memory_space<vmem_shared>>
        tpu.enqueue_dma source(%dma_start3A_186 : memref<625x144xf32, #tpu.memory_space<vmem_shared>>) target(%dma_start3A_184 : memref<625x144xf32, #tpu.memory_space<hbm>>) target_semaphore(%run_scoped3A : memref<!tpu.dma_semaphore, #tpu.memory_space<semaphore_mem>>)
        %dma_wait3A_187 = arith.constant 0 : i32
        %dma_wait3A_188 = tpu.memref_slice %arg7[%mul3A_0, %dma_wait3A_187] : memref<10000x144xf32, #tpu.memory_space<hbm>> -> memref<625x144xf32, #tpu.memory_space<hbm>>
        %dma_wait3A_189 = arith.constant 0 : i32
        %dma_wait3A_190 = tpu.memref_slice %arg17[%mul3A_0, %dma_wait3A_189] : memref<10000x144xf32, #tpu.memory_space<vmem_shared>> -> memref<625x144xf32, #tpu.memory_space<vmem_shared>>
        tpu.wait_dma2 semaphore(%run_scoped3A : memref<!tpu.dma_semaphore, #tpu.memory_space<semaphore_mem>>) src(%dma_wait3A_190 : memref<625x144xf32, #tpu.memory_space<vmem_shared>>) dst(%dma_wait3A_188 : memref<625x144xf32, #tpu.memory_space<hbm>>)
        tpu.yield
      }) : () -> ()
    } else {
    }
    return
  }
}

#map = affine_map<(d0, d1) -> (0, 0)>
module attributes {stable_mosaic.version = 14 : i64} {
  func.func @scatter_kernel(%arg0: i32, %arg1: i32, %arg2: memref<10000x144xf32, #tpu.memory_space<hbm>>, %arg3: memref<4000x80xi32, #tpu.memory_space<hbm>>, %arg4: memref<4000x80xi32, #tpu.memory_space<hbm>>, %arg5: memref<625x144xf32, #tpu.memory_space<hbm>>, %arg6: memref<10000x144xf32, #tpu.memory_space<hbm>>, %arg7: memref<10000x144xf32, #tpu.memory_space<hbm>>, %arg8: memref<5x80xi32, #tpu.memory_space<vmem>>, %arg9: memref<5x80xi32, #tpu.memory_space<vmem>>, %arg10: memref<5x80xi32, #tpu.memory_space<vmem>>, %arg11: memref<5x80xi32, #tpu.memory_space<vmem>>, %arg12: memref<5x80xi32, #tpu.memory_space<vmem>>, %arg13: memref<5x80xi32, #tpu.memory_space<vmem>>, %arg14: memref<80x144xf32, #tpu.memory_space<vmem>>, %arg15: memref<80x144xf32, #tpu.memory_space<vmem>>, %arg16: memref<80x144xf32, #tpu.memory_space<vmem>>, %arg17: memref<10000x144xf32, #tpu.memory_space<vmem_shared>>, %arg18: memref<!tpu.dma_semaphore, #tpu.memory_space<semaphore_mem>>, %arg19: memref<!tpu.dma_semaphore, #tpu.memory_space<semaphore_mem>>, %arg20: memref<!tpu.dma_semaphore, #tpu.memory_space<semaphore_mem>>, %arg21: memref<!tpu.dma_semaphore, #tpu.memory_space<semaphore_mem>>, %arg22: memref<!tpu.dma_semaphore, #tpu.memory_space<semaphore_mem>>, %arg23: memref<!tpu.dma_semaphore, #tpu.memory_space<semaphore_mem>>, %arg24: memref<!tpu.dma_semaphore, #tpu.memory_space<semaphore_mem>>, %arg25: memref<!tpu.dma_semaphore, #tpu.memory_space<semaphore_mem>>, %arg26: memref<!tpu.dma_semaphore, #tpu.memory_space<semaphore_mem>>) attributes {dimension_semantics = [#tpu.dimension_semantics<core_parallel>, #tpu.dimension_semantics<subcore_parallel>], iteration_bounds = array<i64: 2, 16>, scalar_prefetch = 0 : i64, scratch_operands = 19 : i64, tpu.core_type = #tpu.core_type<sc_vector_subcore>, window_params = [{transform_indices = #map}, {transform_indices = #map}, {transform_indices = #map}, {transform_indices = #map}, {transform_indices = #map}, {transform_indices = #map}]} {
    %mul3A = arith.constant 625 : i32
    %mul3A_0 = arith.muli %arg1, %mul3A : i32
    %mul3A_1 = arith.constant 2000 : i32
    %mul3A_2 = arith.muli %arg0, %mul3A_1 : i32
    %mul3A_3 = arith.constant 125 : i32
    %mul3A_4 = arith.muli %arg1, %mul3A_3 : i32
    %add3A = arith.addi %mul3A_2, %mul3A_4 : i32
    "tpu.region"() ({
      %run_scoped3A = tpu.sem_alloc : memref<!tpu.dma_semaphore, #tpu.memory_space<semaphore_mem>>
      %dma_start3A_183 = arith.constant 0 : i32
      %dma_start3A_184 = tpu.memref_slice %arg17[%mul3A_0, %dma_start3A_183] : memref<10000x144xf32, #tpu.memory_space<vmem_shared>> -> memref<625x144xf32, #tpu.memory_space<vmem_shared>>
      tpu.enqueue_dma source(%arg5 : memref<625x144xf32, #tpu.memory_space<hbm>>) target(%dma_start3A_184 : memref<625x144xf32, #tpu.memory_space<vmem_shared>>) target_semaphore(%run_scoped3A : memref<!tpu.dma_semaphore, #tpu.memory_space<semaphore_mem>>)
      %dma_wait3A_185 = arith.constant 0 : i32
      %dma_wait3A_186 = tpu.memref_slice %arg17[%mul3A_0, %dma_wait3A_185] : memref<10000x144xf32, #tpu.memory_space<vmem_shared>> -> memref<625x144xf32, #tpu.memory_space<vmem_shared>>
      tpu.wait_dma2 semaphore(%run_scoped3A : memref<!tpu.dma_semaphore, #tpu.memory_space<semaphore_mem>>) src(%arg5 : memref<625x144xf32, #tpu.memory_space<hbm>>) dst(%dma_wait3A_186 : memref<625x144xf32, #tpu.memory_space<vmem_shared>>)
      tpu.yield
    }) : () -> ()
    "tpu.region"() ({
      %run_scoped3A = tpu.sem_alloc : memref<!tpu.dma_semaphore, #tpu.memory_space<semaphore_mem>>
      %dma_start3A_183 = arith.constant 0 : i32
      %dma_start3A_184 = tpu.memref_slice %arg3[%add3A, %dma_start3A_183] : memref<4000x80xi32, #tpu.memory_space<hbm>> -> memref<5x80xi32, #tpu.memory_space<hbm>>
      %dma_start3A_185 = arith.constant 0 : i32
      %dma_start3A_186 = tpu.memref_slice %arg3[%add3A, %dma_start3A_185] : memref<4000x80xi32, #tpu.memory_space<hbm>> -> memref<5x80xi32, #tpu.memory_space<hbm>>
      tpu.enqueue_dma source(%dma_start3A_186 : memref<5x80xi32, #tpu.memory_space<hbm>>) target(%arg8 : memref<5x80xi32, #tpu.memory_space<vmem>>) target_semaphore(%run_scoped3A : memref<!tpu.dma_semaphore, #tpu.memory_space<semaphore_mem>>)
      %dma_wait3A_187 = arith.constant 0 : i32
      %dma_wait3A_188 = tpu.memref_slice %arg3[%add3A, %dma_wait3A_187] : memref<4000x80xi32, #tpu.memory_space<hbm>> -> memref<5x80xi32, #tpu.memory_space<hbm>>
      %dma_wait3A_189 = arith.constant 0 : i32
      %dma_wait3A_190 = tpu.memref_slice %arg3[%add3A, %dma_wait3A_189] : memref<4000x80xi32, #tpu.memory_space<hbm>> -> memref<5x80xi32, #tpu.memory_space<hbm>>
      tpu.wait_dma2 semaphore(%run_scoped3A : memref<!tpu.dma_semaphore, #tpu.memory_space<semaphore_mem>>) src(%dma_wait3A_190 : memref<5x80xi32, #tpu.memory_space<hbm>>) dst(%arg8 : memref<5x80xi32, #tpu.memory_space<vmem>>)
      tpu.yield
    }) : () -> ()
    "tpu.region"() ({
      %run_scoped3A = tpu.sem_alloc : memref<!tpu.dma_semaphore, #tpu.memory_space<semaphore_mem>>
      %dma_start3A_183 = arith.constant 0 : i32
      %dma_start3A_184 = tpu.memref_slice %arg4[%add3A, %dma_start3A_183] : memref<4000x80xi32, #tpu.memory_space<hbm>> -> memref<5x80xi32, #tpu.memory_space<hbm>>
      %dma_start3A_185 = arith.constant 0 : i32
      %dma_start3A_186 = tpu.memref_slice %arg4[%add3A, %dma_start3A_185] : memref<4000x80xi32, #tpu.memory_space<hbm>> -> memref<5x80xi32, #tpu.memory_space<hbm>>
      tpu.enqueue_dma source(%dma_start3A_186 : memref<5x80xi32, #tpu.memory_space<hbm>>) target(%arg11 : memref<5x80xi32, #tpu.memory_space<vmem>>) target_semaphore(%run_scoped3A : memref<!tpu.dma_semaphore, #tpu.memory_space<semaphore_mem>>)
      %dma_wait3A_187 = arith.constant 0 : i32
      %dma_wait3A_188 = tpu.memref_slice %arg4[%add3A, %dma_wait3A_187] : memref<4000x80xi32, #tpu.memory_space<hbm>> -> memref<5x80xi32, #tpu.memory_space<hbm>>
      %dma_wait3A_189 = arith.constant 0 : i32
      %dma_wait3A_190 = tpu.memref_slice %arg4[%add3A, %dma_wait3A_189] : memref<4000x80xi32, #tpu.memory_space<hbm>> -> memref<5x80xi32, #tpu.memory_space<hbm>>
      tpu.wait_dma2 semaphore(%run_scoped3A : memref<!tpu.dma_semaphore, #tpu.memory_space<semaphore_mem>>) src(%dma_wait3A_190 : memref<5x80xi32, #tpu.memory_space<hbm>>) dst(%arg11 : memref<5x80xi32, #tpu.memory_space<vmem>>)
      tpu.yield
    }) : () -> ()
    %dma_start3A = arith.constant 0 : i32
    %dma_start3A_5 = arith.constant 0 : i32
    %dma_start3A_6 = tpu.memref_slice %arg8[%dma_start3A, %dma_start3A_5] : memref<5x80xi32, #tpu.memory_space<vmem>> -> memref<1x80xi32, #tpu.memory_space<vmem>>
    %dma_start3A_7 = tpu.memref_squeeze %dma_start3A_6 : memref<1x80xi32, #tpu.memory_space<vmem>> -> memref<80xi32, #tpu.memory_space<vmem>>
    %dma_start3A_8 = arith.constant 0 : i32
    %dma_start3A_9 = arith.constant 0 : i32
    %dma_start3A_10 = tpu.memref_slice %arg2[%dma_start3A_8, %dma_start3A_9] : memref<10000x144xf32, #tpu.memory_space<hbm>> -> memref<10000x144xf32, #tpu.memory_space<hbm>>
    tpu.enqueue_indirect_dma source(%dma_start3A_10 : memref<10000x144xf32, #tpu.memory_space<hbm>>) target(%arg14 : memref<80x144xf32, #tpu.memory_space<vmem>>) offsets(%dma_start3A_7 : memref<80xi32, #tpu.memory_space<vmem>>) semaphore(%arg18 : memref<!tpu.dma_semaphore, #tpu.memory_space<semaphore_mem>>)
    %dma_start3A_11 = arith.constant 1 : i32
    %dma_start3A_12 = arith.constant 0 : i32
    %dma_start3A_13 = tpu.memref_slice %arg8[%dma_start3A_11, %dma_start3A_12] : memref<5x80xi32, #tpu.memory_space<vmem>> -> memref<1x80xi32, #tpu.memory_space<vmem>>
    %dma_start3A_14 = tpu.memref_squeeze %dma_start3A_13 : memref<1x80xi32, #tpu.memory_space<vmem>> -> memref<80xi32, #tpu.memory_space<vmem>>
    %dma_start3A_15 = arith.constant 0 : i32
    %dma_start3A_16 = arith.constant 0 : i32
    %dma_start3A_17 = tpu.memref_slice %arg2[%dma_start3A_15, %dma_start3A_16] : memref<10000x144xf32, #tpu.memory_space<hbm>> -> memref<10000x144xf32, #tpu.memory_space<hbm>>
    tpu.enqueue_indirect_dma source(%dma_start3A_17 : memref<10000x144xf32, #tpu.memory_space<hbm>>) target(%arg15 : memref<80x144xf32, #tpu.memory_space<vmem>>) offsets(%dma_start3A_14 : memref<80xi32, #tpu.memory_space<vmem>>) semaphore(%arg19 : memref<!tpu.dma_semaphore, #tpu.memory_space<semaphore_mem>>)
    %add3A_18 = arith.constant 5 : i32
    %add3A_19 = arith.addi %add3A, %add3A_18 : i32
    %dma_start3A_20 = arith.constant 0 : i32
    %dma_start3A_21 = tpu.memref_slice %arg3[%add3A_19, %dma_start3A_20] : memref<4000x80xi32, #tpu.memory_space<hbm>> -> memref<5x80xi32, #tpu.memory_space<hbm>>
    %dma_start3A_22 = arith.constant 0 : i32
    %dma_start3A_23 = tpu.memref_slice %arg3[%add3A_19, %dma_start3A_22] : memref<4000x80xi32, #tpu.memory_space<hbm>> -> memref<5x80xi32, #tpu.memory_space<hbm>>
    tpu.enqueue_dma source(%dma_start3A_23 : memref<5x80xi32, #tpu.memory_space<hbm>>) target(%arg9 : memref<5x80xi32, #tpu.memory_space<vmem>>) target_semaphore(%arg25 : memref<!tpu.dma_semaphore, #tpu.memory_space<semaphore_mem>>)
    %dma_start3A_24 = arith.constant 0 : i32
    %dma_start3A_25 = tpu.memref_slice %arg4[%add3A_19, %dma_start3A_24] : memref<4000x80xi32, #tpu.memory_space<hbm>> -> memref<5x80xi32, #tpu.memory_space<hbm>>
    %dma_start3A_26 = arith.constant 0 : i32
    %dma_start3A_27 = tpu.memref_slice %arg4[%add3A_19, %dma_start3A_26] : memref<4000x80xi32, #tpu.memory_space<hbm>> -> memref<5x80xi32, #tpu.memory_space<hbm>>
    tpu.enqueue_dma source(%dma_start3A_27 : memref<5x80xi32, #tpu.memory_space<hbm>>) target(%arg12 : memref<5x80xi32, #tpu.memory_space<vmem>>) target_semaphore(%arg25 : memref<!tpu.dma_semaphore, #tpu.memory_space<semaphore_mem>>)
    %add3A_28 = arith.constant 10 : i32
    %add3A_29 = arith.addi %add3A, %add3A_28 : i32
    %dma_start3A_30 = arith.constant 0 : i32
    %dma_start3A_31 = tpu.memref_slice %arg3[%add3A_29, %dma_start3A_30] : memref<4000x80xi32, #tpu.memory_space<hbm>> -> memref<5x80xi32, #tpu.memory_space<hbm>>
    %dma_start3A_32 = arith.constant 0 : i32
    %dma_start3A_33 = tpu.memref_slice %arg3[%add3A_29, %dma_start3A_32] : memref<4000x80xi32, #tpu.memory_space<hbm>> -> memref<5x80xi32, #tpu.memory_space<hbm>>
    tpu.enqueue_dma source(%dma_start3A_33 : memref<5x80xi32, #tpu.memory_space<hbm>>) target(%arg10 : memref<5x80xi32, #tpu.memory_space<vmem>>) target_semaphore(%arg26 : memref<!tpu.dma_semaphore, #tpu.memory_space<semaphore_mem>>)
    %dma_start3A_34 = arith.constant 0 : i32
    %dma_start3A_35 = tpu.memref_slice %arg4[%add3A_29, %dma_start3A_34] : memref<4000x80xi32, #tpu.memory_space<hbm>> -> memref<5x80xi32, #tpu.memory_space<hbm>>
    %dma_start3A_36 = arith.constant 0 : i32
    %dma_start3A_37 = tpu.memref_slice %arg4[%add3A_29, %dma_start3A_36] : memref<4000x80xi32, #tpu.memory_space<hbm>> -> memref<5x80xi32, #tpu.memory_space<hbm>>
    tpu.enqueue_dma source(%dma_start3A_37 : memref<5x80xi32, #tpu.memory_space<hbm>>) target(%arg13 : memref<5x80xi32, #tpu.memory_space<vmem>>) target_semaphore(%arg26 : memref<!tpu.dma_semaphore, #tpu.memory_space<semaphore_mem>>)
    %barrier3A = arith.constant 0 : index
    tpu.barrier barrier_id(%barrier3A)
    %scan3A = arith.constant 0 : i32
    %scan3A_38 = arith.constant 0 : i32
    %scan3A_39 = arith.constant 8 : i32
    %scan3A_40 = arith.addi %scan3A_38, %scan3A_39 : i32
    %scan3A_41 = arith.constant 1 : i32
    scf.for %scan3A_183 = %scan3A_38 to %scan3A_40 step %scan3A_41  : i32 {
      %mul3A_184 = arith.constant 15 : i32
      %mul3A_185 = arith.muli %scan3A_183, %mul3A_184 : i32
      %add3A_186 = arith.addi %add3A, %mul3A_185 : i32
      %mul3A_187 = arith.constant 15 : i32
      %mul3A_188 = arith.muli %scan3A_183, %mul3A_187 : i32
      %add3A_189 = arith.constant 5 : i32
      %add3A_190 = arith.addi %add3A_186, %add3A_189 : i32
      %dma_wait3A_191 = arith.constant 0 : i32
      %dma_wait3A_192 = arith.constant 0 : i32
      %dma_wait3A_193 = tpu.memref_slice %arg8[%dma_wait3A_191, %dma_wait3A_192] : memref<5x80xi32, #tpu.memory_space<vmem>> -> memref<1x80xi32, #tpu.memory_space<vmem>>
      %dma_wait3A_194 = tpu.memref_squeeze %dma_wait3A_193 : memref<1x80xi32, #tpu.memory_space<vmem>> -> memref<80xi32, #tpu.memory_space<vmem>>
      %dma_wait3A_195 = arith.constant 0 : i32
      %dma_wait3A_196 = arith.constant 0 : i32
      %dma_wait3A_197 = tpu.memref_slice %arg2[%dma_wait3A_195, %dma_wait3A_196] : memref<10000x144xf32, #tpu.memory_space<hbm>> -> memref<10000x144xf32, #tpu.memory_space<hbm>>
      tpu.wait_indirect_dma semaphore(%arg18 : memref<!tpu.dma_semaphore, #tpu.memory_space<semaphore_mem>>) src(%dma_wait3A_197 : memref<10000x144xf32, #tpu.memory_space<hbm>>) dst(%arg14 : memref<80x144xf32, #tpu.memory_space<vmem>>)
      %gt3A = arith.constant 0 : i32
      %gt3A_198 = arith.cmpi sgt, %mul3A_188, %gt3A : i32
      %convert_element_type3A_199 = arith.extui %gt3A_198 : i1 to i32
      %cond3A_200 = arith.constant 0 : i32
      %cond3A_201 = arith.cmpi ne, %convert_element_type3A_199, %cond3A_200 : i32
      scf.if %cond3A_201 {
        %dma_wait3A_659 = arith.constant 0 : i32
        %dma_wait3A_660 = arith.constant 0 : i32
        %dma_wait3A_661 = tpu.memref_slice %arg11[%dma_wait3A_659, %dma_wait3A_660] : memref<5x80xi32, #tpu.memory_space<vmem>> -> memref<1x80xi32, #tpu.memory_space<vmem>>
        %dma_wait3A_662 = tpu.memref_squeeze %dma_wait3A_661 : memref<1x80xi32, #tpu.memory_space<vmem>> -> memref<80xi32, #tpu.memory_space<vmem>>
        %dma_wait3A_663 = arith.constant 0 : i32
        %dma_wait3A_664 = arith.constant 0 : i32
        %dma_wait3A_665 = tpu.memref_slice %arg17[%dma_wait3A_663, %dma_wait3A_664] : memref<10000x144xf32, #tpu.memory_space<vmem_shared>> -> memref<10000x144xf32, #tpu.memory_space<vmem_shared>>
        tpu.wait_indirect_dma semaphore(%arg23 : memref<!tpu.dma_semaphore, #tpu.memory_space<semaphore_mem>>) src(%arg16 : memref<80x144xf32, #tpu.memory_space<vmem>>) dst(%dma_wait3A_665 : memref<10000x144xf32, #tpu.memory_space<vmem_shared>>)
      } else {
      }
      %dma_start3A_202 = arith.constant 2 : i32
      %dma_start3A_203 = arith.constant 0 : i32
      %dma_start3A_204 = tpu.memref_slice %arg8[%dma_start3A_202, %dma_start3A_203] : memref<5x80xi32, #tpu.memory_space<vmem>> -> memref<1x80xi32, #tpu.memory_space<vmem>>
      %dma_start3A_205 = tpu.memref_squeeze %dma_start3A_204 : memref<1x80xi32, #tpu.memory_space<vmem>> -> memref<80xi32, #tpu.memory_space<vmem>>
      %dma_start3A_206 = arith.constant 0 : i32
      %dma_start3A_207 = arith.constant 0 : i32
      %dma_start3A_208 = tpu.memref_slice %arg2[%dma_start3A_206, %dma_start3A_207] : memref<10000x144xf32, #tpu.memory_space<hbm>> -> memref<10000x144xf32, #tpu.memory_space<hbm>>
      tpu.enqueue_indirect_dma source(%dma_start3A_208 : memref<10000x144xf32, #tpu.memory_space<hbm>>) target(%arg16 : memref<80x144xf32, #tpu.memory_space<vmem>>) offsets(%dma_start3A_205 : memref<80xi32, #tpu.memory_space<vmem>>) semaphore(%arg20 : memref<!tpu.dma_semaphore, #tpu.memory_space<semaphore_mem>>)
      %dma_start3A_209 = arith.constant 0 : i32
      %dma_start3A_210 = arith.constant 0 : i32
      %dma_start3A_211 = tpu.memref_slice %arg11[%dma_start3A_209, %dma_start3A_210] : memref<5x80xi32, #tpu.memory_space<vmem>> -> memref<1x80xi32, #tpu.memory_space<vmem>>
      %dma_start3A_212 = tpu.memref_squeeze %dma_start3A_211 : memref<1x80xi32, #tpu.memory_space<vmem>> -> memref<80xi32, #tpu.memory_space<vmem>>
      %dma_start3A_213 = arith.constant 0 : i32
      %dma_start3A_214 = arith.constant 0 : i32
      %dma_start3A_215 = tpu.memref_slice %arg17[%dma_start3A_213, %dma_start3A_214] : memref<10000x144xf32, #tpu.memory_space<vmem_shared>> -> memref<10000x144xf32, #tpu.memory_space<vmem_shared>>
      tpu.enqueue_indirect_dma source(%arg14 : memref<80x144xf32, #tpu.memory_space<vmem>>) target(%dma_start3A_215 : memref<10000x144xf32, #tpu.memory_space<vmem_shared>>) offsets(%dma_start3A_212 : memref<80xi32, #tpu.memory_space<vmem>>) semaphore(%arg21 : memref<!tpu.dma_semaphore, #tpu.memory_space<semaphore_mem>>) {add = true}
      %dma_wait3A_216 = arith.constant 1 : i32
      %dma_wait3A_217 = arith.constant 0 : i32
      %dma_wait3A_218 = tpu.memref_slice %arg8[%dma_wait3A_216, %dma_wait3A_217] : memref<5x80xi32, #tpu.memory_space<vmem>> -> memref<1x80xi32, #tpu.memory_space<vmem>>
      %dma_wait3A_219 = tpu.memref_squeeze %dma_wait3A_218 : memref<1x80xi32, #tpu.memory_space<vmem>> -> memref<80xi32, #tpu.memory_space<vmem>>
      %dma_wait3A_220 = arith.constant 0 : i32
      %dma_wait3A_221 = arith.constant 0 : i32
      %dma_wait3A_222 = tpu.memref_slice %arg2[%dma_wait3A_220, %dma_wait3A_221] : memref<10000x144xf32, #tpu.memory_space<hbm>> -> memref<10000x144xf32, #tpu.memory_space<hbm>>
      tpu.wait_indirect_dma semaphore(%arg19 : memref<!tpu.dma_semaphore, #tpu.memory_space<semaphore_mem>>) src(%dma_wait3A_222 : memref<10000x144xf32, #tpu.memory_space<hbm>>) dst(%arg15 : memref<80x144xf32, #tpu.memory_space<vmem>>)
      %dma_wait3A_223 = arith.constant 0 : i32
      %dma_wait3A_224 = arith.constant 0 : i32
      %dma_wait3A_225 = tpu.memref_slice %arg11[%dma_wait3A_223, %dma_wait3A_224] : memref<5x80xi32, #tpu.memory_space<vmem>> -> memref<1x80xi32, #tpu.memory_space<vmem>>
      %dma_wait3A_226 = tpu.memref_squeeze %dma_wait3A_225 : memref<1x80xi32, #tpu.memory_space<vmem>> -> memref<80xi32, #tpu.memory_space<vmem>>
      %dma_wait3A_227 = arith.constant 0 : i32
      %dma_wait3A_228 = arith.constant 0 : i32
      %dma_wait3A_229 = tpu.memref_slice %arg17[%dma_wait3A_227, %dma_wait3A_228] : memref<10000x144xf32, #tpu.memory_space<vmem_shared>> -> memref<10000x144xf32, #tpu.memory_space<vmem_shared>>
      tpu.wait_indirect_dma semaphore(%arg21 : memref<!tpu.dma_semaphore, #tpu.memory_space<semaphore_mem>>) src(%arg14 : memref<80x144xf32, #tpu.memory_space<vmem>>) dst(%dma_wait3A_229 : memref<10000x144xf32, #tpu.memory_space<vmem_shared>>)
      %dma_start3A_230 = arith.constant 3 : i32
      %dma_start3A_231 = arith.constant 0 : i32
      %dma_start3A_232 = tpu.memref_slice %arg8[%dma_start3A_230, %dma_start3A_231] : memref<5x80xi32, #tpu.memory_space<vmem>> -> memref<1x80xi32, #tpu.memory_space<vmem>>
      %dma_start3A_233 = tpu.memref_squeeze %dma_start3A_232 : memref<1x80xi32, #tpu.memory_space<vmem>> -> memref<80xi32, #tpu.memory_space<vmem>>
      %dma_start3A_234 = arith.constant 0 : i32
      %dma_start3A_235 = arith.constant 0 : i32
      %dma_start3A_236 = tpu.memref_slice %arg2[%dma_start3A_234, %dma_start3A_235] : memref<10000x144xf32, #tpu.memory_space<hbm>> -> memref<10000x144xf32, #tpu.memory_space<hbm>>
      tpu.enqueue_indirect_dma source(%dma_start3A_236 : memref<10000x144xf32, #tpu.memory_space<hbm>>) target(%arg14 : memref<80x144xf32, #tpu.memory_space<vmem>>) offsets(%dma_start3A_233 : memref<80xi32, #tpu.memory_space<vmem>>) semaphore(%arg18 : memref<!tpu.dma_semaphore, #tpu.memory_space<semaphore_mem>>)
      %dma_start3A_237 = arith.constant 1 : i32
      %dma_start3A_238 = arith.constant 0 : i32
      %dma_start3A_239 = tpu.memref_slice %arg11[%dma_start3A_237, %dma_start3A_238] : memref<5x80xi32, #tpu.memory_space<vmem>> -> memref<1x80xi32, #tpu.memory_space<vmem>>
      %dma_start3A_240 = tpu.memref_squeeze %dma_start3A_239 : memref<1x80xi32, #tpu.memory_space<vmem>> -> memref<80xi32, #tpu.memory_space<vmem>>
      %dma_start3A_241 = arith.constant 0 : i32
      %dma_start3A_242 = arith.constant 0 : i32
      %dma_start3A_243 = tpu.memref_slice %arg17[%dma_start3A_241, %dma_start3A_242] : memref<10000x144xf32, #tpu.memory_space<vmem_shared>> -> memref<10000x144xf32, #tpu.memory_space<vmem_shared>>
      tpu.enqueue_indirect_dma source(%arg15 : memref<80x144xf32, #tpu.memory_space<vmem>>) target(%dma_start3A_243 : memref<10000x144xf32, #tpu.memory_space<vmem_shared>>) offsets(%dma_start3A_240 : memref<80xi32, #tpu.memory_space<vmem>>) semaphore(%arg22 : memref<!tpu.dma_semaphore, #tpu.memory_space<semaphore_mem>>) {add = true}
      %dma_wait3A_244 = arith.constant 2 : i32
      %dma_wait3A_245 = arith.constant 0 : i32
      %dma_wait3A_246 = tpu.memref_slice %arg8[%dma_wait3A_244, %dma_wait3A_245] : memref<5x80xi32, #tpu.memory_space<vmem>> -> memref<1x80xi32, #tpu.memory_space<vmem>>
      %dma_wait3A_247 = tpu.memref_squeeze %dma_wait3A_246 : memref<1x80xi32, #tpu.memory_space<vmem>> -> memref<80xi32, #tpu.memory_space<vmem>>
      %dma_wait3A_248 = arith.constant 0 : i32
      %dma_wait3A_249 = arith.constant 0 : i32
      %dma_wait3A_250 = tpu.memref_slice %arg2[%dma_wait3A_248, %dma_wait3A_249] : memref<10000x144xf32, #tpu.memory_space<hbm>> -> memref<10000x144xf32, #tpu.memory_space<hbm>>
      tpu.wait_indirect_dma semaphore(%arg20 : memref<!tpu.dma_semaphore, #tpu.memory_space<semaphore_mem>>) src(%dma_wait3A_250 : memref<10000x144xf32, #tpu.memory_space<hbm>>) dst(%arg16 : memref<80x144xf32, #tpu.memory_space<vmem>>)
      %dma_wait3A_251 = arith.constant 0 : i32
      %dma_wait3A_252 = arith.constant 0 : i32
      %dma_wait3A_253 = tpu.memref_slice %arg11[%dma_wait3A_251, %dma_wait3A_252] : memref<5x80xi32, #tpu.memory_space<vmem>> -> memref<1x80xi32, #tpu.memory_space<vmem>>
      %dma_wait3A_254 = tpu.memref_squeeze %dma_wait3A_253 : memref<1x80xi32, #tpu.memory_space<vmem>> -> memref<80xi32, #tpu.memory_space<vmem>>
      %dma_wait3A_255 = arith.constant 0 : i32
      %dma_wait3A_256 = arith.constant 0 : i32
      %dma_wait3A_257 = tpu.memref_slice %arg17[%dma_wait3A_255, %dma_wait3A_256] : memref<10000x144xf32, #tpu.memory_space<vmem_shared>> -> memref<10000x144xf32, #tpu.memory_space<vmem_shared>>
      tpu.wait_indirect_dma semaphore(%arg22 : memref<!tpu.dma_semaphore, #tpu.memory_space<semaphore_mem>>) src(%arg15 : memref<80x144xf32, #tpu.memory_space<vmem>>) dst(%dma_wait3A_257 : memref<10000x144xf32, #tpu.memory_space<vmem_shared>>)
      %dma_start3A_258 = arith.constant 4 : i32
      %dma_start3A_259 = arith.constant 0 : i32
      %dma_start3A_260 = tpu.memref_slice %arg8[%dma_start3A_258, %dma_start3A_259] : memref<5x80xi32, #tpu.memory_space<vmem>> -> memref<1x80xi32, #tpu.memory_space<vmem>>
      %dma_start3A_261 = tpu.memref_squeeze %dma_start3A_260 : memref<1x80xi32, #tpu.memory_space<vmem>> -> memref<80xi32, #tpu.memory_space<vmem>>
      %dma_start3A_262 = arith.constant 0 : i32
      %dma_start3A_263 = arith.constant 0 : i32
      %dma_start3A_264 = tpu.memref_slice %arg2[%dma_start3A_262, %dma_start3A_263] : memref<10000x144xf32, #tpu.memory_space<hbm>> -> memref<10000x144xf32, #tpu.memory_space<hbm>>
      tpu.enqueue_indirect_dma source(%dma_start3A_264 : memref<10000x144xf32, #tpu.memory_space<hbm>>) target(%arg15 : memref<80x144xf32, #tpu.memory_space<vmem>>) offsets(%dma_start3A_261 : memref<80xi32, #tpu.memory_space<vmem>>) semaphore(%arg19 : memref<!tpu.dma_semaphore, #tpu.memory_space<semaphore_mem>>)
      %dma_start3A_265 = arith.constant 2 : i32
      %dma_start3A_266 = arith.constant 0 : i32
      %dma_start3A_267 = tpu.memref_slice %arg11[%dma_start3A_265, %dma_start3A_266] : memref<5x80xi32, #tpu.memory_space<vmem>> -> memref<1x80xi32, #tpu.memory_space<vmem>>
      %dma_start3A_268 = tpu.memref_squeeze %dma_start3A_267 : memref<1x80xi32, #tpu.memory_space<vmem>> -> memref<80xi32, #tpu.memory_space<vmem>>
      %dma_start3A_269 = arith.constant 0 : i32
      %dma_start3A_270 = arith.constant 0 : i32
      %dma_start3A_271 = tpu.memref_slice %arg17[%dma_start3A_269, %dma_start3A_270] : memref<10000x144xf32, #tpu.memory_space<vmem_shared>> -> memref<10000x144xf32, #tpu.memory_space<vmem_shared>>
      tpu.enqueue_indirect_dma source(%arg16 : memref<80x144xf32, #tpu.memory_space<vmem>>) target(%dma_start3A_271 : memref<10000x144xf32, #tpu.memory_space<vmem_shared>>) offsets(%dma_start3A_268 : memref<80xi32, #tpu.memory_space<vmem>>) semaphore(%arg23 : memref<!tpu.dma_semaphore, #tpu.memory_space<semaphore_mem>>) {add = true}
      %dma_wait3A_272 = arith.constant 3 : i32
      %dma_wait3A_273 = arith.constant 0 : i32
      %dma_wait3A_274 = tpu.memref_slice %arg8[%dma_wait3A_272, %dma_wait3A_273] : memref<5x80xi32, #tpu.memory_space<vmem>> -> memref<1x80xi32, #tpu.memory_space<vmem>>
      %dma_wait3A_275 = tpu.memref_squeeze %dma_wait3A_274 : memref<1x80xi32, #tpu.memory_space<vmem>> -> memref<80xi32, #tpu.memory_space<vmem>>
      %dma_wait3A_276 = arith.constant 0 : i32
      %dma_wait3A_277 = arith.constant 0 : i32
      %dma_wait3A_278 = tpu.memref_slice %arg2[%dma_wait3A_276, %dma_wait3A_277] : memref<10000x144xf32, #tpu.memory_space<hbm>> -> memref<10000x144xf32, #tpu.memory_space<hbm>>
      tpu.wait_indirect_dma semaphore(%arg18 : memref<!tpu.dma_semaphore, #tpu.memory_space<semaphore_mem>>) src(%dma_wait3A_278 : memref<10000x144xf32, #tpu.memory_space<hbm>>) dst(%arg14 : memref<80x144xf32, #tpu.memory_space<vmem>>)
      %dma_wait3A_279 = arith.constant 0 : i32
      %dma_wait3A_280 = arith.constant 0 : i32
      %dma_wait3A_281 = tpu.memref_slice %arg11[%dma_wait3A_279, %dma_wait3A_280] : memref<5x80xi32, #tpu.memory_space<vmem>> -> memref<1x80xi32, #tpu.memory_space<vmem>>
      %dma_wait3A_282 = tpu.memref_squeeze %dma_wait3A_281 : memref<1x80xi32, #tpu.memory_space<vmem>> -> memref<80xi32, #tpu.memory_space<vmem>>
      %dma_wait3A_283 = arith.constant 0 : i32
      %dma_wait3A_284 = arith.constant 0 : i32
      %dma_wait3A_285 = tpu.memref_slice %arg17[%dma_wait3A_283, %dma_wait3A_284] : memref<10000x144xf32, #tpu.memory_space<vmem_shared>> -> memref<10000x144xf32, #tpu.memory_space<vmem_shared>>
      tpu.wait_indirect_dma semaphore(%arg23 : memref<!tpu.dma_semaphore, #tpu.memory_space<semaphore_mem>>) src(%arg16 : memref<80x144xf32, #tpu.memory_space<vmem>>) dst(%dma_wait3A_285 : memref<10000x144xf32, #tpu.memory_space<vmem_shared>>)
      %dma_wait3A_286 = arith.constant 0 : i32
      %dma_wait3A_287 = tpu.memref_slice %arg3[%add3A_190, %dma_wait3A_286] : memref<4000x80xi32, #tpu.memory_space<hbm>> -> memref<5x80xi32, #tpu.memory_space<hbm>>
      %dma_wait3A_288 = arith.constant 0 : i32
      %dma_wait3A_289 = tpu.memref_slice %arg3[%add3A_190, %dma_wait3A_288] : memref<4000x80xi32, #tpu.memory_space<hbm>> -> memref<5x80xi32, #tpu.memory_space<hbm>>
      tpu.wait_dma2 semaphore(%arg25 : memref<!tpu.dma_semaphore, #tpu.memory_space<semaphore_mem>>) src(%dma_wait3A_289 : memref<5x80xi32, #tpu.memory_space<hbm>>) dst(%arg9 : memref<5x80xi32, #tpu.memory_space<vmem>>)
      %dma_wait3A_290 = arith.constant 0 : i32
      %dma_wait3A_291 = tpu.memref_slice %arg4[%add3A_190, %dma_wait3A_290] : memref<4000x80xi32, #tpu.memory_space<hbm>> -> memref<5x80xi32, #tpu.memory_space<hbm>>
      %dma_wait3A_292 = arith.constant 0 : i32
      %dma_wait3A_293 = tpu.memref_slice %arg4[%add3A_190, %dma_wait3A_292] : memref<4000x80xi32, #tpu.memory_space<hbm>> -> memref<5x80xi32, #tpu.memory_space<hbm>>
      tpu.wait_dma2 semaphore(%arg25 : memref<!tpu.dma_semaphore, #tpu.memory_space<semaphore_mem>>) src(%dma_wait3A_293 : memref<5x80xi32, #tpu.memory_space<hbm>>) dst(%arg12 : memref<5x80xi32, #tpu.memory_space<vmem>>)
      %dma_start3A_294 = arith.constant 0 : i32
      %dma_start3A_295 = arith.constant 0 : i32
      %dma_start3A_296 = tpu.memref_slice %arg9[%dma_start3A_294, %dma_start3A_295] : memref<5x80xi32, #tpu.memory_space<vmem>> -> memref<1x80xi32, #tpu.memory_space<vmem>>
      %dma_start3A_297 = tpu.memref_squeeze %dma_start3A_296 : memref<1x80xi32, #tpu.memory_space<vmem>> -> memref<80xi32, #tpu.memory_space<vmem>>
      %dma_start3A_298 = arith.constant 0 : i32
      %dma_start3A_299 = arith.constant 0 : i32
      %dma_start3A_300 = tpu.memref_slice %arg2[%dma_start3A_298, %dma_start3A_299] : memref<10000x144xf32, #tpu.memory_space<hbm>> -> memref<10000x144xf32, #tpu.memory_space<hbm>>
      tpu.enqueue_indirect_dma source(%dma_start3A_300 : memref<10000x144xf32, #tpu.memory_space<hbm>>) target(%arg16 : memref<80x144xf32, #tpu.memory_space<vmem>>) offsets(%dma_start3A_297 : memref<80xi32, #tpu.memory_space<vmem>>) semaphore(%arg20 : memref<!tpu.dma_semaphore, #tpu.memory_space<semaphore_mem>>)
      %dma_start3A_301 = arith.constant 3 : i32
      %dma_start3A_302 = arith.constant 0 : i32
      %dma_start3A_303 = tpu.memref_slice %arg11[%dma_start3A_301, %dma_start3A_302] : memref<5x80xi32, #tpu.memory_space<vmem>> -> memref<1x80xi32, #tpu.memory_space<vmem>>
      %dma_start3A_304 = tpu.memref_squeeze %dma_start3A_303 : memref<1x80xi32, #tpu.memory_space<vmem>> -> memref<80xi32, #tpu.memory_space<vmem>>
      %dma_start3A_305 = arith.constant 0 : i32
      %dma_start3A_306 = arith.constant 0 : i32
      %dma_start3A_307 = tpu.memref_slice %arg17[%dma_start3A_305, %dma_start3A_306] : memref<10000x144xf32, #tpu.memory_space<vmem_shared>> -> memref<10000x144xf32, #tpu.memory_space<vmem_shared>>
      tpu.enqueue_indirect_dma source(%arg14 : memref<80x144xf32, #tpu.memory_space<vmem>>) target(%dma_start3A_307 : memref<10000x144xf32, #tpu.memory_space<vmem_shared>>) offsets(%dma_start3A_304 : memref<80xi32, #tpu.memory_space<vmem>>) semaphore(%arg21 : memref<!tpu.dma_semaphore, #tpu.memory_space<semaphore_mem>>) {add = true}
      %dma_wait3A_308 = arith.constant 4 : i32
      %dma_wait3A_309 = arith.constant 0 : i32
      %dma_wait3A_310 = tpu.memref_slice %arg8[%dma_wait3A_308, %dma_wait3A_309] : memref<5x80xi32, #tpu.memory_space<vmem>> -> memref<1x80xi32, #tpu.memory_space<vmem>>
      %dma_wait3A_311 = tpu.memref_squeeze %dma_wait3A_310 : memref<1x80xi32, #tpu.memory_space<vmem>> -> memref<80xi32, #tpu.memory_space<vmem>>
      %dma_wait3A_312 = arith.constant 0 : i32
      %dma_wait3A_313 = arith.constant 0 : i32
      %dma_wait3A_314 = tpu.memref_slice %arg2[%dma_wait3A_312, %dma_wait3A_313] : memref<10000x144xf32, #tpu.memory_space<hbm>> -> memref<10000x144xf32, #tpu.memory_space<hbm>>
      tpu.wait_indirect_dma semaphore(%arg19 : memref<!tpu.dma_semaphore, #tpu.memory_space<semaphore_mem>>) src(%dma_wait3A_314 : memref<10000x144xf32, #tpu.memory_space<hbm>>) dst(%arg15 : memref<80x144xf32, #tpu.memory_space<vmem>>)
      %dma_wait3A_315 = arith.constant 0 : i32
      %dma_wait3A_316 = arith.constant 0 : i32
      %dma_wait3A_317 = tpu.memref_slice %arg11[%dma_wait3A_315, %dma_wait3A_316] : memref<5x80xi32, #tpu.memory_space<vmem>> -> memref<1x80xi32, #tpu.memory_space<vmem>>
      %dma_wait3A_318 = tpu.memref_squeeze %dma_wait3A_317 : memref<1x80xi32, #tpu.memory_space<vmem>> -> memref<80xi32, #tpu.memory_space<vmem>>
      %dma_wait3A_319 = arith.constant 0 : i32
      %dma_wait3A_320 = arith.constant 0 : i32
      %dma_wait3A_321 = tpu.memref_slice %arg17[%dma_wait3A_319, %dma_wait3A_320] : memref<10000x144xf32, #tpu.memory_space<vmem_shared>> -> memref<10000x144xf32, #tpu.memory_space<vmem_shared>>
      tpu.wait_indirect_dma semaphore(%arg21 : memref<!tpu.dma_semaphore, #tpu.memory_space<semaphore_mem>>) src(%arg14 : memref<80x144xf32, #tpu.memory_space<vmem>>) dst(%dma_wait3A_321 : memref<10000x144xf32, #tpu.memory_space<vmem_shared>>)
      %dma_start3A_322 = arith.constant 1 : i32
      %dma_start3A_323 = arith.constant 0 : i32
      %dma_start3A_324 = tpu.memref_slice %arg9[%dma_start3A_322, %dma_start3A_323] : memref<5x80xi32, #tpu.memory_space<vmem>> -> memref<1x80xi32, #tpu.memory_space<vmem>>
      %dma_start3A_325 = tpu.memref_squeeze %dma_start3A_324 : memref<1x80xi32, #tpu.memory_space<vmem>> -> memref<80xi32, #tpu.memory_space<vmem>>
      %dma_start3A_326 = arith.constant 0 : i32
      %dma_start3A_327 = arith.constant 0 : i32
      %dma_start3A_328 = tpu.memref_slice %arg2[%dma_start3A_326, %dma_start3A_327] : memref<10000x144xf32, #tpu.memory_space<hbm>> -> memref<10000x144xf32, #tpu.memory_space<hbm>>
      tpu.enqueue_indirect_dma source(%dma_start3A_328 : memref<10000x144xf32, #tpu.memory_space<hbm>>) target(%arg14 : memref<80x144xf32, #tpu.memory_space<vmem>>) offsets(%dma_start3A_325 : memref<80xi32, #tpu.memory_space<vmem>>) semaphore(%arg18 : memref<!tpu.dma_semaphore, #tpu.memory_space<semaphore_mem>>)
      %dma_start3A_329 = arith.constant 4 : i32
      %dma_start3A_330 = arith.constant 0 : i32
      %dma_start3A_331 = tpu.memref_slice %arg11[%dma_start3A_329, %dma_start3A_330] : memref<5x80xi32, #tpu.memory_space<vmem>> -> memref<1x80xi32, #tpu.memory_space<vmem>>
      %dma_start3A_332 = tpu.memref_squeeze %dma_start3A_331 : memref<1x80xi32, #tpu.memory_space<vmem>> -> memref<80xi32, #tpu.memory_space<vmem>>
      %dma_start3A_333 = arith.constant 0 : i32
      %dma_start3A_334 = arith.constant 0 : i32
      %dma_start3A_335 = tpu.memref_slice %arg17[%dma_start3A_333, %dma_start3A_334] : memref<10000x144xf32, #tpu.memory_space<vmem_shared>> -> memref<10000x144xf32, #tpu.memory_space<vmem_shared>>
      tpu.enqueue_indirect_dma source(%arg15 : memref<80x144xf32, #tpu.memory_space<vmem>>) target(%dma_start3A_335 : memref<10000x144xf32, #tpu.memory_space<vmem_shared>>) offsets(%dma_start3A_332 : memref<80xi32, #tpu.memory_space<vmem>>) semaphore(%arg22 : memref<!tpu.dma_semaphore, #tpu.memory_space<semaphore_mem>>) {add = true}
      %add3A_336 = arith.constant 15 : i32
      %add3A_337 = arith.addi %add3A_186, %add3A_336 : i32
      %dma_start3A_338 = arith.constant 0 : i32
      %dma_start3A_339 = tpu.memref_slice %arg3[%add3A_337, %dma_start3A_338] : memref<4000x80xi32, #tpu.memory_space<hbm>> -> memref<5x80xi32, #tpu.memory_space<hbm>>
      %dma_start3A_340 = arith.constant 0 : i32
      %dma_start3A_341 = tpu.memref_slice %arg3[%add3A_337, %dma_start3A_340] : memref<4000x80xi32, #tpu.memory_space<hbm>> -> memref<5x80xi32, #tpu.memory_space<hbm>>
      tpu.enqueue_dma source(%dma_start3A_341 : memref<5x80xi32, #tpu.memory_space<hbm>>) target(%arg8 : memref<5x80xi32, #tpu.memory_space<vmem>>) target_semaphore(%arg24 : memref<!tpu.dma_semaphore, #tpu.memory_space<semaphore_mem>>)
      %dma_start3A_342 = arith.constant 0 : i32
      %dma_start3A_343 = tpu.memref_slice %arg4[%add3A_337, %dma_start3A_342] : memref<4000x80xi32, #tpu.memory_space<hbm>> -> memref<5x80xi32, #tpu.memory_space<hbm>>
      %dma_start3A_344 = arith.constant 0 : i32
      %dma_start3A_345 = tpu.memref_slice %arg4[%add3A_337, %dma_start3A_344] : memref<4000x80xi32, #tpu.memory_space<hbm>> -> memref<5x80xi32, #tpu.memory_space<hbm>>
      tpu.enqueue_dma source(%dma_start3A_345 : memref<5x80xi32, #tpu.memory_space<hbm>>) target(%arg11 : memref<5x80xi32, #tpu.memory_space<vmem>>) target_semaphore(%arg24 : memref<!tpu.dma_semaphore, #tpu.memory_space<semaphore_mem>>)
      %add3A_346 = arith.constant 5 : i32
      %add3A_347 = arith.addi %mul3A_188, %add3A_346 : i32
      %add3A_348 = arith.constant 10 : i32
      %add3A_349 = arith.addi %add3A_186, %add3A_348 : i32
      %dma_wait3A_350 = arith.constant 0 : i32
      %dma_wait3A_351 = arith.constant 0 : i32
      %dma_wait3A_352 = tpu.memref_slice %arg9[%dma_wait3A_350, %dma_wait3A_351] : memref<5x80xi32, #tpu.memory_space<vmem>> -> memref<1x80xi32, #tpu.memory_space<vmem>>
      %dma_wait3A_353 = tpu.memref_squeeze %dma_wait3A_352 : memref<1x80xi32, #tpu.memory_space<vmem>> -> memref<80xi32, #tpu.memory_space<vmem>>
      %dma_wait3A_354 = arith.constant 0 : i32
      %dma_wait3A_355 = arith.constant 0 : i32
      %dma_wait3A_356 = tpu.memref_slice %arg2[%dma_wait3A_354, %dma_wait3A_355] : memref<10000x144xf32, #tpu.memory_space<hbm>> -> memref<10000x144xf32, #tpu.memory_space<hbm>>
      tpu.wait_indirect_dma semaphore(%arg20 : memref<!tpu.dma_semaphore, #tpu.memory_space<semaphore_mem>>) src(%dma_wait3A_356 : memref<10000x144xf32, #tpu.memory_space<hbm>>) dst(%arg16 : memref<80x144xf32, #tpu.memory_space<vmem>>)
      %dma_wait3A_357 = arith.constant 0 : i32
      %dma_wait3A_358 = arith.constant 0 : i32
      %dma_wait3A_359 = tpu.memref_slice %arg12[%dma_wait3A_357, %dma_wait3A_358] : memref<5x80xi32, #tpu.memory_space<vmem>> -> memref<1x80xi32, #tpu.memory_space<vmem>>
      %dma_wait3A_360 = tpu.memref_squeeze %dma_wait3A_359 : memref<1x80xi32, #tpu.memory_space<vmem>> -> memref<80xi32, #tpu.memory_space<vmem>>
      %dma_wait3A_361 = arith.constant 0 : i32
      %dma_wait3A_362 = arith.constant 0 : i32
      %dma_wait3A_363 = tpu.memref_slice %arg17[%dma_wait3A_361, %dma_wait3A_362] : memref<10000x144xf32, #tpu.memory_space<vmem_shared>> -> memref<10000x144xf32, #tpu.memory_space<vmem_shared>>
      tpu.wait_indirect_dma semaphore(%arg22 : memref<!tpu.dma_semaphore, #tpu.memory_space<semaphore_mem>>) src(%arg15 : memref<80x144xf32, #tpu.memory_space<vmem>>) dst(%dma_wait3A_363 : memref<10000x144xf32, #tpu.memory_space<vmem_shared>>)
      %dma_start3A_364 = arith.constant 2 : i32
      %dma_start3A_365 = arith.constant 0 : i32
      %dma_start3A_366 = tpu.memref_slice %arg9[%dma_start3A_364, %dma_start3A_365] : memref<5x80xi32, #tpu.memory_space<vmem>> -> memref<1x80xi32, #tpu.memory_space<vmem>>
      %dma_start3A_367 = tpu.memref_squeeze %dma_start3A_366 : memref<1x80xi32, #tpu.memory_space<vmem>> -> memref<80xi32, #tpu.memory_space<vmem>>
      %dma_start3A_368 = arith.constant 0 : i32
      %dma_start3A_369 = arith.constant 0 : i32
      %dma_start3A_370 = tpu.memref_slice %arg2[%dma_start3A_368, %dma_start3A_369] : memref<10000x144xf32, #tpu.memory_space<hbm>> -> memref<10000x144xf32, #tpu.memory_space<hbm>>
      tpu.enqueue_indirect_dma source(%dma_start3A_370 : memref<10000x144xf32, #tpu.memory_space<hbm>>) target(%arg15 : memref<80x144xf32, #tpu.memory_space<vmem>>) offsets(%dma_start3A_367 : memref<80xi32, #tpu.memory_space<vmem>>) semaphore(%arg19 : memref<!tpu.dma_semaphore, #tpu.memory_space<semaphore_mem>>)
      %dma_start3A_371 = arith.constant 0 : i32
      %dma_start3A_372 = arith.constant 0 : i32
      %dma_start3A_373 = tpu.memref_slice %arg12[%dma_start3A_371, %dma_start3A_372] : memref<5x80xi32, #tpu.memory_space<vmem>> -> memref<1x80xi32, #tpu.memory_space<vmem>>
      %dma_start3A_374 = tpu.memref_squeeze %dma_start3A_373 : memref<1x80xi32, #tpu.memory_space<vmem>> -> memref<80xi32, #tpu.memory_space<vmem>>
      %dma_start3A_375 = arith.constant 0 : i32
      %dma_start3A_376 = arith.constant 0 : i32
      %dma_start3A_377 = tpu.memref_slice %arg17[%dma_start3A_375, %dma_start3A_376] : memref<10000x144xf32, #tpu.memory_space<vmem_shared>> -> memref<10000x144xf32, #tpu.memory_space<vmem_shared>>
      tpu.enqueue_indirect_dma source(%arg16 : memref<80x144xf32, #tpu.memory_space<vmem>>) target(%dma_start3A_377 : memref<10000x144xf32, #tpu.memory_space<vmem_shared>>) offsets(%dma_start3A_374 : memref<80xi32, #tpu.memory_space<vmem>>) semaphore(%arg23 : memref<!tpu.dma_semaphore, #tpu.memory_space<semaphore_mem>>) {add = true}
      %dma_wait3A_378 = arith.constant 1 : i32
      %dma_wait3A_379 = arith.constant 0 : i32
      %dma_wait3A_380 = tpu.memref_slice %arg9[%dma_wait3A_378, %dma_wait3A_379] : memref<5x80xi32, #tpu.memory_space<vmem>> -> memref<1x80xi32, #tpu.memory_space<vmem>>
      %dma_wait3A_381 = tpu.memref_squeeze %dma_wait3A_380 : memref<1x80xi32, #tpu.memory_space<vmem>> -> memref<80xi32, #tpu.memory_space<vmem>>
      %dma_wait3A_382 = arith.constant 0 : i32
      %dma_wait3A_383 = arith.constant 0 : i32
      %dma_wait3A_384 = tpu.memref_slice %arg2[%dma_wait3A_382, %dma_wait3A_383] : memref<10000x144xf32, #tpu.memory_space<hbm>> -> memref<10000x144xf32, #tpu.memory_space<hbm>>
      tpu.wait_indirect_dma semaphore(%arg18 : memref<!tpu.dma_semaphore, #tpu.memory_space<semaphore_mem>>) src(%dma_wait3A_384 : memref<10000x144xf32, #tpu.memory_space<hbm>>) dst(%arg14 : memref<80x144xf32, #tpu.memory_space<vmem>>)
      %dma_wait3A_385 = arith.constant 0 : i32
      %dma_wait3A_386 = arith.constant 0 : i32
      %dma_wait3A_387 = tpu.memref_slice %arg12[%dma_wait3A_385, %dma_wait3A_386] : memref<5x80xi32, #tpu.memory_space<vmem>> -> memref<1x80xi32, #tpu.memory_space<vmem>>
      %dma_wait3A_388 = tpu.memref_squeeze %dma_wait3A_387 : memref<1x80xi32, #tpu.memory_space<vmem>> -> memref<80xi32, #tpu.memory_space<vmem>>
      %dma_wait3A_389 = arith.constant 0 : i32
      %dma_wait3A_390 = arith.constant 0 : i32
      %dma_wait3A_391 = tpu.memref_slice %arg17[%dma_wait3A_389, %dma_wait3A_390] : memref<10000x144xf32, #tpu.memory_space<vmem_shared>> -> memref<10000x144xf32, #tpu.memory_space<vmem_shared>>
      tpu.wait_indirect_dma semaphore(%arg23 : memref<!tpu.dma_semaphore, #tpu.memory_space<semaphore_mem>>) src(%arg16 : memref<80x144xf32, #tpu.memory_space<vmem>>) dst(%dma_wait3A_391 : memref<10000x144xf32, #tpu.memory_space<vmem_shared>>)
      %dma_start3A_392 = arith.constant 3 : i32
      %dma_start3A_393 = arith.constant 0 : i32
      %dma_start3A_394 = tpu.memref_slice %arg9[%dma_start3A_392, %dma_start3A_393] : memref<5x80xi32, #tpu.memory_space<vmem>> -> memref<1x80xi32, #tpu.memory_space<vmem>>
      %dma_start3A_395 = tpu.memref_squeeze %dma_start3A_394 : memref<1x80xi32, #tpu.memory_space<vmem>> -> memref<80xi32, #tpu.memory_space<vmem>>
      %dma_start3A_396 = arith.constant 0 : i32
      %dma_start3A_397 = arith.constant 0 : i32
      %dma_start3A_398 = tpu.memref_slice %arg2[%dma_start3A_396, %dma_start3A_397] : memref<10000x144xf32, #tpu.memory_space<hbm>> -> memref<10000x144xf32, #tpu.memory_space<hbm>>
      tpu.enqueue_indirect_dma source(%dma_start3A_398 : memref<10000x144xf32, #tpu.memory_space<hbm>>) target(%arg16 : memref<80x144xf32, #tpu.memory_space<vmem>>) offsets(%dma_start3A_395 : memref<80xi32, #tpu.memory_space<vmem>>) semaphore(%arg20 : memref<!tpu.dma_semaphore, #tpu.memory_space<semaphore_mem>>)
      %dma_start3A_399 = arith.constant 1 : i32
      %dma_start3A_400 = arith.constant 0 : i32
      %dma_start3A_401 = tpu.memref_slice %arg12[%dma_start3A_399, %dma_start3A_400] : memref<5x80xi32, #tpu.memory_space<vmem>> -> memref<1x80xi32, #tpu.memory_space<vmem>>
      %dma_start3A_402 = tpu.memref_squeeze %dma_start3A_401 : memref<1x80xi32, #tpu.memory_space<vmem>> -> memref<80xi32, #tpu.memory_space<vmem>>
      %dma_start3A_403 = arith.constant 0 : i32
      %dma_start3A_404 = arith.constant 0 : i32
      %dma_start3A_405 = tpu.memref_slice %arg17[%dma_start3A_403, %dma_start3A_404] : memref<10000x144xf32, #tpu.memory_space<vmem_shared>> -> memref<10000x144xf32, #tpu.memory_space<vmem_shared>>
      tpu.enqueue_indirect_dma source(%arg14 : memref<80x144xf32, #tpu.memory_space<vmem>>) target(%dma_start3A_405 : memref<10000x144xf32, #tpu.memory_space<vmem_shared>>) offsets(%dma_start3A_402 : memref<80xi32, #tpu.memory_space<vmem>>) semaphore(%arg21 : memref<!tpu.dma_semaphore, #tpu.memory_space<semaphore_mem>>) {add = true}
      %dma_wait3A_406 = arith.constant 2 : i32
      %dma_wait3A_407 = arith.constant 0 : i32
      %dma_wait3A_408 = tpu.memref_slice %arg9[%dma_wait3A_406, %dma_wait3A_407] : memref<5x80xi32, #tpu.memory_space<vmem>> -> memref<1x80xi32, #tpu.memory_space<vmem>>
      %dma_wait3A_409 = tpu.memref_squeeze %dma_wait3A_408 : memref<1x80xi32, #tpu.memory_space<vmem>> -> memref<80xi32, #tpu.memory_space<vmem>>
      %dma_wait3A_410 = arith.constant 0 : i32
      %dma_wait3A_411 = arith.constant 0 : i32
      %dma_wait3A_412 = tpu.memref_slice %arg2[%dma_wait3A_410, %dma_wait3A_411] : memref<10000x144xf32, #tpu.memory_space<hbm>> -> memref<10000x144xf32, #tpu.memory_space<hbm>>
      tpu.wait_indirect_dma semaphore(%arg19 : memref<!tpu.dma_semaphore, #tpu.memory_space<semaphore_mem>>) src(%dma_wait3A_412 : memref<10000x144xf32, #tpu.memory_space<hbm>>) dst(%arg15 : memref<80x144xf32, #tpu.memory_space<vmem>>)
      %dma_wait3A_413 = arith.constant 0 : i32
      %dma_wait3A_414 = arith.constant 0 : i32
      %dma_wait3A_415 = tpu.memref_slice %arg12[%dma_wait3A_413, %dma_wait3A_414] : memref<5x80xi32, #tpu.memory_space<vmem>> -> memref<1x80xi32, #tpu.memory_space<vmem>>
      %dma_wait3A_416 = tpu.memref_squeeze %dma_wait3A_415 : memref<1x80xi32, #tpu.memory_space<vmem>> -> memref<80xi32, #tpu.memory_space<vmem>>
      %dma_wait3A_417 = arith.constant 0 : i32
      %dma_wait3A_418 = arith.constant 0 : i32
      %dma_wait3A_419 = tpu.memref_slice %arg17[%dma_wait3A_417, %dma_wait3A_418] : memref<10000x144xf32, #tpu.memory_space<vmem_shared>> -> memref<10000x144xf32, #tpu.memory_space<vmem_shared>>
      tpu.wait_indirect_dma semaphore(%arg21 : memref<!tpu.dma_semaphore, #tpu.memory_space<semaphore_mem>>) src(%arg14 : memref<80x144xf32, #tpu.memory_space<vmem>>) dst(%dma_wait3A_419 : memref<10000x144xf32, #tpu.memory_space<vmem_shared>>)
      %dma_start3A_420 = arith.constant 4 : i32
      %dma_start3A_421 = arith.constant 0 : i32
      %dma_start3A_422 = tpu.memref_slice %arg9[%dma_start3A_420, %dma_start3A_421] : memref<5x80xi32, #tpu.memory_space<vmem>> -> memref<1x80xi32, #tpu.memory_space<vmem>>
      %dma_start3A_423 = tpu.memref_squeeze %dma_start3A_422 : memref<1x80xi32, #tpu.memory_space<vmem>> -> memref<80xi32, #tpu.memory_space<vmem>>
      %dma_start3A_424 = arith.constant 0 : i32
      %dma_start3A_425 = arith.constant 0 : i32
      %dma_start3A_426 = tpu.memref_slice %arg2[%dma_start3A_424, %dma_start3A_425] : memref<10000x144xf32, #tpu.memory_space<hbm>> -> memref<10000x144xf32, #tpu.memory_space<hbm>>
      tpu.enqueue_indirect_dma source(%dma_start3A_426 : memref<10000x144xf32, #tpu.memory_space<hbm>>) target(%arg14 : memref<80x144xf32, #tpu.memory_space<vmem>>) offsets(%dma_start3A_423 : memref<80xi32, #tpu.memory_space<vmem>>) semaphore(%arg18 : memref<!tpu.dma_semaphore, #tpu.memory_space<semaphore_mem>>)
      %dma_start3A_427 = arith.constant 2 : i32
      %dma_start3A_428 = arith.constant 0 : i32
      %dma_start3A_429 = tpu.memref_slice %arg12[%dma_start3A_427, %dma_start3A_428] : memref<5x80xi32, #tpu.memory_space<vmem>> -> memref<1x80xi32, #tpu.memory_space<vmem>>
      %dma_start3A_430 = tpu.memref_squeeze %dma_start3A_429 : memref<1x80xi32, #tpu.memory_space<vmem>> -> memref<80xi32, #tpu.memory_space<vmem>>
      %dma_start3A_431 = arith.constant 0 : i32
      %dma_start3A_432 = arith.constant 0 : i32
      %dma_start3A_433 = tpu.memref_slice %arg17[%dma_start3A_431, %dma_start3A_432] : memref<10000x144xf32, #tpu.memory_space<vmem_shared>> -> memref<10000x144xf32, #tpu.memory_space<vmem_shared>>
      tpu.enqueue_indirect_dma source(%arg15 : memref<80x144xf32, #tpu.memory_space<vmem>>) target(%dma_start3A_433 : memref<10000x144xf32, #tpu.memory_space<vmem_shared>>) offsets(%dma_start3A_430 : memref<80xi32, #tpu.memory_space<vmem>>) semaphore(%arg22 : memref<!tpu.dma_semaphore, #tpu.memory_space<semaphore_mem>>) {add = true}
      %dma_wait3A_434 = arith.constant 3 : i32
      %dma_wait3A_435 = arith.constant 0 : i32
      %dma_wait3A_436 = tpu.memref_slice %arg9[%dma_wait3A_434, %dma_wait3A_435] : memref<5x80xi32, #tpu.memory_space<vmem>> -> memref<1x80xi32, #tpu.memory_space<vmem>>
      %dma_wait3A_437 = tpu.memref_squeeze %dma_wait3A_436 : memref<1x80xi32, #tpu.memory_space<vmem>> -> memref<80xi32, #tpu.memory_space<vmem>>
      %dma_wait3A_438 = arith.constant 0 : i32
      %dma_wait3A_439 = arith.constant 0 : i32
      %dma_wait3A_440 = tpu.memref_slice %arg2[%dma_wait3A_438, %dma_wait3A_439] : memref<10000x144xf32, #tpu.memory_space<hbm>> -> memref<10000x144xf32, #tpu.memory_space<hbm>>
      tpu.wait_indirect_dma semaphore(%arg20 : memref<!tpu.dma_semaphore, #tpu.memory_space<semaphore_mem>>) src(%dma_wait3A_440 : memref<10000x144xf32, #tpu.memory_space<hbm>>) dst(%arg16 : memref<80x144xf32, #tpu.memory_space<vmem>>)
      %dma_wait3A_441 = arith.constant 0 : i32
      %dma_wait3A_442 = arith.constant 0 : i32
      %dma_wait3A_443 = tpu.memref_slice %arg12[%dma_wait3A_441, %dma_wait3A_442] : memref<5x80xi32, #tpu.memory_space<vmem>> -> memref<1x80xi32, #tpu.memory_space<vmem>>
      %dma_wait3A_444 = tpu.memref_squeeze %dma_wait3A_443 : memref<1x80xi32, #tpu.memory_space<vmem>> -> memref<80xi32, #tpu.memory_space<vmem>>
      %dma_wait3A_445 = arith.constant 0 : i32
      %dma_wait3A_446 = arith.constant 0 : i32
      %dma_wait3A_447 = tpu.memref_slice %arg17[%dma_wait3A_445, %dma_wait3A_446] : memref<10000x144xf32, #tpu.memory_space<vmem_shared>> -> memref<10000x144xf32, #tpu.memory_space<vmem_shared>>
      tpu.wait_indirect_dma semaphore(%arg22 : memref<!tpu.dma_semaphore, #tpu.memory_space<semaphore_mem>>) src(%arg15 : memref<80x144xf32, #tpu.memory_space<vmem>>) dst(%dma_wait3A_447 : memref<10000x144xf32, #tpu.memory_space<vmem_shared>>)
      %dma_wait3A_448 = arith.constant 0 : i32
      %dma_wait3A_449 = tpu.memref_slice %arg3[%add3A_349, %dma_wait3A_448] : memref<4000x80xi32, #tpu.memory_space<hbm>> -> memref<5x80xi32, #tpu.memory_space<hbm>>
      %dma_wait3A_450 = arith.constant 0 : i32
      %dma_wait3A_451 = tpu.memref_slice %arg3[%add3A_349, %dma_wait3A_450] : memref<4000x80xi32, #tpu.memory_space<hbm>> -> memref<5x80xi32, #tpu.memory_space<hbm>>
      tpu.wait_dma2 semaphore(%arg26 : memref<!tpu.dma_semaphore, #tpu.memory_space<semaphore_mem>>) src(%dma_wait3A_451 : memref<5x80xi32, #tpu.memory_space<hbm>>) dst(%arg10 : memref<5x80xi32, #tpu.memory_space<vmem>>)
      %dma_wait3A_452 = arith.constant 0 : i32
      %dma_wait3A_453 = tpu.memref_slice %arg4[%add3A_349, %dma_wait3A_452] : memref<4000x80xi32, #tpu.memory_space<hbm>> -> memref<5x80xi32, #tpu.memory_space<hbm>>
      %dma_wait3A_454 = arith.constant 0 : i32
      %dma_wait3A_455 = tpu.memref_slice %arg4[%add3A_349, %dma_wait3A_454] : memref<4000x80xi32, #tpu.memory_space<hbm>> -> memref<5x80xi32, #tpu.memory_space<hbm>>
      tpu.wait_dma2 semaphore(%arg26 : memref<!tpu.dma_semaphore, #tpu.memory_space<semaphore_mem>>) src(%dma_wait3A_455 : memref<5x80xi32, #tpu.memory_space<hbm>>) dst(%arg13 : memref<5x80xi32, #tpu.memory_space<vmem>>)
      %dma_start3A_456 = arith.constant 0 : i32
      %dma_start3A_457 = arith.constant 0 : i32
      %dma_start3A_458 = tpu.memref_slice %arg10[%dma_start3A_456, %dma_start3A_457] : memref<5x80xi32, #tpu.memory_space<vmem>> -> memref<1x80xi32, #tpu.memory_space<vmem>>
      %dma_start3A_459 = tpu.memref_squeeze %dma_start3A_458 : memref<1x80xi32, #tpu.memory_space<vmem>> -> memref<80xi32, #tpu.memory_space<vmem>>
      %dma_start3A_460 = arith.constant 0 : i32
      %dma_start3A_461 = arith.constant 0 : i32
      %dma_start3A_462 = tpu.memref_slice %arg2[%dma_start3A_460, %dma_start3A_461] : memref<10000x144xf32, #tpu.memory_space<hbm>> -> memref<10000x144xf32, #tpu.memory_space<hbm>>
      tpu.enqueue_indirect_dma source(%dma_start3A_462 : memref<10000x144xf32, #tpu.memory_space<hbm>>) target(%arg15 : memref<80x144xf32, #tpu.memory_space<vmem>>) offsets(%dma_start3A_459 : memref<80xi32, #tpu.memory_space<vmem>>) semaphore(%arg19 : memref<!tpu.dma_semaphore, #tpu.memory_space<semaphore_mem>>)
      %dma_start3A_463 = arith.constant 3 : i32
      %dma_start3A_464 = arith.constant 0 : i32
      %dma_start3A_465 = tpu.memref_slice %arg12[%dma_start3A_463, %dma_start3A_464] : memref<5x80xi32, #tpu.memory_space<vmem>> -> memref<1x80xi32, #tpu.memory_space<vmem>>
      %dma_start3A_466 = tpu.memref_squeeze %dma_start3A_465 : memref<1x80xi32, #tpu.memory_space<vmem>> -> memref<80xi32, #tpu.memory_space<vmem>>
      %dma_start3A_467 = arith.constant 0 : i32
      %dma_start3A_468 = arith.constant 0 : i32
      %dma_start3A_469 = tpu.memref_slice %arg17[%dma_start3A_467, %dma_start3A_468] : memref<10000x144xf32, #tpu.memory_space<vmem_shared>> -> memref<10000x144xf32, #tpu.memory_space<vmem_shared>>
      tpu.enqueue_indirect_dma source(%arg16 : memref<80x144xf32, #tpu.memory_space<vmem>>) target(%dma_start3A_469 : memref<10000x144xf32, #tpu.memory_space<vmem_shared>>) offsets(%dma_start3A_466 : memref<80xi32, #tpu.memory_space<vmem>>) semaphore(%arg23 : memref<!tpu.dma_semaphore, #tpu.memory_space<semaphore_mem>>) {add = true}
      %dma_wait3A_470 = arith.constant 4 : i32
      %dma_wait3A_471 = arith.constant 0 : i32
      %dma_wait3A_472 = tpu.memref_slice %arg9[%dma_wait3A_470, %dma_wait3A_471] : memref<5x80xi32, #tpu.memory_space<vmem>> -> memref<1x80xi32, #tpu.memory_space<vmem>>
      %dma_wait3A_473 = tpu.memref_squeeze %dma_wait3A_472 : memref<1x80xi32, #tpu.memory_space<vmem>> -> memref<80xi32, #tpu.memory_space<vmem>>
      %dma_wait3A_474 = arith.constant 0 : i32
      %dma_wait3A_475 = arith.constant 0 : i32
      %dma_wait3A_476 = tpu.memref_slice %arg2[%dma_wait3A_474, %dma_wait3A_475] : memref<10000x144xf32, #tpu.memory_space<hbm>> -> memref<10000x144xf32, #tpu.memory_space<hbm>>
      tpu.wait_indirect_dma semaphore(%arg18 : memref<!tpu.dma_semaphore, #tpu.memory_space<semaphore_mem>>) src(%dma_wait3A_476 : memref<10000x144xf32, #tpu.memory_space<hbm>>) dst(%arg14 : memref<80x144xf32, #tpu.memory_space<vmem>>)
      %dma_wait3A_477 = arith.constant 0 : i32
      %dma_wait3A_478 = arith.constant 0 : i32
      %dma_wait3A_479 = tpu.memref_slice %arg12[%dma_wait3A_477, %dma_wait3A_478] : memref<5x80xi32, #tpu.memory_space<vmem>> -> memref<1x80xi32, #tpu.memory_space<vmem>>
      %dma_wait3A_480 = tpu.memref_squeeze %dma_wait3A_479 : memref<1x80xi32, #tpu.memory_space<vmem>> -> memref<80xi32, #tpu.memory_space<vmem>>
      %dma_wait3A_481 = arith.constant 0 : i32
      %dma_wait3A_482 = arith.constant 0 : i32
      %dma_wait3A_483 = tpu.memref_slice %arg17[%dma_wait3A_481, %dma_wait3A_482] : memref<10000x144xf32, #tpu.memory_space<vmem_shared>> -> memref<10000x144xf32, #tpu.memory_space<vmem_shared>>
      tpu.wait_indirect_dma semaphore(%arg23 : memref<!tpu.dma_semaphore, #tpu.memory_space<semaphore_mem>>) src(%arg16 : memref<80x144xf32, #tpu.memory_space<vmem>>) dst(%dma_wait3A_483 : memref<10000x144xf32, #tpu.memory_space<vmem_shared>>)
      %dma_start3A_484 = arith.constant 1 : i32
      %dma_start3A_485 = arith.constant 0 : i32
      %dma_start3A_486 = tpu.memref_slice %arg10[%dma_start3A_484, %dma_start3A_485] : memref<5x80xi32, #tpu.memory_space<vmem>> -> memref<1x80xi32, #tpu.memory_space<vmem>>
      %dma_start3A_487 = tpu.memref_squeeze %dma_start3A_486 : memref<1x80xi32, #tpu.memory_space<vmem>> -> memref<80xi32, #tpu.memory_space<vmem>>
      %dma_start3A_488 = arith.constant 0 : i32
      %dma_start3A_489 = arith.constant 0 : i32
      %dma_start3A_490 = tpu.memref_slice %arg2[%dma_start3A_488, %dma_start3A_489] : memref<10000x144xf32, #tpu.memory_space<hbm>> -> memref<10000x144xf32, #tpu.memory_space<hbm>>
      tpu.enqueue_indirect_dma source(%dma_start3A_490 : memref<10000x144xf32, #tpu.memory_space<hbm>>) target(%arg16 : memref<80x144xf32, #tpu.memory_space<vmem>>) offsets(%dma_start3A_487 : memref<80xi32, #tpu.memory_space<vmem>>) semaphore(%arg20 : memref<!tpu.dma_semaphore, #tpu.memory_space<semaphore_mem>>)
      %dma_start3A_491 = arith.constant 4 : i32
      %dma_start3A_492 = arith.constant 0 : i32
      %dma_start3A_493 = tpu.memref_slice %arg12[%dma_start3A_491, %dma_start3A_492] : memref<5x80xi32, #tpu.memory_space<vmem>> -> memref<1x80xi32, #tpu.memory_space<vmem>>
      %dma_start3A_494 = tpu.memref_squeeze %dma_start3A_493 : memref<1x80xi32, #tpu.memory_space<vmem>> -> memref<80xi32, #tpu.memory_space<vmem>>
      %dma_start3A_495 = arith.constant 0 : i32
      %dma_start3A_496 = arith.constant 0 : i32
      %dma_start3A_497 = tpu.memref_slice %arg17[%dma_start3A_495, %dma_start3A_496] : memref<10000x144xf32, #tpu.memory_space<vmem_shared>> -> memref<10000x144xf32, #tpu.memory_space<vmem_shared>>
      tpu.enqueue_indirect_dma source(%arg14 : memref<80x144xf32, #tpu.memory_space<vmem>>) target(%dma_start3A_497 : memref<10000x144xf32, #tpu.memory_space<vmem_shared>>) offsets(%dma_start3A_494 : memref<80xi32, #tpu.memory_space<vmem>>) semaphore(%arg21 : memref<!tpu.dma_semaphore, #tpu.memory_space<semaphore_mem>>) {add = true}
      %lt3A = arith.constant 7 : i32
      %lt3A_498 = arith.cmpi slt, %scan3A_183, %lt3A : i32
      %convert_element_type3A_499 = arith.extui %lt3A_498 : i1 to i32
      %cond3A_500 = arith.constant 0 : i32
      %cond3A_501 = arith.cmpi ne, %convert_element_type3A_499, %cond3A_500 : i32
      scf.if %cond3A_501 {
        %add3A_659 = arith.constant 20 : i32
        %add3A_660 = arith.addi %add3A_186, %add3A_659 : i32
        %dma_start3A_661 = arith.constant 0 : i32
        %dma_start3A_662 = tpu.memref_slice %arg3[%add3A_660, %dma_start3A_661] : memref<4000x80xi32, #tpu.memory_space<hbm>> -> memref<5x80xi32, #tpu.memory_space<hbm>>
        %dma_start3A_663 = arith.constant 0 : i32
        %dma_start3A_664 = tpu.memref_slice %arg3[%add3A_660, %dma_start3A_663] : memref<4000x80xi32, #tpu.memory_space<hbm>> -> memref<5x80xi32, #tpu.memory_space<hbm>>
        tpu.enqueue_dma source(%dma_start3A_664 : memref<5x80xi32, #tpu.memory_space<hbm>>) target(%arg9 : memref<5x80xi32, #tpu.memory_space<vmem>>) target_semaphore(%arg25 : memref<!tpu.dma_semaphore, #tpu.memory_space<semaphore_mem>>)
        %dma_start3A_665 = arith.constant 0 : i32
        %dma_start3A_666 = tpu.memref_slice %arg4[%add3A_660, %dma_start3A_665] : memref<4000x80xi32, #tpu.memory_space<hbm>> -> memref<5x80xi32, #tpu.memory_space<hbm>>
        %dma_start3A_667 = arith.constant 0 : i32
        %dma_start3A_668 = tpu.memref_slice %arg4[%add3A_660, %dma_start3A_667] : memref<4000x80xi32, #tpu.memory_space<hbm>> -> memref<5x80xi32, #tpu.memory_space<hbm>>
        tpu.enqueue_dma source(%dma_start3A_668 : memref<5x80xi32, #tpu.memory_space<hbm>>) target(%arg12 : memref<5x80xi32, #tpu.memory_space<vmem>>) target_semaphore(%arg25 : memref<!tpu.dma_semaphore, #tpu.memory_space<semaphore_mem>>)
      } else {
      }
      %add3A_502 = arith.constant 10 : i32
      %add3A_503 = arith.addi %mul3A_188, %add3A_502 : i32
      %add3A_504 = arith.constant 15 : i32
      %add3A_505 = arith.addi %add3A_186, %add3A_504 : i32
      %dma_wait3A_506 = arith.constant 0 : i32
      %dma_wait3A_507 = arith.constant 0 : i32
      %dma_wait3A_508 = tpu.memref_slice %arg10[%dma_wait3A_506, %dma_wait3A_507] : memref<5x80xi32, #tpu.memory_space<vmem>> -> memref<1x80xi32, #tpu.memory_space<vmem>>
      %dma_wait3A_509 = tpu.memref_squeeze %dma_wait3A_508 : memref<1x80xi32, #tpu.memory_space<vmem>> -> memref<80xi32, #tpu.memory_space<vmem>>
      %dma_wait3A_510 = arith.constant 0 : i32
      %dma_wait3A_511 = arith.constant 0 : i32
      %dma_wait3A_512 = tpu.memref_slice %arg2[%dma_wait3A_510, %dma_wait3A_511] : memref<10000x144xf32, #tpu.memory_space<hbm>> -> memref<10000x144xf32, #tpu.memory_space<hbm>>
      tpu.wait_indirect_dma semaphore(%arg19 : memref<!tpu.dma_semaphore, #tpu.memory_space<semaphore_mem>>) src(%dma_wait3A_512 : memref<10000x144xf32, #tpu.memory_space<hbm>>) dst(%arg15 : memref<80x144xf32, #tpu.memory_space<vmem>>)
      %dma_wait3A_513 = arith.constant 0 : i32
      %dma_wait3A_514 = arith.constant 0 : i32
      %dma_wait3A_515 = tpu.memref_slice %arg13[%dma_wait3A_513, %dma_wait3A_514] : memref<5x80xi32, #tpu.memory_space<vmem>> -> memref<1x80xi32, #tpu.memory_space<vmem>>
      %dma_wait3A_516 = tpu.memref_squeeze %dma_wait3A_515 : memref<1x80xi32, #tpu.memory_space<vmem>> -> memref<80xi32, #tpu.memory_space<vmem>>
      %dma_wait3A_517 = arith.constant 0 : i32
      %dma_wait3A_518 = arith.constant 0 : i32
      %dma_wait3A_519 = tpu.memref_slice %arg17[%dma_wait3A_517, %dma_wait3A_518] : memref<10000x144xf32, #tpu.memory_space<vmem_shared>> -> memref<10000x144xf32, #tpu.memory_space<vmem_shared>>
      tpu.wait_indirect_dma semaphore(%arg21 : memref<!tpu.dma_semaphore, #tpu.memory_space<semaphore_mem>>) src(%arg14 : memref<80x144xf32, #tpu.memory_space<vmem>>) dst(%dma_wait3A_519 : memref<10000x144xf32, #tpu.memory_space<vmem_shared>>)
      %dma_start3A_520 = arith.constant 2 : i32
      %dma_start3A_521 = arith.constant 0 : i32
      %dma_start3A_522 = tpu.memref_slice %arg10[%dma_start3A_520, %dma_start3A_521] : memref<5x80xi32, #tpu.memory_space<vmem>> -> memref<1x80xi32, #tpu.memory_space<vmem>>
      %dma_start3A_523 = tpu.memref_squeeze %dma_start3A_522 : memref<1x80xi32, #tpu.memory_space<vmem>> -> memref<80xi32, #tpu.memory_space<vmem>>
      %dma_start3A_524 = arith.constant 0 : i32
      %dma_start3A_525 = arith.constant 0 : i32
      %dma_start3A_526 = tpu.memref_slice %arg2[%dma_start3A_524, %dma_start3A_525] : memref<10000x144xf32, #tpu.memory_space<hbm>> -> memref<10000x144xf32, #tpu.memory_space<hbm>>
      tpu.enqueue_indirect_dma source(%dma_start3A_526 : memref<10000x144xf32, #tpu.memory_space<hbm>>) target(%arg14 : memref<80x144xf32, #tpu.memory_space<vmem>>) offsets(%dma_start3A_523 : memref<80xi32, #tpu.memory_space<vmem>>) semaphore(%arg18 : memref<!tpu.dma_semaphore, #tpu.memory_space<semaphore_mem>>)
      %dma_start3A_527 = arith.constant 0 : i32
      %dma_start3A_528 = arith.constant 0 : i32
      %dma_start3A_529 = tpu.memref_slice %arg13[%dma_start3A_527, %dma_start3A_528] : memref<5x80xi32, #tpu.memory_space<vmem>> -> memref<1x80xi32, #tpu.memory_space<vmem>>
      %dma_start3A_530 = tpu.memref_squeeze %dma_start3A_529 : memref<1x80xi32, #tpu.memory_space<vmem>> -> memref<80xi32, #tpu.memory_space<vmem>>
      %dma_start3A_531 = arith.constant 0 : i32
      %dma_start3A_532 = arith.constant 0 : i32
      %dma_start3A_533 = tpu.memref_slice %arg17[%dma_start3A_531, %dma_start3A_532] : memref<10000x144xf32, #tpu.memory_space<vmem_shared>> -> memref<10000x144xf32, #tpu.memory_space<vmem_shared>>
      tpu.enqueue_indirect_dma source(%arg15 : memref<80x144xf32, #tpu.memory_space<vmem>>) target(%dma_start3A_533 : memref<10000x144xf32, #tpu.memory_space<vmem_shared>>) offsets(%dma_start3A_530 : memref<80xi32, #tpu.memory_space<vmem>>) semaphore(%arg22 : memref<!tpu.dma_semaphore, #tpu.memory_space<semaphore_mem>>) {add = true}
      %dma_wait3A_534 = arith.constant 1 : i32
      %dma_wait3A_535 = arith.constant 0 : i32
      %dma_wait3A_536 = tpu.memref_slice %arg10[%dma_wait3A_534, %dma_wait3A_535] : memref<5x80xi32, #tpu.memory_space<vmem>> -> memref<1x80xi32, #tpu.memory_space<vmem>>
      %dma_wait3A_537 = tpu.memref_squeeze %dma_wait3A_536 : memref<1x80xi32, #tpu.memory_space<vmem>> -> memref<80xi32, #tpu.memory_space<vmem>>
      %dma_wait3A_538 = arith.constant 0 : i32
      %dma_wait3A_539 = arith.constant 0 : i32
      %dma_wait3A_540 = tpu.memref_slice %arg2[%dma_wait3A_538, %dma_wait3A_539] : memref<10000x144xf32, #tpu.memory_space<hbm>> -> memref<10000x144xf32, #tpu.memory_space<hbm>>
      tpu.wait_indirect_dma semaphore(%arg20 : memref<!tpu.dma_semaphore, #tpu.memory_space<semaphore_mem>>) src(%dma_wait3A_540 : memref<10000x144xf32, #tpu.memory_space<hbm>>) dst(%arg16 : memref<80x144xf32, #tpu.memory_space<vmem>>)
      %dma_wait3A_541 = arith.constant 0 : i32
      %dma_wait3A_542 = arith.constant 0 : i32
      %dma_wait3A_543 = tpu.memref_slice %arg13[%dma_wait3A_541, %dma_wait3A_542] : memref<5x80xi32, #tpu.memory_space<vmem>> -> memref<1x80xi32, #tpu.memory_space<vmem>>
      %dma_wait3A_544 = tpu.memref_squeeze %dma_wait3A_543 : memref<1x80xi32, #tpu.memory_space<vmem>> -> memref<80xi32, #tpu.memory_space<vmem>>
      %dma_wait3A_545 = arith.constant 0 : i32
      %dma_wait3A_546 = arith.constant 0 : i32
      %dma_wait3A_547 = tpu.memref_slice %arg17[%dma_wait3A_545, %dma_wait3A_546] : memref<10000x144xf32, #tpu.memory_space<vmem_shared>> -> memref<10000x144xf32, #tpu.memory_space<vmem_shared>>
      tpu.wait_indirect_dma semaphore(%arg22 : memref<!tpu.dma_semaphore, #tpu.memory_space<semaphore_mem>>) src(%arg15 : memref<80x144xf32, #tpu.memory_space<vmem>>) dst(%dma_wait3A_547 : memref<10000x144xf32, #tpu.memory_space<vmem_shared>>)
      %dma_start3A_548 = arith.constant 3 : i32
      %dma_start3A_549 = arith.constant 0 : i32
      %dma_start3A_550 = tpu.memref_slice %arg10[%dma_start3A_548, %dma_start3A_549] : memref<5x80xi32, #tpu.memory_space<vmem>> -> memref<1x80xi32, #tpu.memory_space<vmem>>
      %dma_start3A_551 = tpu.memref_squeeze %dma_start3A_550 : memref<1x80xi32, #tpu.memory_space<vmem>> -> memref<80xi32, #tpu.memory_space<vmem>>
      %dma_start3A_552 = arith.constant 0 : i32
      %dma_start3A_553 = arith.constant 0 : i32
      %dma_start3A_554 = tpu.memref_slice %arg2[%dma_start3A_552, %dma_start3A_553] : memref<10000x144xf32, #tpu.memory_space<hbm>> -> memref<10000x144xf32, #tpu.memory_space<hbm>>
      tpu.enqueue_indirect_dma source(%dma_start3A_554 : memref<10000x144xf32, #tpu.memory_space<hbm>>) target(%arg15 : memref<80x144xf32, #tpu.memory_space<vmem>>) offsets(%dma_start3A_551 : memref<80xi32, #tpu.memory_space<vmem>>) semaphore(%arg19 : memref<!tpu.dma_semaphore, #tpu.memory_space<semaphore_mem>>)
      %dma_start3A_555 = arith.constant 1 : i32
      %dma_start3A_556 = arith.constant 0 : i32
      %dma_start3A_557 = tpu.memref_slice %arg13[%dma_start3A_555, %dma_start3A_556] : memref<5x80xi32, #tpu.memory_space<vmem>> -> memref<1x80xi32, #tpu.memory_space<vmem>>
      %dma_start3A_558 = tpu.memref_squeeze %dma_start3A_557 : memref<1x80xi32, #tpu.memory_space<vmem>> -> memref<80xi32, #tpu.memory_space<vmem>>
      %dma_start3A_559 = arith.constant 0 : i32
      %dma_start3A_560 = arith.constant 0 : i32
      %dma_start3A_561 = tpu.memref_slice %arg17[%dma_start3A_559, %dma_start3A_560] : memref<10000x144xf32, #tpu.memory_space<vmem_shared>> -> memref<10000x144xf32, #tpu.memory_space<vmem_shared>>
      tpu.enqueue_indirect_dma source(%arg16 : memref<80x144xf32, #tpu.memory_space<vmem>>) target(%dma_start3A_561 : memref<10000x144xf32, #tpu.memory_space<vmem_shared>>) offsets(%dma_start3A_558 : memref<80xi32, #tpu.memory_space<vmem>>) semaphore(%arg23 : memref<!tpu.dma_semaphore, #tpu.memory_space<semaphore_mem>>) {add = true}
      %dma_wait3A_562 = arith.constant 2 : i32
      %dma_wait3A_563 = arith.constant 0 : i32
      %dma_wait3A_564 = tpu.memref_slice %arg10[%dma_wait3A_562, %dma_wait3A_563] : memref<5x80xi32, #tpu.memory_space<vmem>> -> memref<1x80xi32, #tpu.memory_space<vmem>>
      %dma_wait3A_565 = tpu.memref_squeeze %dma_wait3A_564 : memref<1x80xi32, #tpu.memory_space<vmem>> -> memref<80xi32, #tpu.memory_space<vmem>>
      %dma_wait3A_566 = arith.constant 0 : i32
      %dma_wait3A_567 = arith.constant 0 : i32
      %dma_wait3A_568 = tpu.memref_slice %arg2[%dma_wait3A_566, %dma_wait3A_567] : memref<10000x144xf32, #tpu.memory_space<hbm>> -> memref<10000x144xf32, #tpu.memory_space<hbm>>
      tpu.wait_indirect_dma semaphore(%arg18 : memref<!tpu.dma_semaphore, #tpu.memory_space<semaphore_mem>>) src(%dma_wait3A_568 : memref<10000x144xf32, #tpu.memory_space<hbm>>) dst(%arg14 : memref<80x144xf32, #tpu.memory_space<vmem>>)
      %dma_wait3A_569 = arith.constant 0 : i32
      %dma_wait3A_570 = arith.constant 0 : i32
      %dma_wait3A_571 = tpu.memref_slice %arg13[%dma_wait3A_569, %dma_wait3A_570] : memref<5x80xi32, #tpu.memory_space<vmem>> -> memref<1x80xi32, #tpu.memory_space<vmem>>
      %dma_wait3A_572 = tpu.memref_squeeze %dma_wait3A_571 : memref<1x80xi32, #tpu.memory_space<vmem>> -> memref<80xi32, #tpu.memory_space<vmem>>
      %dma_wait3A_573 = arith.constant 0 : i32
      %dma_wait3A_574 = arith.constant 0 : i32
      %dma_wait3A_575 = tpu.memref_slice %arg17[%dma_wait3A_573, %dma_wait3A_574] : memref<10000x144xf32, #tpu.memory_space<vmem_shared>> -> memref<10000x144xf32, #tpu.memory_space<vmem_shared>>
      tpu.wait_indirect_dma semaphore(%arg23 : memref<!tpu.dma_semaphore, #tpu.memory_space<semaphore_mem>>) src(%arg16 : memref<80x144xf32, #tpu.memory_space<vmem>>) dst(%dma_wait3A_575 : memref<10000x144xf32, #tpu.memory_space<vmem_shared>>)
      %dma_start3A_576 = arith.constant 4 : i32
      %dma_start3A_577 = arith.constant 0 : i32
      %dma_start3A_578 = tpu.memref_slice %arg10[%dma_start3A_576, %dma_start3A_577] : memref<5x80xi32, #tpu.memory_space<vmem>> -> memref<1x80xi32, #tpu.memory_space<vmem>>
      %dma_start3A_579 = tpu.memref_squeeze %dma_start3A_578 : memref<1x80xi32, #tpu.memory_space<vmem>> -> memref<80xi32, #tpu.memory_space<vmem>>
      %dma_start3A_580 = arith.constant 0 : i32
      %dma_start3A_581 = arith.constant 0 : i32
      %dma_start3A_582 = tpu.memref_slice %arg2[%dma_start3A_580, %dma_start3A_581] : memref<10000x144xf32, #tpu.memory_space<hbm>> -> memref<10000x144xf32, #tpu.memory_space<hbm>>
      tpu.enqueue_indirect_dma source(%dma_start3A_582 : memref<10000x144xf32, #tpu.memory_space<hbm>>) target(%arg16 : memref<80x144xf32, #tpu.memory_space<vmem>>) offsets(%dma_start3A_579 : memref<80xi32, #tpu.memory_space<vmem>>) semaphore(%arg20 : memref<!tpu.dma_semaphore, #tpu.memory_space<semaphore_mem>>)
      %dma_start3A_583 = arith.constant 2 : i32
      %dma_start3A_584 = arith.constant 0 : i32
      %dma_start3A_585 = tpu.memref_slice %arg13[%dma_start3A_583, %dma_start3A_584] : memref<5x80xi32, #tpu.memory_space<vmem>> -> memref<1x80xi32, #tpu.memory_space<vmem>>
      %dma_start3A_586 = tpu.memref_squeeze %dma_start3A_585 : memref<1x80xi32, #tpu.memory_space<vmem>> -> memref<80xi32, #tpu.memory_space<vmem>>
      %dma_start3A_587 = arith.constant 0 : i32
      %dma_start3A_588 = arith.constant 0 : i32
      %dma_start3A_589 = tpu.memref_slice %arg17[%dma_start3A_587, %dma_start3A_588] : memref<10000x144xf32, #tpu.memory_space<vmem_shared>> -> memref<10000x144xf32, #tpu.memory_space<vmem_shared>>
      tpu.enqueue_indirect_dma source(%arg14 : memref<80x144xf32, #tpu.memory_space<vmem>>) target(%dma_start3A_589 : memref<10000x144xf32, #tpu.memory_space<vmem_shared>>) offsets(%dma_start3A_586 : memref<80xi32, #tpu.memory_space<vmem>>) semaphore(%arg21 : memref<!tpu.dma_semaphore, #tpu.memory_space<semaphore_mem>>) {add = true}
      %dma_wait3A_590 = arith.constant 3 : i32
      %dma_wait3A_591 = arith.constant 0 : i32
      %dma_wait3A_592 = tpu.memref_slice %arg10[%dma_wait3A_590, %dma_wait3A_591] : memref<5x80xi32, #tpu.memory_space<vmem>> -> memref<1x80xi32, #tpu.memory_space<vmem>>
      %dma_wait3A_593 = tpu.memref_squeeze %dma_wait3A_592 : memref<1x80xi32, #tpu.memory_space<vmem>> -> memref<80xi32, #tpu.memory_space<vmem>>
      %dma_wait3A_594 = arith.constant 0 : i32
      %dma_wait3A_595 = arith.constant 0 : i32
      %dma_wait3A_596 = tpu.memref_slice %arg2[%dma_wait3A_594, %dma_wait3A_595] : memref<10000x144xf32, #tpu.memory_space<hbm>> -> memref<10000x144xf32, #tpu.memory_space<hbm>>
      tpu.wait_indirect_dma semaphore(%arg19 : memref<!tpu.dma_semaphore, #tpu.memory_space<semaphore_mem>>) src(%dma_wait3A_596 : memref<10000x144xf32, #tpu.memory_space<hbm>>) dst(%arg15 : memref<80x144xf32, #tpu.memory_space<vmem>>)
      %dma_wait3A_597 = arith.constant 0 : i32
      %dma_wait3A_598 = arith.constant 0 : i32
      %dma_wait3A_599 = tpu.memref_slice %arg13[%dma_wait3A_597, %dma_wait3A_598] : memref<5x80xi32, #tpu.memory_space<vmem>> -> memref<1x80xi32, #tpu.memory_space<vmem>>
      %dma_wait3A_600 = tpu.memref_squeeze %dma_wait3A_599 : memref<1x80xi32, #tpu.memory_space<vmem>> -> memref<80xi32, #tpu.memory_space<vmem>>
      %dma_wait3A_601 = arith.constant 0 : i32
      %dma_wait3A_602 = arith.constant 0 : i32
      %dma_wait3A_603 = tpu.memref_slice %arg17[%dma_wait3A_601, %dma_wait3A_602] : memref<10000x144xf32, #tpu.memory_space<vmem_shared>> -> memref<10000x144xf32, #tpu.memory_space<vmem_shared>>
      tpu.wait_indirect_dma semaphore(%arg21 : memref<!tpu.dma_semaphore, #tpu.memory_space<semaphore_mem>>) src(%arg14 : memref<80x144xf32, #tpu.memory_space<vmem>>) dst(%dma_wait3A_603 : memref<10000x144xf32, #tpu.memory_space<vmem_shared>>)
      %dma_wait3A_604 = arith.constant 0 : i32
      %dma_wait3A_605 = tpu.memref_slice %arg3[%add3A_505, %dma_wait3A_604] : memref<4000x80xi32, #tpu.memory_space<hbm>> -> memref<5x80xi32, #tpu.memory_space<hbm>>
      %dma_wait3A_606 = arith.constant 0 : i32
      %dma_wait3A_607 = tpu.memref_slice %arg3[%add3A_505, %dma_wait3A_606] : memref<4000x80xi32, #tpu.memory_space<hbm>> -> memref<5x80xi32, #tpu.memory_space<hbm>>
      tpu.wait_dma2 semaphore(%arg24 : memref<!tpu.dma_semaphore, #tpu.memory_space<semaphore_mem>>) src(%dma_wait3A_607 : memref<5x80xi32, #tpu.memory_space<hbm>>) dst(%arg8 : memref<5x80xi32, #tpu.memory_space<vmem>>)
      %dma_wait3A_608 = arith.constant 0 : i32
      %dma_wait3A_609 = tpu.memref_slice %arg4[%add3A_505, %dma_wait3A_608] : memref<4000x80xi32, #tpu.memory_space<hbm>> -> memref<5x80xi32, #tpu.memory_space<hbm>>
      %dma_wait3A_610 = arith.constant 0 : i32
      %dma_wait3A_611 = tpu.memref_slice %arg4[%add3A_505, %dma_wait3A_610] : memref<4000x80xi32, #tpu.memory_space<hbm>> -> memref<5x80xi32, #tpu.memory_space<hbm>>
      tpu.wait_dma2 semaphore(%arg24 : memref<!tpu.dma_semaphore, #tpu.memory_space<semaphore_mem>>) src(%dma_wait3A_611 : memref<5x80xi32, #tpu.memory_space<hbm>>) dst(%arg11 : memref<5x80xi32, #tpu.memory_space<vmem>>)
      %dma_start3A_612 = arith.constant 0 : i32
      %dma_start3A_613 = arith.constant 0 : i32
      %dma_start3A_614 = tpu.memref_slice %arg8[%dma_start3A_612, %dma_start3A_613] : memref<5x80xi32, #tpu.memory_space<vmem>> -> memref<1x80xi32, #tpu.memory_space<vmem>>
      %dma_start3A_615 = tpu.memref_squeeze %dma_start3A_614 : memref<1x80xi32, #tpu.memory_space<vmem>> -> memref<80xi32, #tpu.memory_space<vmem>>
      %dma_start3A_616 = arith.constant 0 : i32
      %dma_start3A_617 = arith.constant 0 : i32
      %dma_start3A_618 = tpu.memref_slice %arg2[%dma_start3A_616, %dma_start3A_617] : memref<10000x144xf32, #tpu.memory_space<hbm>> -> memref<10000x144xf32, #tpu.memory_space<hbm>>
      tpu.enqueue_indirect_dma source(%dma_start3A_618 : memref<10000x144xf32, #tpu.memory_space<hbm>>) target(%arg14 : memref<80x144xf32, #tpu.memory_space<vmem>>) offsets(%dma_start3A_615 : memref<80xi32, #tpu.memory_space<vmem>>) semaphore(%arg18 : memref<!tpu.dma_semaphore, #tpu.memory_space<semaphore_mem>>)
      %dma_start3A_619 = arith.constant 3 : i32
      %dma_start3A_620 = arith.constant 0 : i32
      %dma_start3A_621 = tpu.memref_slice %arg13[%dma_start3A_619, %dma_start3A_620] : memref<5x80xi32, #tpu.memory_space<vmem>> -> memref<1x80xi32, #tpu.memory_space<vmem>>
      %dma_start3A_622 = tpu.memref_squeeze %dma_start3A_621 : memref<1x80xi32, #tpu.memory_space<vmem>> -> memref<80xi32, #tpu.memory_space<vmem>>
      %dma_start3A_623 = arith.constant 0 : i32
      %dma_start3A_624 = arith.constant 0 : i32
      %dma_start3A_625 = tpu.memref_slice %arg17[%dma_start3A_623, %dma_start3A_624] : memref<10000x144xf32, #tpu.memory_space<vmem_shared>> -> memref<10000x144xf32, #tpu.memory_space<vmem_shared>>
      tpu.enqueue_indirect_dma source(%arg15 : memref<80x144xf32, #tpu.memory_space<vmem>>) target(%dma_start3A_625 : memref<10000x144xf32, #tpu.memory_space<vmem_shared>>) offsets(%dma_start3A_622 : memref<80xi32, #tpu.memory_space<vmem>>) semaphore(%arg22 : memref<!tpu.dma_semaphore, #tpu.memory_space<semaphore_mem>>) {add = true}
      %dma_wait3A_626 = arith.constant 4 : i32
      %dma_wait3A_627 = arith.constant 0 : i32
      %dma_wait3A_628 = tpu.memref_slice %arg10[%dma_wait3A_626, %dma_wait3A_627] : memref<5x80xi32, #tpu.memory_space<vmem>> -> memref<1x80xi32, #tpu.memory_space<vmem>>
      %dma_wait3A_629 = tpu.memref_squeeze %dma_wait3A_628 : memref<1x80xi32, #tpu.memory_space<vmem>> -> memref<80xi32, #tpu.memory_space<vmem>>
      %dma_wait3A_630 = arith.constant 0 : i32
      %dma_wait3A_631 = arith.constant 0 : i32
      %dma_wait3A_632 = tpu.memref_slice %arg2[%dma_wait3A_630, %dma_wait3A_631] : memref<10000x144xf32, #tpu.memory_space<hbm>> -> memref<10000x144xf32, #tpu.memory_space<hbm>>
      tpu.wait_indirect_dma semaphore(%arg20 : memref<!tpu.dma_semaphore, #tpu.memory_space<semaphore_mem>>) src(%dma_wait3A_632 : memref<10000x144xf32, #tpu.memory_space<hbm>>) dst(%arg16 : memref<80x144xf32, #tpu.memory_space<vmem>>)
      %dma_wait3A_633 = arith.constant 0 : i32
      %dma_wait3A_634 = arith.constant 0 : i32
      %dma_wait3A_635 = tpu.memref_slice %arg13[%dma_wait3A_633, %dma_wait3A_634] : memref<5x80xi32, #tpu.memory_space<vmem>> -> memref<1x80xi32, #tpu.memory_space<vmem>>
      %dma_wait3A_636 = tpu.memref_squeeze %dma_wait3A_635 : memref<1x80xi32, #tpu.memory_space<vmem>> -> memref<80xi32, #tpu.memory_space<vmem>>
      %dma_wait3A_637 = arith.constant 0 : i32
      %dma_wait3A_638 = arith.constant 0 : i32
      %dma_wait3A_639 = tpu.memref_slice %arg17[%dma_wait3A_637, %dma_wait3A_638] : memref<10000x144xf32, #tpu.memory_space<vmem_shared>> -> memref<10000x144xf32, #tpu.memory_space<vmem_shared>>
      tpu.wait_indirect_dma semaphore(%arg22 : memref<!tpu.dma_semaphore, #tpu.memory_space<semaphore_mem>>) src(%arg15 : memref<80x144xf32, #tpu.memory_space<vmem>>) dst(%dma_wait3A_639 : memref<10000x144xf32, #tpu.memory_space<vmem_shared>>)
      %dma_start3A_640 = arith.constant 1 : i32
      %dma_start3A_641 = arith.constant 0 : i32
      %dma_start3A_642 = tpu.memref_slice %arg8[%dma_start3A_640, %dma_start3A_641] : memref<5x80xi32, #tpu.memory_space<vmem>> -> memref<1x80xi32, #tpu.memory_space<vmem>>
      %dma_start3A_643 = tpu.memref_squeeze %dma_start3A_642 : memref<1x80xi32, #tpu.memory_space<vmem>> -> memref<80xi32, #tpu.memory_space<vmem>>
      %dma_start3A_644 = arith.constant 0 : i32
      %dma_start3A_645 = arith.constant 0 : i32
      %dma_start3A_646 = tpu.memref_slice %arg2[%dma_start3A_644, %dma_start3A_645] : memref<10000x144xf32, #tpu.memory_space<hbm>> -> memref<10000x144xf32, #tpu.memory_space<hbm>>
      tpu.enqueue_indirect_dma source(%dma_start3A_646 : memref<10000x144xf32, #tpu.memory_space<hbm>>) target(%arg15 : memref<80x144xf32, #tpu.memory_space<vmem>>) offsets(%dma_start3A_643 : memref<80xi32, #tpu.memory_space<vmem>>) semaphore(%arg19 : memref<!tpu.dma_semaphore, #tpu.memory_space<semaphore_mem>>)
      %dma_start3A_647 = arith.constant 4 : i32
      %dma_start3A_648 = arith.constant 0 : i32
      %dma_start3A_649 = tpu.memref_slice %arg13[%dma_start3A_647, %dma_start3A_648] : memref<5x80xi32, #tpu.memory_space<vmem>> -> memref<1x80xi32, #tpu.memory_space<vmem>>
      %dma_start3A_650 = tpu.memref_squeeze %dma_start3A_649 : memref<1x80xi32, #tpu.memory_space<vmem>> -> memref<80xi32, #tpu.memory_space<vmem>>
      %dma_start3A_651 = arith.constant 0 : i32
      %dma_start3A_652 = arith.constant 0 : i32
      %dma_start3A_653 = tpu.memref_slice %arg17[%dma_start3A_651, %dma_start3A_652] : memref<10000x144xf32, #tpu.memory_space<vmem_shared>> -> memref<10000x144xf32, #tpu.memory_space<vmem_shared>>
      tpu.enqueue_indirect_dma source(%arg16 : memref<80x144xf32, #tpu.memory_space<vmem>>) target(%dma_start3A_653 : memref<10000x144xf32, #tpu.memory_space<vmem_shared>>) offsets(%dma_start3A_650 : memref<80xi32, #tpu.memory_space<vmem>>) semaphore(%arg23 : memref<!tpu.dma_semaphore, #tpu.memory_space<semaphore_mem>>) {add = true}
      %lt3A_654 = arith.constant 7 : i32
      %lt3A_655 = arith.cmpi slt, %scan3A_183, %lt3A_654 : i32
      %convert_element_type3A_656 = arith.extui %lt3A_655 : i1 to i32
      %cond3A_657 = arith.constant 0 : i32
      %cond3A_658 = arith.cmpi ne, %convert_element_type3A_656, %cond3A_657 : i32
      scf.if %cond3A_658 {
        %add3A_659 = arith.constant 25 : i32
        %add3A_660 = arith.addi %add3A_186, %add3A_659 : i32
        %dma_start3A_661 = arith.constant 0 : i32
        %dma_start3A_662 = tpu.memref_slice %arg3[%add3A_660, %dma_start3A_661] : memref<4000x80xi32, #tpu.memory_space<hbm>> -> memref<5x80xi32, #tpu.memory_space<hbm>>
        %dma_start3A_663 = arith.constant 0 : i32
        %dma_start3A_664 = tpu.memref_slice %arg3[%add3A_660, %dma_start3A_663] : memref<4000x80xi32, #tpu.memory_space<hbm>> -> memref<5x80xi32, #tpu.memory_space<hbm>>
        tpu.enqueue_dma source(%dma_start3A_664 : memref<5x80xi32, #tpu.memory_space<hbm>>) target(%arg10 : memref<5x80xi32, #tpu.memory_space<vmem>>) target_semaphore(%arg26 : memref<!tpu.dma_semaphore, #tpu.memory_space<semaphore_mem>>)
        %dma_start3A_665 = arith.constant 0 : i32
        %dma_start3A_666 = tpu.memref_slice %arg4[%add3A_660, %dma_start3A_665] : memref<4000x80xi32, #tpu.memory_space<hbm>> -> memref<5x80xi32, #tpu.memory_space<hbm>>
        %dma_start3A_667 = arith.constant 0 : i32
        %dma_start3A_668 = tpu.memref_slice %arg4[%add3A_660, %dma_start3A_667] : memref<4000x80xi32, #tpu.memory_space<hbm>> -> memref<5x80xi32, #tpu.memory_space<hbm>>
        tpu.enqueue_dma source(%dma_start3A_668 : memref<5x80xi32, #tpu.memory_space<hbm>>) target(%arg13 : memref<5x80xi32, #tpu.memory_space<vmem>>) target_semaphore(%arg26 : memref<!tpu.dma_semaphore, #tpu.memory_space<semaphore_mem>>)
      } else {
      }
    }
    %scan3A_42 = arith.constant 8 : i32
    %dma_wait3A = arith.constant 0 : i32
    %dma_wait3A_43 = arith.constant 0 : i32
    %dma_wait3A_44 = tpu.memref_slice %arg8[%dma_wait3A, %dma_wait3A_43] : memref<5x80xi32, #tpu.memory_space<vmem>> -> memref<1x80xi32, #tpu.memory_space<vmem>>
    %dma_wait3A_45 = tpu.memref_squeeze %dma_wait3A_44 : memref<1x80xi32, #tpu.memory_space<vmem>> -> memref<80xi32, #tpu.memory_space<vmem>>
    %dma_wait3A_46 = arith.constant 0 : i32
    %dma_wait3A_47 = arith.constant 0 : i32
    %dma_wait3A_48 = tpu.memref_slice %arg2[%dma_wait3A_46, %dma_wait3A_47] : memref<10000x144xf32, #tpu.memory_space<hbm>> -> memref<10000x144xf32, #tpu.memory_space<hbm>>
    tpu.wait_indirect_dma semaphore(%arg18 : memref<!tpu.dma_semaphore, #tpu.memory_space<semaphore_mem>>) src(%dma_wait3A_48 : memref<10000x144xf32, #tpu.memory_space<hbm>>) dst(%arg14 : memref<80x144xf32, #tpu.memory_space<vmem>>)
    %dma_wait3A_49 = arith.constant 0 : i32
    %dma_wait3A_50 = arith.constant 0 : i32
    %dma_wait3A_51 = tpu.memref_slice %arg11[%dma_wait3A_49, %dma_wait3A_50] : memref<5x80xi32, #tpu.memory_space<vmem>> -> memref<1x80xi32, #tpu.memory_space<vmem>>
    %dma_wait3A_52 = tpu.memref_squeeze %dma_wait3A_51 : memref<1x80xi32, #tpu.memory_space<vmem>> -> memref<80xi32, #tpu.memory_space<vmem>>
    %dma_wait3A_53 = arith.constant 0 : i32
    %dma_wait3A_54 = arith.constant 0 : i32
    %dma_wait3A_55 = tpu.memref_slice %arg17[%dma_wait3A_53, %dma_wait3A_54] : memref<10000x144xf32, #tpu.memory_space<vmem_shared>> -> memref<10000x144xf32, #tpu.memory_space<vmem_shared>>
    tpu.wait_indirect_dma semaphore(%arg23 : memref<!tpu.dma_semaphore, #tpu.memory_space<semaphore_mem>>) src(%arg16 : memref<80x144xf32, #tpu.memory_space<vmem>>) dst(%dma_wait3A_55 : memref<10000x144xf32, #tpu.memory_space<vmem_shared>>)
    %dma_start3A_56 = arith.constant 2 : i32
    %dma_start3A_57 = arith.constant 0 : i32
    %dma_start3A_58 = tpu.memref_slice %arg8[%dma_start3A_56, %dma_start3A_57] : memref<5x80xi32, #tpu.memory_space<vmem>> -> memref<1x80xi32, #tpu.memory_space<vmem>>
    %dma_start3A_59 = tpu.memref_squeeze %dma_start3A_58 : memref<1x80xi32, #tpu.memory_space<vmem>> -> memref<80xi32, #tpu.memory_space<vmem>>
    %dma_start3A_60 = arith.constant 0 : i32
    %dma_start3A_61 = arith.constant 0 : i32
    %dma_start3A_62 = tpu.memref_slice %arg2[%dma_start3A_60, %dma_start3A_61] : memref<10000x144xf32, #tpu.memory_space<hbm>> -> memref<10000x144xf32, #tpu.memory_space<hbm>>
    tpu.enqueue_indirect_dma source(%dma_start3A_62 : memref<10000x144xf32, #tpu.memory_space<hbm>>) target(%arg16 : memref<80x144xf32, #tpu.memory_space<vmem>>) offsets(%dma_start3A_59 : memref<80xi32, #tpu.memory_space<vmem>>) semaphore(%arg20 : memref<!tpu.dma_semaphore, #tpu.memory_space<semaphore_mem>>)
    %dma_start3A_63 = arith.constant 0 : i32
    %dma_start3A_64 = arith.constant 0 : i32
    %dma_start3A_65 = tpu.memref_slice %arg11[%dma_start3A_63, %dma_start3A_64] : memref<5x80xi32, #tpu.memory_space<vmem>> -> memref<1x80xi32, #tpu.memory_space<vmem>>
    %dma_start3A_66 = tpu.memref_squeeze %dma_start3A_65 : memref<1x80xi32, #tpu.memory_space<vmem>> -> memref<80xi32, #tpu.memory_space<vmem>>
    %dma_start3A_67 = arith.constant 0 : i32
    %dma_start3A_68 = arith.constant 0 : i32
    %dma_start3A_69 = tpu.memref_slice %arg17[%dma_start3A_67, %dma_start3A_68] : memref<10000x144xf32, #tpu.memory_space<vmem_shared>> -> memref<10000x144xf32, #tpu.memory_space<vmem_shared>>
    tpu.enqueue_indirect_dma source(%arg14 : memref<80x144xf32, #tpu.memory_space<vmem>>) target(%dma_start3A_69 : memref<10000x144xf32, #tpu.memory_space<vmem_shared>>) offsets(%dma_start3A_66 : memref<80xi32, #tpu.memory_space<vmem>>) semaphore(%arg21 : memref<!tpu.dma_semaphore, #tpu.memory_space<semaphore_mem>>) {add = true}
    %dma_wait3A_70 = arith.constant 1 : i32
    %dma_wait3A_71 = arith.constant 0 : i32
    %dma_wait3A_72 = tpu.memref_slice %arg8[%dma_wait3A_70, %dma_wait3A_71] : memref<5x80xi32, #tpu.memory_space<vmem>> -> memref<1x80xi32, #tpu.memory_space<vmem>>
    %dma_wait3A_73 = tpu.memref_squeeze %dma_wait3A_72 : memref<1x80xi32, #tpu.memory_space<vmem>> -> memref<80xi32, #tpu.memory_space<vmem>>
    %dma_wait3A_74 = arith.constant 0 : i32
    %dma_wait3A_75 = arith.constant 0 : i32
    %dma_wait3A_76 = tpu.memref_slice %arg2[%dma_wait3A_74, %dma_wait3A_75] : memref<10000x144xf32, #tpu.memory_space<hbm>> -> memref<10000x144xf32, #tpu.memory_space<hbm>>
    tpu.wait_indirect_dma semaphore(%arg19 : memref<!tpu.dma_semaphore, #tpu.memory_space<semaphore_mem>>) src(%dma_wait3A_76 : memref<10000x144xf32, #tpu.memory_space<hbm>>) dst(%arg15 : memref<80x144xf32, #tpu.memory_space<vmem>>)
    %dma_wait3A_77 = arith.constant 0 : i32
    %dma_wait3A_78 = arith.constant 0 : i32
    %dma_wait3A_79 = tpu.memref_slice %arg11[%dma_wait3A_77, %dma_wait3A_78] : memref<5x80xi32, #tpu.memory_space<vmem>> -> memref<1x80xi32, #tpu.memory_space<vmem>>
    %dma_wait3A_80 = tpu.memref_squeeze %dma_wait3A_79 : memref<1x80xi32, #tpu.memory_space<vmem>> -> memref<80xi32, #tpu.memory_space<vmem>>
    %dma_wait3A_81 = arith.constant 0 : i32
    %dma_wait3A_82 = arith.constant 0 : i32
    %dma_wait3A_83 = tpu.memref_slice %arg17[%dma_wait3A_81, %dma_wait3A_82] : memref<10000x144xf32, #tpu.memory_space<vmem_shared>> -> memref<10000x144xf32, #tpu.memory_space<vmem_shared>>
    tpu.wait_indirect_dma semaphore(%arg21 : memref<!tpu.dma_semaphore, #tpu.memory_space<semaphore_mem>>) src(%arg14 : memref<80x144xf32, #tpu.memory_space<vmem>>) dst(%dma_wait3A_83 : memref<10000x144xf32, #tpu.memory_space<vmem_shared>>)
    %dma_start3A_84 = arith.constant 3 : i32
    %dma_start3A_85 = arith.constant 0 : i32
    %dma_start3A_86 = tpu.memref_slice %arg8[%dma_start3A_84, %dma_start3A_85] : memref<5x80xi32, #tpu.memory_space<vmem>> -> memref<1x80xi32, #tpu.memory_space<vmem>>
    %dma_start3A_87 = tpu.memref_squeeze %dma_start3A_86 : memref<1x80xi32, #tpu.memory_space<vmem>> -> memref<80xi32, #tpu.memory_space<vmem>>
    %dma_start3A_88 = arith.constant 0 : i32
    %dma_start3A_89 = arith.constant 0 : i32
    %dma_start3A_90 = tpu.memref_slice %arg2[%dma_start3A_88, %dma_start3A_89] : memref<10000x144xf32, #tpu.memory_space<hbm>> -> memref<10000x144xf32, #tpu.memory_space<hbm>>
    tpu.enqueue_indirect_dma source(%dma_start3A_90 : memref<10000x144xf32, #tpu.memory_space<hbm>>) target(%arg14 : memref<80x144xf32, #tpu.memory_space<vmem>>) offsets(%dma_start3A_87 : memref<80xi32, #tpu.memory_space<vmem>>) semaphore(%arg18 : memref<!tpu.dma_semaphore, #tpu.memory_space<semaphore_mem>>)
    %dma_start3A_91 = arith.constant 1 : i32
    %dma_start3A_92 = arith.constant 0 : i32
    %dma_start3A_93 = tpu.memref_slice %arg11[%dma_start3A_91, %dma_start3A_92] : memref<5x80xi32, #tpu.memory_space<vmem>> -> memref<1x80xi32, #tpu.memory_space<vmem>>
    %dma_start3A_94 = tpu.memref_squeeze %dma_start3A_93 : memref<1x80xi32, #tpu.memory_space<vmem>> -> memref<80xi32, #tpu.memory_space<vmem>>
    %dma_start3A_95 = arith.constant 0 : i32
    %dma_start3A_96 = arith.constant 0 : i32
    %dma_start3A_97 = tpu.memref_slice %arg17[%dma_start3A_95, %dma_start3A_96] : memref<10000x144xf32, #tpu.memory_space<vmem_shared>> -> memref<10000x144xf32, #tpu.memory_space<vmem_shared>>
    tpu.enqueue_indirect_dma source(%arg15 : memref<80x144xf32, #tpu.memory_space<vmem>>) target(%dma_start3A_97 : memref<10000x144xf32, #tpu.memory_space<vmem_shared>>) offsets(%dma_start3A_94 : memref<80xi32, #tpu.memory_space<vmem>>) semaphore(%arg22 : memref<!tpu.dma_semaphore, #tpu.memory_space<semaphore_mem>>) {add = true}
    %dma_wait3A_98 = arith.constant 2 : i32
    %dma_wait3A_99 = arith.constant 0 : i32
    %dma_wait3A_100 = tpu.memref_slice %arg8[%dma_wait3A_98, %dma_wait3A_99] : memref<5x80xi32, #tpu.memory_space<vmem>> -> memref<1x80xi32, #tpu.memory_space<vmem>>
    %dma_wait3A_101 = tpu.memref_squeeze %dma_wait3A_100 : memref<1x80xi32, #tpu.memory_space<vmem>> -> memref<80xi32, #tpu.memory_space<vmem>>
    %dma_wait3A_102 = arith.constant 0 : i32
    %dma_wait3A_103 = arith.constant 0 : i32
    %dma_wait3A_104 = tpu.memref_slice %arg2[%dma_wait3A_102, %dma_wait3A_103] : memref<10000x144xf32, #tpu.memory_space<hbm>> -> memref<10000x144xf32, #tpu.memory_space<hbm>>
    tpu.wait_indirect_dma semaphore(%arg20 : memref<!tpu.dma_semaphore, #tpu.memory_space<semaphore_mem>>) src(%dma_wait3A_104 : memref<10000x144xf32, #tpu.memory_space<hbm>>) dst(%arg16 : memref<80x144xf32, #tpu.memory_space<vmem>>)
    %dma_wait3A_105 = arith.constant 0 : i32
    %dma_wait3A_106 = arith.constant 0 : i32
    %dma_wait3A_107 = tpu.memref_slice %arg11[%dma_wait3A_105, %dma_wait3A_106] : memref<5x80xi32, #tpu.memory_space<vmem>> -> memref<1x80xi32, #tpu.memory_space<vmem>>
    %dma_wait3A_108 = tpu.memref_squeeze %dma_wait3A_107 : memref<1x80xi32, #tpu.memory_space<vmem>> -> memref<80xi32, #tpu.memory_space<vmem>>
    %dma_wait3A_109 = arith.constant 0 : i32
    %dma_wait3A_110 = arith.constant 0 : i32
    %dma_wait3A_111 = tpu.memref_slice %arg17[%dma_wait3A_109, %dma_wait3A_110] : memref<10000x144xf32, #tpu.memory_space<vmem_shared>> -> memref<10000x144xf32, #tpu.memory_space<vmem_shared>>
    tpu.wait_indirect_dma semaphore(%arg22 : memref<!tpu.dma_semaphore, #tpu.memory_space<semaphore_mem>>) src(%arg15 : memref<80x144xf32, #tpu.memory_space<vmem>>) dst(%dma_wait3A_111 : memref<10000x144xf32, #tpu.memory_space<vmem_shared>>)
    %dma_start3A_112 = arith.constant 4 : i32
    %dma_start3A_113 = arith.constant 0 : i32
    %dma_start3A_114 = tpu.memref_slice %arg8[%dma_start3A_112, %dma_start3A_113] : memref<5x80xi32, #tpu.memory_space<vmem>> -> memref<1x80xi32, #tpu.memory_space<vmem>>
    %dma_start3A_115 = tpu.memref_squeeze %dma_start3A_114 : memref<1x80xi32, #tpu.memory_space<vmem>> -> memref<80xi32, #tpu.memory_space<vmem>>
    %dma_start3A_116 = arith.constant 0 : i32
    %dma_start3A_117 = arith.constant 0 : i32
    %dma_start3A_118 = tpu.memref_slice %arg2[%dma_start3A_116, %dma_start3A_117] : memref<10000x144xf32, #tpu.memory_space<hbm>> -> memref<10000x144xf32, #tpu.memory_space<hbm>>
    tpu.enqueue_indirect_dma source(%dma_start3A_118 : memref<10000x144xf32, #tpu.memory_space<hbm>>) target(%arg15 : memref<80x144xf32, #tpu.memory_space<vmem>>) offsets(%dma_start3A_115 : memref<80xi32, #tpu.memory_space<vmem>>) semaphore(%arg19 : memref<!tpu.dma_semaphore, #tpu.memory_space<semaphore_mem>>)
    %dma_start3A_119 = arith.constant 2 : i32
    %dma_start3A_120 = arith.constant 0 : i32
    %dma_start3A_121 = tpu.memref_slice %arg11[%dma_start3A_119, %dma_start3A_120] : memref<5x80xi32, #tpu.memory_space<vmem>> -> memref<1x80xi32, #tpu.memory_space<vmem>>
    %dma_start3A_122 = tpu.memref_squeeze %dma_start3A_121 : memref<1x80xi32, #tpu.memory_space<vmem>> -> memref<80xi32, #tpu.memory_space<vmem>>
    %dma_start3A_123 = arith.constant 0 : i32
    %dma_start3A_124 = arith.constant 0 : i32
    %dma_start3A_125 = tpu.memref_slice %arg17[%dma_start3A_123, %dma_start3A_124] : memref<10000x144xf32, #tpu.memory_space<vmem_shared>> -> memref<10000x144xf32, #tpu.memory_space<vmem_shared>>
    tpu.enqueue_indirect_dma source(%arg16 : memref<80x144xf32, #tpu.memory_space<vmem>>) target(%dma_start3A_125 : memref<10000x144xf32, #tpu.memory_space<vmem_shared>>) offsets(%dma_start3A_122 : memref<80xi32, #tpu.memory_space<vmem>>) semaphore(%arg23 : memref<!tpu.dma_semaphore, #tpu.memory_space<semaphore_mem>>) {add = true}
    %dma_wait3A_126 = arith.constant 3 : i32
    %dma_wait3A_127 = arith.constant 0 : i32
    %dma_wait3A_128 = tpu.memref_slice %arg8[%dma_wait3A_126, %dma_wait3A_127] : memref<5x80xi32, #tpu.memory_space<vmem>> -> memref<1x80xi32, #tpu.memory_space<vmem>>
    %dma_wait3A_129 = tpu.memref_squeeze %dma_wait3A_128 : memref<1x80xi32, #tpu.memory_space<vmem>> -> memref<80xi32, #tpu.memory_space<vmem>>
    %dma_wait3A_130 = arith.constant 0 : i32
    %dma_wait3A_131 = arith.constant 0 : i32
    %dma_wait3A_132 = tpu.memref_slice %arg2[%dma_wait3A_130, %dma_wait3A_131] : memref<10000x144xf32, #tpu.memory_space<hbm>> -> memref<10000x144xf32, #tpu.memory_space<hbm>>
    tpu.wait_indirect_dma semaphore(%arg18 : memref<!tpu.dma_semaphore, #tpu.memory_space<semaphore_mem>>) src(%dma_wait3A_132 : memref<10000x144xf32, #tpu.memory_space<hbm>>) dst(%arg14 : memref<80x144xf32, #tpu.memory_space<vmem>>)
    %dma_wait3A_133 = arith.constant 0 : i32
    %dma_wait3A_134 = arith.constant 0 : i32
    %dma_wait3A_135 = tpu.memref_slice %arg11[%dma_wait3A_133, %dma_wait3A_134] : memref<5x80xi32, #tpu.memory_space<vmem>> -> memref<1x80xi32, #tpu.memory_space<vmem>>
    %dma_wait3A_136 = tpu.memref_squeeze %dma_wait3A_135 : memref<1x80xi32, #tpu.memory_space<vmem>> -> memref<80xi32, #tpu.memory_space<vmem>>
    %dma_wait3A_137 = arith.constant 0 : i32
    %dma_wait3A_138 = arith.constant 0 : i32
    %dma_wait3A_139 = tpu.memref_slice %arg17[%dma_wait3A_137, %dma_wait3A_138] : memref<10000x144xf32, #tpu.memory_space<vmem_shared>> -> memref<10000x144xf32, #tpu.memory_space<vmem_shared>>
    tpu.wait_indirect_dma semaphore(%arg23 : memref<!tpu.dma_semaphore, #tpu.memory_space<semaphore_mem>>) src(%arg16 : memref<80x144xf32, #tpu.memory_space<vmem>>) dst(%dma_wait3A_139 : memref<10000x144xf32, #tpu.memory_space<vmem_shared>>)
    %dma_start3A_140 = arith.constant 3 : i32
    %dma_start3A_141 = arith.constant 0 : i32
    %dma_start3A_142 = tpu.memref_slice %arg11[%dma_start3A_140, %dma_start3A_141] : memref<5x80xi32, #tpu.memory_space<vmem>> -> memref<1x80xi32, #tpu.memory_space<vmem>>
    %dma_start3A_143 = tpu.memref_squeeze %dma_start3A_142 : memref<1x80xi32, #tpu.memory_space<vmem>> -> memref<80xi32, #tpu.memory_space<vmem>>
    %dma_start3A_144 = arith.constant 0 : i32
    %dma_start3A_145 = arith.constant 0 : i32
    %dma_start3A_146 = tpu.memref_slice %arg17[%dma_start3A_144, %dma_start3A_145] : memref<10000x144xf32, #tpu.memory_space<vmem_shared>> -> memref<10000x144xf32, #tpu.memory_space<vmem_shared>>
    tpu.enqueue_indirect_dma source(%arg14 : memref<80x144xf32, #tpu.memory_space<vmem>>) target(%dma_start3A_146 : memref<10000x144xf32, #tpu.memory_space<vmem_shared>>) offsets(%dma_start3A_143 : memref<80xi32, #tpu.memory_space<vmem>>) semaphore(%arg21 : memref<!tpu.dma_semaphore, #tpu.memory_space<semaphore_mem>>) {add = true}
    %dma_wait3A_147 = arith.constant 4 : i32
    %dma_wait3A_148 = arith.constant 0 : i32
    %dma_wait3A_149 = tpu.memref_slice %arg8[%dma_wait3A_147, %dma_wait3A_148] : memref<5x80xi32, #tpu.memory_space<vmem>> -> memref<1x80xi32, #tpu.memory_space<vmem>>
    %dma_wait3A_150 = tpu.memref_squeeze %dma_wait3A_149 : memref<1x80xi32, #tpu.memory_space<vmem>> -> memref<80xi32, #tpu.memory_space<vmem>>
    %dma_wait3A_151 = arith.constant 0 : i32
    %dma_wait3A_152 = arith.constant 0 : i32
    %dma_wait3A_153 = tpu.memref_slice %arg2[%dma_wait3A_151, %dma_wait3A_152] : memref<10000x144xf32, #tpu.memory_space<hbm>> -> memref<10000x144xf32, #tpu.memory_space<hbm>>
    tpu.wait_indirect_dma semaphore(%arg19 : memref<!tpu.dma_semaphore, #tpu.memory_space<semaphore_mem>>) src(%dma_wait3A_153 : memref<10000x144xf32, #tpu.memory_space<hbm>>) dst(%arg15 : memref<80x144xf32, #tpu.memory_space<vmem>>)
    %dma_wait3A_154 = arith.constant 0 : i32
    %dma_wait3A_155 = arith.constant 0 : i32
    %dma_wait3A_156 = tpu.memref_slice %arg11[%dma_wait3A_154, %dma_wait3A_155] : memref<5x80xi32, #tpu.memory_space<vmem>> -> memref<1x80xi32, #tpu.memory_space<vmem>>
    %dma_wait3A_157 = tpu.memref_squeeze %dma_wait3A_156 : memref<1x80xi32, #tpu.memory_space<vmem>> -> memref<80xi32, #tpu.memory_space<vmem>>
    %dma_wait3A_158 = arith.constant 0 : i32
    %dma_wait3A_159 = arith.constant 0 : i32
    %dma_wait3A_160 = tpu.memref_slice %arg17[%dma_wait3A_158, %dma_wait3A_159] : memref<10000x144xf32, #tpu.memory_space<vmem_shared>> -> memref<10000x144xf32, #tpu.memory_space<vmem_shared>>
    tpu.wait_indirect_dma semaphore(%arg21 : memref<!tpu.dma_semaphore, #tpu.memory_space<semaphore_mem>>) src(%arg14 : memref<80x144xf32, #tpu.memory_space<vmem>>) dst(%dma_wait3A_160 : memref<10000x144xf32, #tpu.memory_space<vmem_shared>>)
    %dma_start3A_161 = arith.constant 4 : i32
    %dma_start3A_162 = arith.constant 0 : i32
    %dma_start3A_163 = tpu.memref_slice %arg11[%dma_start3A_161, %dma_start3A_162] : memref<5x80xi32, #tpu.memory_space<vmem>> -> memref<1x80xi32, #tpu.memory_space<vmem>>
    %dma_start3A_164 = tpu.memref_squeeze %dma_start3A_163 : memref<1x80xi32, #tpu.memory_space<vmem>> -> memref<80xi32, #tpu.memory_space<vmem>>
    %dma_start3A_165 = arith.constant 0 : i32
    %dma_start3A_166 = arith.constant 0 : i32
    %dma_start3A_167 = tpu.memref_slice %arg17[%dma_start3A_165, %dma_start3A_166] : memref<10000x144xf32, #tpu.memory_space<vmem_shared>> -> memref<10000x144xf32, #tpu.memory_space<vmem_shared>>
    tpu.enqueue_indirect_dma source(%arg15 : memref<80x144xf32, #tpu.memory_space<vmem>>) target(%dma_start3A_167 : memref<10000x144xf32, #tpu.memory_space<vmem_shared>>) offsets(%dma_start3A_164 : memref<80xi32, #tpu.memory_space<vmem>>) semaphore(%arg22 : memref<!tpu.dma_semaphore, #tpu.memory_space<semaphore_mem>>) {add = true}
    %dma_wait3A_168 = arith.constant 0 : i32
    %dma_wait3A_169 = arith.constant 0 : i32
    %dma_wait3A_170 = tpu.memref_slice %arg11[%dma_wait3A_168, %dma_wait3A_169] : memref<5x80xi32, #tpu.memory_space<vmem>> -> memref<1x80xi32, #tpu.memory_space<vmem>>
    %dma_wait3A_171 = tpu.memref_squeeze %dma_wait3A_170 : memref<1x80xi32, #tpu.memory_space<vmem>> -> memref<80xi32, #tpu.memory_space<vmem>>
    %dma_wait3A_172 = arith.constant 0 : i32
    %dma_wait3A_173 = arith.constant 0 : i32
    %dma_wait3A_174 = tpu.memref_slice %arg17[%dma_wait3A_172, %dma_wait3A_173] : memref<10000x144xf32, #tpu.memory_space<vmem_shared>> -> memref<10000x144xf32, #tpu.memory_space<vmem_shared>>
    tpu.wait_indirect_dma semaphore(%arg22 : memref<!tpu.dma_semaphore, #tpu.memory_space<semaphore_mem>>) src(%arg15 : memref<80x144xf32, #tpu.memory_space<vmem>>) dst(%dma_wait3A_174 : memref<10000x144xf32, #tpu.memory_space<vmem_shared>>)
    %barrier3A_175 = arith.constant 0 : index
    tpu.barrier barrier_id(%barrier3A_175)
    %eq3A = arith.constant 0 : i32
    %eq3A_176 = arith.cmpi eq, %arg0, %eq3A : i32
    %convert_element_type3A = arith.extui %eq3A_176 : i1 to i32
    %cond3A = arith.constant 0 : i32
    %cond3A_177 = arith.cmpi ne, %convert_element_type3A, %cond3A : i32
    scf.if %cond3A_177 {
      "tpu.region"() ({
        %run_scoped3A = tpu.sem_alloc : memref<!tpu.dma_semaphore, #tpu.memory_space<semaphore_mem>>
        %dma_start3A_183 = arith.constant 0 : i32
        %dma_start3A_184 = tpu.memref_slice %arg6[%mul3A_0, %dma_start3A_183] : memref<10000x144xf32, #tpu.memory_space<hbm>> -> memref<625x144xf32, #tpu.memory_space<hbm>>
        %dma_start3A_185 = arith.constant 0 : i32
        %dma_start3A_186 = tpu.memref_slice %arg17[%mul3A_0, %dma_start3A_185] : memref<10000x144xf32, #tpu.memory_space<vmem_shared>> -> memref<625x144xf32, #tpu.memory_space<vmem_shared>>
        tpu.enqueue_dma source(%dma_start3A_186 : memref<625x144xf32, #tpu.memory_space<vmem_shared>>) target(%dma_start3A_184 : memref<625x144xf32, #tpu.memory_space<hbm>>) target_semaphore(%run_scoped3A : memref<!tpu.dma_semaphore, #tpu.memory_space<semaphore_mem>>)
        %dma_wait3A_187 = arith.constant 0 : i32
        %dma_wait3A_188 = tpu.memref_slice %arg6[%mul3A_0, %dma_wait3A_187] : memref<10000x144xf32, #tpu.memory_space<hbm>> -> memref<625x144xf32, #tpu.memory_space<hbm>>
        %dma_wait3A_189 = arith.constant 0 : i32
        %dma_wait3A_190 = tpu.memref_slice %arg17[%mul3A_0, %dma_wait3A_189] : memref<10000x144xf32, #tpu.memory_space<vmem_shared>> -> memref<625x144xf32, #tpu.memory_space<vmem_shared>>
        tpu.wait_dma2 semaphore(%run_scoped3A : memref<!tpu.dma_semaphore, #tpu.memory_space<semaphore_mem>>) src(%dma_wait3A_190 : memref<625x144xf32, #tpu.memory_space<vmem_shared>>) dst(%dma_wait3A_188 : memref<625x144xf32, #tpu.memory_space<hbm>>)
        tpu.yield
      }) : () -> ()
    } else {
    }
    %eq3A_178 = arith.constant 1 : i32
    %eq3A_179 = arith.cmpi eq, %arg0, %eq3A_178 : i32
    %convert_element_type3A_180 = arith.extui %eq3A_179 : i1 to i32
    %cond3A_181 = arith.constant 0 : i32
    %cond3A_182 = arith.cmpi ne, %convert_element_type3A_180, %cond3A_181 : i32
    scf.if %cond3A_182 {
      "tpu.region"() ({
        %run_scoped3A = tpu.sem_alloc : memref<!tpu.dma_semaphore, #tpu.memory_space<semaphore_mem>>
        %dma_start3A_183 = arith.constant 0 : i32
        %dma_start3A_184 = tpu.memref_slice %arg7[%mul3A_0, %dma_start3A_183] : memref<10000x144xf32, #tpu.memory_space<hbm>> -> memref<625x144xf32, #tpu.memory_space<hbm>>
        %dma_start3A_185 = arith.constant 0 : i32
        %dma_start3A_186 = tpu.memref_slice %arg17[%mul3A_0, %dma_start3A_185] : memref<10000x144xf32, #tpu.memory_space<vmem_shared>> -> memref<625x144xf32, #tpu.memory_space<vmem_shared>>
        tpu.enqueue_dma source(%dma_start3A_186 : memref<625x144xf32, #tpu.memory_space<vmem_shared>>) target(%dma_start3A_184 : memref<625x144xf32, #tpu.memory_space<hbm>>) target_semaphore(%run_scoped3A : memref<!tpu.dma_semaphore, #tpu.memory_space<semaphore_mem>>)
        %dma_wait3A_187 = arith.constant 0 : i32
        %dma_wait3A_188 = tpu.memref_slice %arg7[%mul3A_0, %dma_wait3A_187] : memref<10000x144xf32, #tpu.memory_space<hbm>> -> memref<625x144xf32, #tpu.memory_space<hbm>>
        %dma_wait3A_189 = arith.constant 0 : i32
        %dma_wait3A_190 = tpu.memref_slice %arg17[%mul3A_0, %dma_wait3A_189] : memref<10000x144xf32, #tpu.memory_space<vmem_shared>> -> memref<625x144xf32, #tpu.memory_space<vmem_shared>>
        tpu.wait_dma2 semaphore(%run_scoped3A : memref<!tpu.dma_semaphore, #tpu.memory_space<semaphore_mem>>) src(%dma_wait3A_190 : memref<625x144xf32, #tpu.memory_space<vmem_shared>>) dst(%dma_wait3A_188 : memref<625x144xf32, #tpu.memory_space<hbm>>)
        tpu.yield
      }) : () -> ()
    } else {
    }
    return
  }
}

module attributes {stable_mosaic.version = 14 : i64} {
  func.func @_tc2_body(%arg0: i32, %arg1: memref<1000x128xf32, #tpu.memory_space<vmem>>, %arg2: memref<128x128xf32, #tpu.memory_space<vmem>>, %arg3: memref<1000x144xf32, #tpu.memory_space<vmem>>) attributes {dimension_semantics = [#tpu.dimension_semantics<arbitrary>], iteration_bounds = array<i64: 10>, scalar_prefetch = 0 : i64, scratch_operands = 0 : i64, tpu.core_type = #tpu.core_type<tc>, window_params = [{transform_indices = @transform_0, window_bounds = array<i64: 1000, 128>}, {pipeline_mode = #tpu.pipeline_mode<synchronous>, transform_indices = @transform_1, window_bounds = array<i64: 128, 128>}, {transform_indices = @transform_2, window_bounds = array<i64: 1000, 144>}]} {
    %broadcast_in_dim3A = arith.constant 1.000000e+00 : f32
    %broadcast_in_dim3A_0 = vector.broadcast %broadcast_in_dim3A : f32 to vector<1000x16xf32>
    %get3A = arith.constant 0 : index
    %get3A_1 = arith.constant 0 : index
    %get3A_2 = vector.load %arg1[%get3A, %get3A_1] : memref<1000x128xf32, #tpu.memory_space<vmem>>, vector<1000x128xf32>
    %get3A_3 = arith.constant 0 : index
    %get3A_4 = arith.constant 0 : index
    %get3A_5 = vector.load %arg2[%get3A_3, %get3A_4] : memref<128x128xf32, #tpu.memory_space<vmem>>, vector<128x128xf32>
    %slice3A = vector.extract_strided_slice %get3A_2 {offsets = [0, 1], sizes = [1000, 127], strides = [1, 1]} : vector<1000x128xf32> to vector<1000x127xf32>
    %mul3A = arith.mulf %slice3A, %slice3A : vector<1000x127xf32>
    %reduce_sum3A = arith.constant dense<0.000000e+00> : vector<1000xf32>
    %reduce_sum3A_6 = vector.multi_reduction <add>, %mul3A, %reduce_sum3A [1] : vector<1000x127xf32> to vector<1000xf32>
    %broadcast_in_dim3A_7 = vector.shape_cast %reduce_sum3A_6 : vector<1000xf32> to vector<1000x1xf32>
    %add3A = arith.constant 1.000000e+00 : f32
    %add3A_8 = vector.broadcast %add3A : f32 to vector<1000x1xf32>
    %add3A_9 = arith.addf %add3A_8, %broadcast_in_dim3A_7 : vector<1000x1xf32>
    %sqrt3A = math.sqrt %add3A_9 : vector<1000x1xf32>
    %jit3A = arith.constant 1.00000012 : f32
    %max3A = vector.broadcast %jit3A : f32 to vector<1000x1xf32>
    %max3A_10 = arith.maximumf %max3A, %sqrt3A : vector<1000x1xf32>
    %sub3A = arith.constant 1.000000e+00 : f32
    %sub3A_11 = vector.broadcast %sub3A : f32 to vector<1000x1xf32>
    %sub3A_12 = arith.subf %max3A_10, %sub3A_11 : vector<1000x1xf32>
    %add3A_13 = arith.constant 1.000000e+00 : f32
    %add3A_14 = vector.broadcast %add3A_13 : f32 to vector<1000x1xf32>
    %add3A_15 = arith.addf %max3A_10, %add3A_14 : vector<1000x1xf32>
    %mul3A_16 = arith.mulf %sub3A_12, %add3A_15 : vector<1000x1xf32>
    %sqrt3A_17 = math.sqrt %mul3A_16 : vector<1000x1xf32>
    %add3A_18 = arith.addf %max3A_10, %sqrt3A_17 : vector<1000x1xf32>
    %log3A = math.log %add3A_18 : vector<1000x1xf32>
    %jit3A_19 = arith.constant 1.000000e-15 : f32
    %max3A_20 = vector.broadcast %jit3A_19 : f32 to vector<1000x1xf32>
    %max3A_21 = arith.maximumf %max3A_20, %broadcast_in_dim3A_7 : vector<1000x1xf32>
    %sqrt3A_22 = math.sqrt %max3A_21 : vector<1000x1xf32>
    %mul3A_23 = vector.broadcast %log3A : vector<1000x1xf32> to vector<1000x127xf32>
    %mul3A_24 = arith.mulf %mul3A_23, %slice3A : vector<1000x127xf32>
    %div3A = vector.broadcast %sqrt3A_22 : vector<1000x1xf32> to vector<1000x127xf32>
    %div3A_25 = arith.divf %mul3A_24, %div3A : vector<1000x127xf32>
    %broadcast_in_dim3A_26 = arith.constant 0.000000e+00 : f32
    %broadcast_in_dim3A_27 = vector.broadcast %broadcast_in_dim3A_26 : f32 to vector<1000x1xf32>
    %concatenate3A = tpu.concatenate %broadcast_in_dim3A_27, %div3A_25 in 1 : vector<1000x1xf32>, vector<1000x127xf32> -> vector<1000x128xf32>
    %dot_general3A = arith.constant dense<0.000000e+00> : vector<1000x128xf32>
    %dot_general3A_28 = tpu.matmul %concatenate3A, %get3A_5, %dot_general3A {dimension_numbers = #tpu.dot_dimension_numbers<[1], [0], [0], [1], [0, 0, 1, 1], [], []>, transpose_lhs_hint = false} : vector<1000x128xf32>, vector<128x128xf32>, vector<1000x128xf32> -> vector<1000x128xf32>
    %concatenate3A_29 = tpu.concatenate %dot_general3A_28, %broadcast_in_dim3A_0 in 1 : vector<1000x128xf32>, vector<1000x16xf32> -> vector<1000x144xf32>
    %swap3A = arith.constant 0 : index
    %swap3A_30 = arith.constant 0 : index
    %swap3A_31 = vector.load %arg3[%swap3A, %swap3A_30] : memref<1000x144xf32, #tpu.memory_space<vmem>>, vector<1000x144xf32>
    tpu.vector_store %arg3[%swap3A, %swap3A_30], %concatenate3A_29 {strides = array<i32>} : memref<1000x144xf32, #tpu.memory_space<vmem>>, vector<1000x144xf32>,
    return
  }
  func.func @transform_0(%arg0: i32) -> (i32, i32) {
    %c0_i32 = arith.constant 0 : i32
    %c0_i32_0 = arith.constant 0 : i32
    return %arg0, %c0_i32 : i32, i32
  }
  func.func @transform_1(%arg0: i32) -> (i32, i32) {
    %c0_i32 = arith.constant 0 : i32
    %c0_i32_0 = arith.constant 0 : i32
    %c0_i32_1 = arith.constant 0 : i32
    return %c0_i32, %c0_i32_0 : i32, i32
  }
  func.func @transform_2(%arg0: i32) -> (i32, i32) {
    %c0_i32 = arith.constant 0 : i32
    %c0_i32_0 = arith.constant 0 : i32
    return %arg0, %c0_i32 : i32, i32
  }
}

module attributes {stable_mosaic.version = 14 : i64} {
  func.func @_tc1_body(%arg0: i32, %arg1: memref<1000x128xf32, #tpu.memory_space<vmem>>, %arg2: memref<1000x1000xf32, #tpu.memory_space<vmem>>, %arg3: memref<1000x128xf32, #tpu.memory_space<vmem>>) attributes {dimension_semantics = [#tpu.dimension_semantics<arbitrary>], iteration_bounds = array<i64: 5>, scalar_prefetch = 0 : i64, scratch_operands = 0 : i64, tpu.core_type = #tpu.core_type<tc>, window_params = [{pipeline_mode = #tpu.pipeline_mode<synchronous>, transform_indices = @transform_0, window_bounds = array<i64: 1000, 128>}, {transform_indices = @transform_1, window_bounds = array<i64: 1000, 1000>}, {transform_indices = @transform_2, window_bounds = array<i64: 1000, 128>}]} {
    %get3A = arith.constant 0 : index
    %get3A_0 = arith.constant 0 : index
    %get3A_1 = vector.load %arg1[%get3A, %get3A_0] : memref<1000x128xf32, #tpu.memory_space<vmem>>, vector<1000x128xf32>
    %get3A_2 = arith.constant 0 : index
    %get3A_3 = arith.constant 0 : index
    %get3A_4 = vector.load %arg2[%get3A_2, %get3A_3] : memref<1000x1000xf32, #tpu.memory_space<vmem>>, vector<1000x1000xf32>
    %slice3A = vector.extract_strided_slice %get3A_1 {offsets = [0, 1], sizes = [1000, 127], strides = [1, 1]} : vector<1000x128xf32> to vector<1000x127xf32>
    %mul3A = arith.mulf %slice3A, %slice3A : vector<1000x127xf32>
    %reduce_sum3A = arith.constant dense<0.000000e+00> : vector<1000xf32>
    %reduce_sum3A_5 = vector.multi_reduction <add>, %mul3A, %reduce_sum3A [1] : vector<1000x127xf32> to vector<1000xf32>
    %broadcast_in_dim3A = vector.shape_cast %reduce_sum3A_5 : vector<1000xf32> to vector<1000x1xf32>
    %add3A = arith.constant 1.000000e+00 : f32
    %add3A_6 = vector.broadcast %add3A : f32 to vector<1000x1xf32>
    %add3A_7 = arith.addf %add3A_6, %broadcast_in_dim3A : vector<1000x1xf32>
    %sqrt3A = math.sqrt %add3A_7 : vector<1000x1xf32>
    %add3A_8 = arith.constant 1.000000e+00 : f32
    %add3A_9 = vector.broadcast %add3A_8 : f32 to vector<1000x1xf32>
    %add3A_10 = arith.addf %sqrt3A, %add3A_9 : vector<1000x1xf32>
    %div3A = vector.broadcast %add3A_10 : vector<1000x1xf32> to vector<1000x127xf32>
    %div3A_11 = arith.divf %slice3A, %div3A : vector<1000x127xf32>
    %mul3A_12 = arith.mulf %div3A_11, %div3A_11 : vector<1000x127xf32>
    %reduce_sum3A_13 = arith.constant dense<0.000000e+00> : vector<1000xf32>
    %reduce_sum3A_14 = vector.multi_reduction <add>, %mul3A_12, %reduce_sum3A_13 [1] : vector<1000x127xf32> to vector<1000xf32>
    %broadcast_in_dim3A_15 = vector.shape_cast %reduce_sum3A_14 : vector<1000xf32> to vector<1000x1xf32>
    %mul3A_16 = arith.constant 2.000000e+00 : f32
    %mul3A_17 = vector.broadcast %mul3A_16 : f32 to vector<1000x127xf32>
    %mul3A_18 = arith.mulf %mul3A_17, %div3A_11 : vector<1000x127xf32>
    %add3A_19 = arith.constant 1.000000e+00 : f32
    %add3A_20 = vector.broadcast %add3A_19 : f32 to vector<1000x1xf32>
    %add3A_21 = arith.addf %add3A_20, %broadcast_in_dim3A_15 : vector<1000x1xf32>
    %div3A_22 = vector.broadcast %add3A_21 : vector<1000x1xf32> to vector<1000x127xf32>
    %div3A_23 = arith.divf %mul3A_18, %div3A_22 : vector<1000x127xf32>
    %mul3A_24 = arith.mulf %div3A_23, %div3A_23 : vector<1000x127xf32>
    %reduce_sum3A_25 = arith.constant dense<0.000000e+00> : vector<1000xf32>
    %reduce_sum3A_26 = vector.multi_reduction <add>, %mul3A_24, %reduce_sum3A_25 [1] : vector<1000x127xf32> to vector<1000xf32>
    %broadcast_in_dim3A_27 = vector.shape_cast %reduce_sum3A_26 : vector<1000xf32> to vector<1000x1xf32>
    %sub3A = arith.constant 1.000000e+00 : f32
    %sub3A_28 = vector.broadcast %sub3A : f32 to vector<1000x1xf32>
    %sub3A_29 = arith.subf %sub3A_28, %broadcast_in_dim3A_27 : vector<1000x1xf32>
    %jit3A = arith.constant 1.000000e-15 : f32
    %max3A = vector.broadcast %jit3A : f32 to vector<1000x1xf32>
    %max3A_30 = arith.maximumf %max3A, %sub3A_29 : vector<1000x1xf32>
    %sqrt3A_31 = math.sqrt %max3A_30 : vector<1000x1xf32>
    %div3A_32 = arith.constant 1.000000e+00 : f32
    %div3A_33 = vector.broadcast %div3A_32 : f32 to vector<1000x1xf32>
    %div3A_34 = arith.divf %div3A_33, %sqrt3A_31 : vector<1000x1xf32>
    %mul3A_35 = vector.broadcast %div3A_34 : vector<1000x1xf32> to vector<1000x127xf32>
    %mul3A_36 = arith.mulf %mul3A_35, %div3A_23 : vector<1000x127xf32>
    %concatenate3A = tpu.concatenate %mul3A_36, %div3A_34 in 1 : vector<1000x127xf32>, vector<1000x1xf32> -> vector<1000x128xf32>
    %convert_element_type3A = arith.truncf %get3A_4 : vector<1000x1000xf32> to vector<1000x1000xbf16>
    %convert_element_type3A_37 = arith.truncf %concatenate3A : vector<1000x128xf32> to vector<1000x128xbf16>
    %dot_general3A = arith.constant dense<0.000000e+00> : vector<1000x128xf32>
    %dot_general3A_38 = tpu.matmul %convert_element_type3A, %convert_element_type3A_37, %dot_general3A {dimension_numbers = #tpu.dot_dimension_numbers<[1], [0], [0], [1], [0, 0, 1, 1], [], []>, transpose_lhs_hint = false} : vector<1000x1000xbf16>, vector<1000x128xbf16>, vector<1000x128xf32> -> vector<1000x128xf32>
    %slice3A_39 = vector.extract_strided_slice %dot_general3A_38 {offsets = [0, 0], sizes = [1000, 127], strides = [1, 1]} : vector<1000x128xf32> to vector<1000x127xf32>
    %slice3A_40 = vector.extract_strided_slice %dot_general3A_38 {offsets = [0, 127], sizes = [1000, 1], strides = [1, 1]} : vector<1000x128xf32> to vector<1000x1xf32>
    %jit3A_41 = arith.constant 1.000000e-15 : f32
    %max3A_42 = vector.broadcast %jit3A_41 : f32 to vector<1000x1xf32>
    %max3A_43 = arith.maximumf %max3A_42, %slice3A_40 : vector<1000x1xf32>
    %div3A_44 = vector.broadcast %max3A_43 : vector<1000x1xf32> to vector<1000x127xf32>
    %div3A_45 = arith.divf %slice3A_39, %div3A_44 : vector<1000x127xf32>
    %mul3A_46 = arith.mulf %div3A_45, %div3A_45 : vector<1000x127xf32>
    %reduce_sum3A_47 = arith.constant dense<0.000000e+00> : vector<1000xf32>
    %reduce_sum3A_48 = vector.multi_reduction <add>, %mul3A_46, %reduce_sum3A_47 [1] : vector<1000x127xf32> to vector<1000xf32>
    %broadcast_in_dim3A_49 = vector.shape_cast %reduce_sum3A_48 : vector<1000xf32> to vector<1000x1xf32>
    %sub3A_50 = arith.constant 1.000000e+00 : f32
    %sub3A_51 = vector.broadcast %sub3A_50 : f32 to vector<1000x1xf32>
    %sub3A_52 = arith.subf %sub3A_51, %broadcast_in_dim3A_49 : vector<1000x1xf32>
    %jit3A_53 = arith.constant 1.000000e-15 : f32
    %max3A_54 = vector.broadcast %jit3A_53 : f32 to vector<1000x1xf32>
    %max3A_55 = arith.maximumf %max3A_54, %sub3A_52 : vector<1000x1xf32>
    %sqrt3A_56 = math.sqrt %max3A_55 : vector<1000x1xf32>
    %add3A_57 = arith.constant 1.000000e+00 : f32
    %add3A_58 = vector.broadcast %add3A_57 : f32 to vector<1000x1xf32>
    %add3A_59 = arith.addf %add3A_58, %sqrt3A_56 : vector<1000x1xf32>
    %div3A_60 = vector.broadcast %add3A_59 : vector<1000x1xf32> to vector<1000x127xf32>
    %div3A_61 = arith.divf %div3A_45, %div3A_60 : vector<1000x127xf32>
    %mul3A_62 = arith.mulf %div3A_61, %div3A_61 : vector<1000x127xf32>
    %reduce_sum3A_63 = arith.constant dense<0.000000e+00> : vector<1000xf32>
    %reduce_sum3A_64 = vector.multi_reduction <add>, %mul3A_62, %reduce_sum3A_63 [1] : vector<1000x127xf32> to vector<1000xf32>
    %broadcast_in_dim3A_65 = vector.shape_cast %reduce_sum3A_64 : vector<1000xf32> to vector<1000x1xf32>
    %sub3A_66 = arith.constant 1.000000e+00 : f32
    %sub3A_67 = vector.broadcast %sub3A_66 : f32 to vector<1000x1xf32>
    %sub3A_68 = arith.subf %sub3A_67, %broadcast_in_dim3A_65 : vector<1000x1xf32>
    %jit3A_69 = arith.constant 1.000000e-15 : f32
    %max3A_70 = vector.broadcast %jit3A_69 : f32 to vector<1000x1xf32>
    %max3A_71 = arith.maximumf %max3A_70, %sub3A_68 : vector<1000x1xf32>
    %add3A_72 = arith.constant 1.000000e+00 : f32
    %add3A_73 = vector.broadcast %add3A_72 : f32 to vector<1000x1xf32>
    %add3A_74 = arith.addf %add3A_73, %broadcast_in_dim3A_65 : vector<1000x1xf32>
    %div3A_75 = arith.divf %add3A_74, %max3A_71 : vector<1000x1xf32>
    %mul3A_76 = arith.constant 2.000000e+00 : f32
    %mul3A_77 = vector.broadcast %mul3A_76 : f32 to vector<1000x127xf32>
    %mul3A_78 = arith.mulf %mul3A_77, %div3A_61 : vector<1000x127xf32>
    %div3A_79 = vector.broadcast %max3A_71 : vector<1000x1xf32> to vector<1000x127xf32>
    %div3A_80 = arith.divf %mul3A_78, %div3A_79 : vector<1000x127xf32>
    %concatenate3A_81 = tpu.concatenate %div3A_75, %div3A_80 in 1 : vector<1000x1xf32>, vector<1000x127xf32> -> vector<1000x128xf32>
    %swap3A = arith.constant 0 : index
    %swap3A_82 = arith.constant 0 : index
    %swap3A_83 = vector.load %arg3[%swap3A, %swap3A_82] : memref<1000x128xf32, #tpu.memory_space<vmem>>, vector<1000x128xf32>
    tpu.vector_store %arg3[%swap3A, %swap3A_82], %concatenate3A_81 {strides = array<i32>} : memref<1000x128xf32, #tpu.memory_space<vmem>>, vector<1000x128xf32>,
    return
  }
  func.func @transform_0(%arg0: i32) -> (i32, i32) {
    %c0_i32 = arith.constant 0 : i32
    %c0_i32_0 = arith.constant 0 : i32
    %c0_i32_1 = arith.constant 0 : i32
    return %c0_i32, %c0_i32_0 : i32, i32
  }
  func.func @transform_1(%arg0: i32) -> (i32, i32) {
    %c0_i32 = arith.constant 0 : i32
    %c0_i32_0 = arith.constant 0 : i32
    return %arg0, %c0_i32 : i32, i32
  }
  func.func @transform_2(%arg0: i32) -> (i32, i32) {
    %c0_i32 = arith.constant 0 : i32
    %c0_i32_0 = arith.constant 0 : i32
    return %arg0, %c0_i32 : i32, i32
  }
}

module attributes {stable_mosaic.version = 14 : i64} {
  func.func @_tc3_body(%arg0: i32, %arg1: memref<1000x144xf32, #tpu.memory_space<vmem>>, %arg2: memref<1000x144xf32, #tpu.memory_space<vmem>>, %arg3: memref<1000x144xf32, #tpu.memory_space<vmem>>, %arg4: memref<1000x144xf32, #tpu.memory_space<vmem>>, %arg5: memref<1000x144xf32, #tpu.memory_space<vmem>>, %arg6: memref<1000x144xf32, #tpu.memory_space<vmem>>, %arg7: memref<1000x256xf32, #tpu.memory_space<vmem>>) attributes {dimension_semantics = [#tpu.dimension_semantics<arbitrary>], iteration_bounds = array<i64: 10>, scalar_prefetch = 0 : i64, scratch_operands = 0 : i64, tpu.core_type = #tpu.core_type<tc>, window_params = [{transform_indices = @transform_0, window_bounds = array<i64: 1000, 144>}, {transform_indices = @transform_1, window_bounds = array<i64: 1000, 144>}, {transform_indices = @transform_2, window_bounds = array<i64: 1000, 144>}, {transform_indices = @transform_3, window_bounds = array<i64: 1000, 144>}, {transform_indices = @transform_4, window_bounds = array<i64: 1000, 144>}, {transform_indices = @transform_5, window_bounds = array<i64: 1000, 144>}, {transform_indices = @transform_6, window_bounds = array<i64: 1000, 256>}]} {
    %get3A = arith.constant 0 : index
    %get3A_0 = arith.constant 0 : index
    %get3A_1 = vector.load %arg1[%get3A, %get3A_0] : memref<1000x144xf32, #tpu.memory_space<vmem>>, vector<1000x144xf32>
    %get3A_2 = arith.constant 0 : index
    %get3A_3 = arith.constant 0 : index
    %get3A_4 = vector.load %arg2[%get3A_2, %get3A_3] : memref<1000x144xf32, #tpu.memory_space<vmem>>, vector<1000x144xf32>
    %add3A = arith.addf %get3A_1, %get3A_4 : vector<1000x144xf32>
    %get3A_5 = arith.constant 0 : index
    %get3A_6 = arith.constant 0 : index
    %get3A_7 = vector.load %arg3[%get3A_5, %get3A_6] : memref<1000x144xf32, #tpu.memory_space<vmem>>, vector<1000x144xf32>
    %get3A_8 = arith.constant 0 : index
    %get3A_9 = arith.constant 0 : index
    %get3A_10 = vector.load %arg4[%get3A_8, %get3A_9] : memref<1000x144xf32, #tpu.memory_space<vmem>>, vector<1000x144xf32>
    %add3A_11 = arith.addf %get3A_7, %get3A_10 : vector<1000x144xf32>
    %get3A_12 = arith.constant 0 : index
    %get3A_13 = arith.constant 0 : index
    %get3A_14 = vector.load %arg5[%get3A_12, %get3A_13] : memref<1000x144xf32, #tpu.memory_space<vmem>>, vector<1000x144xf32>
    %get3A_15 = arith.constant 0 : index
    %get3A_16 = arith.constant 0 : index
    %get3A_17 = vector.load %arg6[%get3A_15, %get3A_16] : memref<1000x144xf32, #tpu.memory_space<vmem>>, vector<1000x144xf32>
    %slice3A = vector.extract_strided_slice %add3A {offsets = [0, 128], sizes = [1000, 1], strides = [1, 1]} : vector<1000x144xf32> to vector<1000x1xf32>
    %slice3A_18 = vector.extract_strided_slice %get3A_14 {offsets = [0, 128], sizes = [1000, 1], strides = [1, 1]} : vector<1000x144xf32> to vector<1000x1xf32>
    %add3A_19 = arith.addf %slice3A, %slice3A_18 : vector<1000x1xf32>
    %slice3A_20 = vector.extract_strided_slice %add3A {offsets = [0, 0], sizes = [1000, 128], strides = [1, 1]} : vector<1000x144xf32> to vector<1000x128xf32>
    %slice3A_21 = vector.extract_strided_slice %get3A_14 {offsets = [0, 0], sizes = [1000, 128], strides = [1, 1]} : vector<1000x144xf32> to vector<1000x128xf32>
    %add3A_22 = arith.addf %slice3A_20, %slice3A_21 : vector<1000x128xf32>
    %div3A = vector.broadcast %add3A_19 : vector<1000x1xf32> to vector<1000x128xf32>
    %div3A_23 = arith.divf %add3A_22, %div3A : vector<1000x128xf32>
    %slice3A_24 = vector.extract_strided_slice %div3A_23 {offsets = [0, 1], sizes = [1000, 127], strides = [1, 1]} : vector<1000x128xf32> to vector<1000x127xf32>
    %mul3A = arith.mulf %slice3A_24, %slice3A_24 : vector<1000x127xf32>
    %reduce_sum3A = arith.constant dense<0.000000e+00> : vector<1000xf32>
    %reduce_sum3A_25 = vector.multi_reduction <add>, %mul3A, %reduce_sum3A [1] : vector<1000x127xf32> to vector<1000xf32>
    %broadcast_in_dim3A = vector.shape_cast %reduce_sum3A_25 : vector<1000xf32> to vector<1000x1xf32>
    %jit3A = arith.constant 1.000000e-15 : f32
    %max3A = vector.broadcast %jit3A : f32 to vector<1000x1xf32>
    %max3A_26 = arith.maximumf %max3A, %broadcast_in_dim3A : vector<1000x1xf32>
    %sqrt3A = math.sqrt %max3A_26 : vector<1000x1xf32>
    %exp3A = math.exp %sqrt3A : vector<1000x1xf32>
    %div3A_27 = arith.constant 1.000000e+00 : f32
    %div3A_28 = vector.broadcast %div3A_27 : f32 to vector<1000x1xf32>
    %div3A_29 = arith.divf %div3A_28, %exp3A : vector<1000x1xf32>
    %add3A_30 = arith.addf %exp3A, %div3A_29 : vector<1000x1xf32>
    %mul3A_31 = arith.constant 5.000000e-01 : f32
    %mul3A_32 = vector.broadcast %mul3A_31 : f32 to vector<1000x1xf32>
    %mul3A_33 = arith.mulf %mul3A_32, %add3A_30 : vector<1000x1xf32>
    %sub3A = arith.subf %exp3A, %div3A_29 : vector<1000x1xf32>
    %mul3A_34 = arith.constant 5.000000e-01 : f32
    %mul3A_35 = vector.broadcast %mul3A_34 : f32 to vector<1000x1xf32>
    %mul3A_36 = arith.mulf %mul3A_35, %sub3A : vector<1000x1xf32>
    %mul3A_37 = vector.broadcast %mul3A_36 : vector<1000x1xf32> to vector<1000x127xf32>
    %mul3A_38 = arith.mulf %mul3A_37, %slice3A_24 : vector<1000x127xf32>
    %div3A_39 = vector.broadcast %sqrt3A : vector<1000x1xf32> to vector<1000x127xf32>
    %div3A_40 = arith.divf %mul3A_38, %div3A_39 : vector<1000x127xf32>
    %concatenate3A = tpu.concatenate %mul3A_33, %div3A_40 in 1 : vector<1000x1xf32>, vector<1000x127xf32> -> vector<1000x128xf32>
    %slice3A_41 = vector.extract_strided_slice %add3A_11 {offsets = [0, 0], sizes = [1000, 128], strides = [1, 1]} : vector<1000x144xf32> to vector<1000x128xf32>
    %slice3A_42 = vector.extract_strided_slice %get3A_17 {offsets = [0, 0], sizes = [1000, 128], strides = [1, 1]} : vector<1000x144xf32> to vector<1000x128xf32>
    %add3A_43 = arith.addf %slice3A_41, %slice3A_42 : vector<1000x128xf32>
    %div3A_44 = vector.broadcast %add3A_19 : vector<1000x1xf32> to vector<1000x128xf32>
    %div3A_45 = arith.divf %add3A_43, %div3A_44 : vector<1000x128xf32>
    %slice3A_46 = vector.extract_strided_slice %div3A_45 {offsets = [0, 1], sizes = [1000, 127], strides = [1, 1]} : vector<1000x128xf32> to vector<1000x127xf32>
    %mul3A_47 = arith.mulf %slice3A_46, %slice3A_46 : vector<1000x127xf32>
    %reduce_sum3A_48 = arith.constant dense<0.000000e+00> : vector<1000xf32>
    %reduce_sum3A_49 = vector.multi_reduction <add>, %mul3A_47, %reduce_sum3A_48 [1] : vector<1000x127xf32> to vector<1000xf32>
    %broadcast_in_dim3A_50 = vector.shape_cast %reduce_sum3A_49 : vector<1000xf32> to vector<1000x1xf32>
    %jit3A_51 = arith.constant 1.000000e-15 : f32
    %max3A_52 = vector.broadcast %jit3A_51 : f32 to vector<1000x1xf32>
    %max3A_53 = arith.maximumf %max3A_52, %broadcast_in_dim3A_50 : vector<1000x1xf32>
    %sqrt3A_54 = math.sqrt %max3A_53 : vector<1000x1xf32>
    %exp3A_55 = math.exp %sqrt3A_54 : vector<1000x1xf32>
    %div3A_56 = arith.constant 1.000000e+00 : f32
    %div3A_57 = vector.broadcast %div3A_56 : f32 to vector<1000x1xf32>
    %div3A_58 = arith.divf %div3A_57, %exp3A_55 : vector<1000x1xf32>
    %add3A_59 = arith.addf %exp3A_55, %div3A_58 : vector<1000x1xf32>
    %mul3A_60 = arith.constant 5.000000e-01 : f32
    %mul3A_61 = vector.broadcast %mul3A_60 : f32 to vector<1000x1xf32>
    %mul3A_62 = arith.mulf %mul3A_61, %add3A_59 : vector<1000x1xf32>
    %sub3A_63 = arith.subf %exp3A_55, %div3A_58 : vector<1000x1xf32>
    %mul3A_64 = arith.constant 5.000000e-01 : f32
    %mul3A_65 = vector.broadcast %mul3A_64 : f32 to vector<1000x1xf32>
    %mul3A_66 = arith.mulf %mul3A_65, %sub3A_63 : vector<1000x1xf32>
    %mul3A_67 = vector.broadcast %mul3A_66 : vector<1000x1xf32> to vector<1000x127xf32>
    %mul3A_68 = arith.mulf %mul3A_67, %slice3A_46 : vector<1000x127xf32>
    %div3A_69 = vector.broadcast %sqrt3A_54 : vector<1000x1xf32> to vector<1000x127xf32>
    %div3A_70 = arith.divf %mul3A_68, %div3A_69 : vector<1000x127xf32>
    %concatenate3A_71 = tpu.concatenate %mul3A_62, %div3A_70 in 1 : vector<1000x1xf32>, vector<1000x127xf32> -> vector<1000x128xf32>
    %concatenate3A_72 = tpu.concatenate %concatenate3A, %concatenate3A_71 in 1 : vector<1000x128xf32>, vector<1000x128xf32> -> vector<1000x256xf32>
    %swap3A = arith.constant 0 : index
    %swap3A_73 = arith.constant 0 : index
    %swap3A_74 = vector.load %arg7[%swap3A, %swap3A_73] : memref<1000x256xf32, #tpu.memory_space<vmem>>, vector<1000x256xf32>
    tpu.vector_store %arg7[%swap3A, %swap3A_73], %concatenate3A_72 {strides = array<i32>} : memref<1000x256xf32, #tpu.memory_space<vmem>>, vector<1000x256xf32>,
    return
  }
  func.func @transform_0(%arg0: i32) -> (i32, i32) {
    %c0_i32 = arith.constant 0 : i32
    %c0_i32_0 = arith.constant 0 : i32
    return %arg0, %c0_i32 : i32, i32
  }
  func.func @transform_1(%arg0: i32) -> (i32, i32) {
    %c0_i32 = arith.constant 0 : i32
    %c0_i32_0 = arith.constant 0 : i32
    return %arg0, %c0_i32 : i32, i32
  }
  func.func @transform_2(%arg0: i32) -> (i32, i32) {
    %c0_i32 = arith.constant 0 : i32
    %c0_i32_0 = arith.constant 0 : i32
    return %arg0, %c0_i32 : i32, i32
  }
  func.func @transform_3(%arg0: i32) -> (i32, i32) {
    %c0_i32 = arith.constant 0 : i32
    %c0_i32_0 = arith.constant 0 : i32
    return %arg0, %c0_i32 : i32, i32
  }
  func.func @transform_4(%arg0: i32) -> (i32, i32) {
    %c0_i32 = arith.constant 0 : i32
    %c0_i32_0 = arith.constant 0 : i32
    return %arg0, %c0_i32 : i32, i32
  }
  func.func @transform_5(%arg0: i32) -> (i32, i32) {
    %c0_i32 = arith.constant 0 : i32
    %c0_i32_0 = arith.constant 0 : i32
    return %arg0, %c0_i32 : i32, i32
  }
  func.func @transform_6(%arg0: i32) -> (i32, i32) {
    %c0_i32 = arith.constant 0 : i32
    %c0_i32_0 = arith.constant 0 : i32
    return %arg0, %c0_i32 : i32, i32
  }
}

</mosaic_0001>

<sc_bundles>
// kernel: kernel.11.cloned.1.call-start
scs
__scs_entry_jumppad:
0x0: {  	(pc) =	sbr.rel $0x88, $3  }
0x1: {  	(tag) =	ssettag $0x0;
	lr =	simm.s32 $0x1  }
0x2: {  	[smem:$0x3F9A] =	sst lr;
	_ =	strace $0xD0000000  }
0x3: {  	_ = 	snop  }
0x4: {  	_ = 	snop  }
0x5: {  	_ = 	snop  }
0x6: {  	_ = 	snop  }
0x7: {  	_ = 	snop  }
__scs_overlays_trampoline_lowered:
0x8: {  	[smem:$0x3FA9] =	sst s0  }
0x9: {  	[smem:$0x3FAA] =	sst s1  }
0xa: {  	[smem:$0x3FAB] =	sst s2  }
0xb: {  	[smem:$0x3FAC] =	sst s3  }
0xc: {  	[smem:$0x3FAD] =	sst s4  }
0xd: {  	[smem:$0x3FAE] =	sst s5  }
0xe: {  	[smem:$0x3FAF] =	sst s6  }
0xf: {  	[smem:$0x3FB0] =	sst s7  }
0x10: {  	[smem:$0x3FB1] =	sst s8  }
0x11: {  	[smem:$0x3FB2] =	sst s9;
	s0 =	simm.s32 @!p0 $0x0  }
0x12: {  	s1 =	sld [smem:$0x3F98];
	s0 =	simm.s32 @p0 $0x1  }
0x13: {  	[smem:$0x3FB3] =	sst s0;
	s0 =	simm.s32 @!p1 $0x0  }
0x14: {  	s2 =	sld [smem:$0x3F97];
	s0 =	simm.s32 @p1 $0x1  }
0x15: {  	[smem:$0x3FB4] =	sst s0;
	s0 =	simm.s32 @!p2 $0x0  }
0x16: {  	s3 =	sld [smem:$0x3FDB];
	s0 =	simm.s32 @p2 $0x1  }
0x17: {  	s4 =	simm.s32 $0x1BF5;
	[smem:$0x3FB6] =	sst s0  }
0x18: {  	s0 =	sld [smem:$0x3F99];
	_ =	swait.ge [sflag:s4], $0x0  }
0x19: {  	s7 =	sld [smem:$0x3F9A]  }
0x1a: {  	s8 =	sadd.s32 $0xFFFFE003, lr  }
0x1b: {  	s9 =	sadd.s32 $0xFFFFFEF7, lr;
	s5 =	simm.s32 $0xFFFFFFFF;
	p2 =	slt.u32 s8, $0xFFFFF086  }
0x1c: {  	p1 =	slt.u32 s9, $0xF7A;
	s5 =	simm.s32 @!p2 $0x0  }
0x1d: {  	s5 =	simm.s32 @p1 $0x1;
	p0 =	seq.s32 s7, s2  }
0x1e: {  	s7 =	smul.u32 @!p0 $0xF7A, s2;
	p2 =	seq.s32 @!p0 s5, $0x0  }
0x1f: {  	s9 =	smul.u32 $0xF7A, s1;
	s8 =	simm.s32 @!p0 $0x1BF5;
	p2 =	por !p2, p0  }
0x20: {  	[sflag:s8] =	ssyncset.s32 @!p0 $0xFFFFF086;
	s6 =	sadd.s32 @!p0 s3, s7;
	s7 =	simm.s32 @!p0 $0x108  }
0x21: {  	s3 =	sadd.s32 s3, s9;
	s6 =	sadd.s32 @!p0 $0x88, s6;
	s7 =	simm.s32 @p2 $0x1082  }
0x22: {  	[simem:s7], [sflag:s8] =	dma.local @!p0 [hbm:s6], $0xF7A  }
0x23: {  	s9 =	sor.u32 $0xD0000000, s2;
	s6 =	simm.s32 $0x108;
	_ =	swait.ge @!p0 [sflag:s8], $0x0  }
0x24: {  	s3 =	sadd.s32 $0x88, s3;
	s6 =	simm.s32 @!p1 $0x1082;
	[sflag:s4] =	ssyncset.s32 $0xFFFFF086  }
0x25: {  	[simem:s6], [sflag:s4] =	dma.local [hbm:s3], $0xF7A  }
0x26: {  	[smem:$0x3F9A] =	sst s1;
	(tag) =	ssettag s2;
	_ =	strace s9  }
0x27: {  	s1 =	sld [smem:$0x3FAA]  }
0x28: {  	s2 =	sld [smem:$0x3FAB]  }
0x29: {  	s4 =	sld [smem:$0x3FAD]  }
0x2a: {  	p0 =	seq.s32 s5, $0x0;
	s5 =	sld [smem:$0x3FAE]  }
0x2b: {  	s6 =	sld [smem:$0x3FAF]  }
0x2c: {  	s7 =	sld [smem:$0x3FB0]  }
0x2d: {  	s3 =	simm.s32 $0x108;
	s8 =	sld [smem:$0x3FB1]  }
0x2e: {  	s3 =	simm.s32 @!p0 $0x1082;
	s9 =	sld [smem:$0x3FB2]  }
0x2f: {  	lr =	sadd.s32 s0, s3;
	s0 =	sld [smem:$0x3FA9]  }
0x30: {  	s3 =	sld [smem:$0x3FAC]  }
0x31: {  	[smem:$0x3FB5] =	sst s10  }
0x32: {  	s10 =	sld [smem:$0x3FB3];
	_ =	sdelay $0x3  }
0x33: {  	p0 =	seq.s32 s10, $0x1;
	s10 =	sld [smem:$0x3FB5];
	_ =	sdelay $0x3  }
0x34: {  	[smem:$0x3FB5] =	sst s10  }
0x35: {  	s10 =	sld [smem:$0x3FB4];
	_ =	sdelay $0x3  }
0x36: {  	p1 =	seq.s32 s10, $0x1;
	s10 =	sld [smem:$0x3FB5];
	_ =	sdelay $0x3  }
0x37: {  	[smem:$0x3FB5] =	sst s10  }
0x38: {  	s10 =	sld [smem:$0x3FB6]  }
0x39: {  	_ = 	snop;
	(pc) =	sbr.ind lr, $3  }
0x3a: {  	_ = 	snop  }
0x3b: {  	_ = 	snop  }
0x3c: {  	p2 =	seq.s32 s10, $0x1;
	s10 =	sld [smem:$0x3FB5]  }
0x3d: {  	_ =	shalt  }
0x3e: {  	_ =	shalt  }
0x3f: {  	_ =	shalt  }
0x40: {  	_ =	shalt  }
0x41: {  	_ =	shalt  }
0x42: {  	_ =	shalt  }
0x43: {  	_ =	shalt  }
0x44: {  	_ =	shalt  }
0x45: {  	_ =	shalt  }
0x46: {  	_ =	shalt  }
0x47: {  	_ =	shalt  }
0x48: {  	_ =	shalt  }
0x49: {  	_ =	shalt  }
0x4a: {  	_ =	shalt  }
0x4b: {  	_ =	shalt  }
0x4c: {  	_ =	shalt  }
0x4d: {  	_ =	shalt  }
0x4e: {  	_ =	shalt  }
0x4f: {  	_ =	shalt  }
0x50: {  	_ =	shalt  }
0x51: {  	_ =	shalt  }
0x52: {  	_ =	shalt  }
0x53: {  	_ =	shalt  }
0x54: {  	_ =	shalt  }
0x55: {  	_ =	shalt  }
0x56: {  	_ =	shalt  }
0x57: {  	_ =	shalt  }
0x58: {  	_ =	shalt  }
0x59: {  	_ =	shalt  }
0x5a: {  	_ =	shalt  }
0x5b: {  	_ =	shalt  }
0x5c: {  	_ =	shalt  }
0x5d: {  	_ =	shalt  }
0x5e: {  	_ =	shalt  }
0x5f: {  	_ =	shalt  }
0x60: {  	_ =	shalt  }
0x61: {  	_ =	shalt  }
0x62: {  	_ =	shalt  }
0x63: {  	_ =	shalt  }
0x64: {  	_ =	shalt  }
0x65: {  	_ =	shalt  }
0x66: {  	_ =	shalt  }
0x67: {  	_ =	shalt  }
0x68: {  	_ =	shalt  }
0x69: {  	_ =	shalt  }
0x6a: {  	_ =	shalt  }
0x6b: {  	_ =	shalt  }
0x6c: {  	_ =	shalt  }
0x6d: {  	_ =	shalt  }
0x6e: {  	_ =	shalt  }
0x6f: {  	_ =	shalt  }
0x70: {  	_ =	shalt  }
0x71: {  	_ =	shalt  }
0x72: {  	_ =	shalt  }
0x73: {  	_ =	shalt  }
0x74: {  	_ =	shalt  }
0x75: {  	_ =	shalt  }
0x76: {  	_ =	shalt  }
0x77: {  	_ =	shalt  }
0x78: {  	_ =	shalt  }
0x79: {  	_ =	shalt  }
0x7a: {  	_ =	shalt  }
0x7b: {  	_ =	shalt  }
0x7c: {  	_ =	shalt  }
0x7d: {  	_ =	shalt  }
0x7e: {  	_ =	shalt  }
0x7f: {  	_ =	shalt  }
0x80: {  	_ =	shalt  }
0x81: {  	_ =	shalt  }
0x82: {  	_ =	shalt  }
0x83: {  	_ =	shalt  }
0x84: {  	_ =	shalt  }
0x85: {  	_ =	shalt  }
0x86: {  	_ =	shalt  }
0x87: {  	_ =	shalt  }
.Lfunc_end0:
.L_simem_size_0:
called_computation.1_lowered:
.L_overlay_start_0:
0x88: {  	s2 =	sld [smem:$0x3FD9]  }
0x89: {  	s3 =	sld [smem:$0x3FFE];
	_ =	sdelay $0x1  }
0x8a: {  	s1 =	srdreg.scid  }
0x8b: {  	s0 =	sand.u32 $0x1, s1  }
0x8c: {  	s17 =	sshll.u32 s0, $0xA;
	s2 =	sadd.s32 s3, s2  }
0x8d: {  	s2 =	sadd.s32 s2, s17  }
0x8e: {  	[smem:$0x3FC1] =	sst s2  }
0x8f: {  	_ = 	snop  }
0x90: {  	(tm) =	ssettm $0x1  }
0x91: {  	s18 =	sld [smem:$0x3FFB];
	_ =	sdelay $0x3  }
0x92: {  	_ =	strace s18  }
0x93: {  	s2 =	sld [smem:$0x3FFC];
	_ =	sdelay $0x3  }
0x94: {  	_ =	strace s2  }
0x95: {  	s2 =	sld [smem:$0x3FFD];
	_ =	sdelay $0x3  }
0x96: {  	_ =	strace s2  }
0x97: {  	_ =	strace $0x8FFFFFFF  }
0x98: {  	s19 =	sld [smem:$0x3FDB];
	_ =	sdelay $0x1  }
0x99: {  	s20 =	simm.s32 $_scs_section_size  }
0x9a: {  	s4 =	simm.s32 $_size__tile_overlayer_lowered;
	s5 =	simm.s32 $_tile_overlayer_lowered  }
0x9b: {  	s6 =	simm.s32 $0x1BFF;
	s21 =	sshll.u32 s5, $0x1;
	s3 =	sadd.s32 s20, s19  }
0x9c: {  	s22 =	simm.s32 $0x0;
	s4 =	sshll.u32 s4, $0x1;
	s5 =	sadd.s32 s21, s3  }
0x9d: {  	[timem:s22], [sflag:s6] =	dma.local [hbm:s5], s4  }
0x9e: {  	_ =	swait.ge [sflag:s6], s4  }
0x9f: {  	s4 =	ssub.s32 $0x0, s4;
	[sflag:s6] =	ssyncset.done $0x0  }
0xa0: {  	[sflag:s6] =	ssyncadd.s32 s4;
	_ =	sdelay $0x1  }
0xa1: {  	s23 =	simm.s32 $0x1B8B  }
0xa2: {  	_ =	swait.ge [sflag:s23], $0x1  }
0xa3: {  	[sflag:s23] =	ssyncset.done $0x0  }
0xa4: {  	[sflag:s23] =	ssyncadd.s32 $0xFFFFFFFF  }
0xa5: {  	s4 =	sld [smem:$0x0]  }
0xa6: {  	s5 =	sand.u32 $0xFFFFFFFE, s1  }
0xa7: {  	p0 =	sne.s32 s1, s5  }
0xa8: {  	s5 =	sshll.u32 @p0 s5, $0xE  }
0xa9: {  	s5 =	sadd.s32 @p0 $0x11B8D, s5;
	s6 =	sshll.u32 @p0 s4, $0x11  }
0xaa: {  	s5 =	sor.u32 @p0 s6, s5  }
0xab: {  	[sflag:s5] =	ssyncadd.remote.s32 @p0 $0x1;
	_ =	sdelay $0x1  }
0xac: {  	s5 =	simm.s32 @p0 $0x1B8D  }
0xad: {  	_ =	swait.eq @p0 [sflag:s5], $0x1  }
0xae: {  	[sflag:s5] =	ssyncadd.s32 @p0 $0xFFFFFFFF  }
0xaf: {  	s6 =	sshll.u32 @!p0 s1, $0xE  }
0xb0: {  	s6 =	sor.u32 @!p0 $0x4000, s6;
	s5 =	simm.s32 @!p0 $0x1B8D  }
0xb1: {  	s4 =	sshll.u32 @!p0 s4, $0x11;
	s6 =	sadd.s32 @!p0 $0x11B8D, s6;
	_ =	swait.eq @!p0 [sflag:s5], $0x1  }
0xb2: {  	s4 =	sor.u32 @!p0 s4, s6;
	[sflag:s5] =	ssyncadd.s32 @!p0 $0xFFFFFFFF  }
0xb3: {  	s25 =	simm.s32 $0x1B8E;
	s24 =	sld [smem:$0x3FFE];
	[sflag:s4] =	ssyncadd.remote.s32 @!p0 $0x1  }
0xb4: {  	s26 =	simm.s32 $execute0_lowered;
	[smem:$0x3FD2] =	sst s25  }
0xb5: {  	s5 =	sshll.u32 s26, $0x1;
	_ =	strace $0x80000049;
	[dreg:$0x1] =	wrdreg $0xFFFFFFFF  }
0xb6: {  	s28 =	simm.s32 $_size_execute0_lowered;
	s3 =	sadd.s32 s3, s5;
	[dreg:$0x0] =	wrdreg $0x0  }
0xb7: {  	s5 =	sshll.u32 s28, $0x1;
	[dreg:$0x2] =	wrdreg s3  }
0xb8: {  	[dreg:$0x3] =	wrdreg s5  }
0xb9: {  	[dreg:$0x4] =	wrdreg $0xC0  }
0xba: {  	_ =	task [dreg:s22], $0x5FFFF  }
0xbb: {  	[dreg:$0x1] =	wrdreg $0xFFFFFFFF  }
0xbc: {  	[dreg:$0x0] =	wrdreg $0x60  }
0xbd: {  	[dreg:$0x2] =	wrdreg s24  }
0xbe: {  	[dreg:$0x3] =	wrdreg $0x90600  }
0xbf: {  	[dreg:$0x4] =	wrdreg $0xA  }
0xc0: {  	_ =	task.clear_ibuf [dreg:s22], $0x5FFFF;
	_ =	strace $0x90000049  }
0xc1: {  	s29 =	simm.s32 $0xA;
	_ =	strace $0x8000004B  }
0xc2: {  	_ =	swait.ge [sflag:s29], $0x1  }
0xc3: {  	[sflag:s29] =	ssyncadd.s32 $0xFFFFFFFF  }
0xc4: {  	_ =	strace $0x9000004B  }
0xc5: {  	_ =	sfence  }
0xc6: {  	s30 =	sld [smem:$0x0];
	_ =	sdelay $0x2  }
0xc7: {  	s31 =	sshll.u32 s1, $0xD;
	s1 =	sshrl.u32 s1, $0x2  }
0xc8: {  	s4 =	sand.u32 $0x4000, s31;
	s1 =	sadd.s32 s1, s30  }
0xc9: {  	s0 =	sor.u32 s4, s0;
	s1 =	sshll.u32 s1, $0x11  }
0xca: {  	s0 =	sor.u32 s1, s0  }
0xcb: {  	s0 =	sadd.s32 $0x8F2B, s0  }
0xcc: {  	[sflag:s0] =	ssyncadd.remote.s32 $0x1  }
0xcd: {  	_ =	sfence.sel $0xFFFF  }
0xce: {  	[dreg:$0x0] =	wrdreg $0xFFFFFFFF;
	(pc) =	sbr.abs _section_cstart, $3  }
0xcf: {  	[dreg:$0x1] =	wrdreg $0xFFFFFFFF  }
0xd0: {  	_ =	task.clear_ibuf [dreg:s22], $0x2FFFF;
	_ =	strace $0x9FFFFFFF  }
0xd1: {  	(tm) =	ssettm $0x7FFFFFFF  }
tec
execute0_lowered:
.L_overlay_start_1:
0x0: {  	(tag) =	ssettag $0x1  }
0x1: {  	s0 =	rddreg [dreg:$0x0]  }
0x2: {  	s1 =	rddreg [dreg:$0x1];
	s2 =	srdreg.scid  }
0x3: {  	s3 =	simm.s32 $0x0;
	s12 =	stileid.u32;
	s28 =	simm.s32 $0x3660  }
0x4: {  	s31 =	simm.s32 $0x320;
	s30 =	simm.s32 $0x7;
	s2 =	sand.u32 $0x1, s2  }
0x5: {  	[smem:$0x7FF] =	sst s3;
	s7 =	smul.u32 $0x7D, s12;
	s4 =	sadd.s32 $0x10C600, s0  }
0x6: {  	s5 =	sadd.s32 $0xB800, s0;
	s11 =	sadd.s32 $0x63800, s0;
	s25 =	smul.u32 $0x15F90, s12  }
0x7: {  	s26 =	sshll.u32 s12, $0x6;
	s21 =	smul.u32 $0x2710, s12;
	s12 =	simm.s32 $0x9  }
0x8: {  	s6 =	smul.u32 $0x7D0, s2;
	_ =	strace $0x8000004A;
	s8 =	ssub.s32 $0x2, s2  }
0x9: {  	[dreg:$0x3] =	wrdreg s11;
	s16 =	sor.u32 $0x1C0A, s26;
	s19 =	smul.u32 $0x27100, s2  }
0xa: {  	p0 =	seq.s32 s2, $0x1;
	s2 =	simm.s32 $0x1;
	s11 =	simm.s32 $0x4  }
0xb: {  	s9 =	sshrl.u32 s8, $0x1;
	s13 =	sadd.s32 s25, s1;
	s22 =	sshrl.u32 s25, $0x3  }
0xc: {  	[dreg:$0x5] =	wrdreg s16;
	s7 =	sadd.s32 s7, s6;
	s6 =	sadd.s32 $0x1A00, s0  }
0xd: {  	s8 =	ssub.s32 s8, s9;
	[dreg:$0x4] =	wrdreg s13;
	s10 =	smul.u32 $0x50, s7  }
0xe: {  	s9 =	simm.s32 $0x138600;
	s7 =	smul.u32 $0xA, s7;
	s8 =	smax.u32 s8, $0x1  }
0xf: {  	s13 =	simm.s32 $0x910;
	s9 =	simm.s32 @!p0 $0x164600;
	[dreg:$0xc] =	wrdreg s8  }
0x10: {  	s0 =	sadd.s32 s9, s0;
	s8 =	simm.s32 $0x6360;
	s14 =	sadd.s32 s5, s7  }
0x11: {  	s10 =	sshrl.u32 s10, $0x3;
	s7 =	sadd.s32 s6, s7;
	[dreg:$0x6] =	wrdreg s14  }
0x12: {  	s0 =	sadd.s32 s0, s22;
	s29 =	sadd.s32 $0x32, s10;
	[dreg:$0x7] =	wrdreg s7  }
0x13: {  	s9 =	simm.s32 $0x8;
	[dreg:$0xd] =	wrdreg s0;
	s15 =	sadd.s32 s5, s29  }
0x14: {  	s18 =	sadd.s32 $0x64, s10;
	s17 =	sadd.s32 s6, s29;
	[dreg:$0x8] =	wrdreg s15  }
0x15: {  	s22 =	simm.s32 $0x6;
	s20 =	sadd.s32 s5, s18;
	[dreg:$0x9] =	wrdreg s17  }
0x16: {  	s0 =	simm.s32 $0x7D0;
	s7 =	sadd.s32 s6, s18;
	[dreg:$0xa] =	wrdreg s20  }
0x17: {  	s10 =	simm.s32 $0x2;
	s14 =	simm.s32 $0x3;
	[dreg:$0xb] =	wrdreg s7  }
0x18: {  	s7 =	sadd.s32 s21, s19;
	s17 =	simm.s32 $0xA;
	s15 =	simm.s32 $0x5  }
.Ltmp0:
0x19: {  	s23 =	sadd.s32 $0x640, s7;
	s24 =	sadd.s32 $0x7D0, s7;
	(pc) =	sbr.rel .LBB2_1-.Ltmp0, $4  }
0x1a: {  	s29 =	sadd.s32 $0x4B0, s7;
	s25 =	sshrl.u32 s23, $0x3;
	s26 =	sshrl.u32 s24, $0x3  }
0x1b: {  	[dreg:$0xe] =	wrdreg s29;
	s24 =	simm.s32 $0x4B0;
	s23 =	simm.s32 $0x0  }
0x1c: {  	s18 =	sadd.s32 s25, s6;
	s19 =	sadd.s32 s25, s5;
	s20 =	sadd.s32 s26, s6  }
0x1d: {  	s21 =	sadd.s32 s26, s5;
	s25 =	simm.s32 $0x50;
	s26 =	simm.s32 $0x960  }
.LBB2_4:
0x1e: {  	_ =	swait.ge [sflag:s2], $0x2D00  }
0x1f: {  	[sflag:s2] =	ssyncset.done $0x0  }
0x20: {  	[sflag:s2] =	ssyncadd.s32 $0xFFFFD300  }
0x21: {  	_ =	swait.ge [sflag:s22], $0x2D00  }
0x22: {  	[sflag:s22] =	ssyncset.done $0x0  }
0x23: {  	s7 =	simm.s32 $0xA0;
	[sflag:s22] =	ssyncadd.s32 $0xFFFFD300  }
0x24: {  	[tilespmem:s8], [sflag:$0x3] =	stream.indirect.gather [hbm4b:s4+s25], $0x90, s7, s25, $0xb8;
	[tilespmem:$0x1EFF0] =	vst v63  }
0x25: {  	_ = 	snop  }
0x26: {  	[spmem:s1] =	stream.indirect.scatter.add.f32 [tilespmem:s26], [sflag:$0x4], $0x90, s24, s25, $0xb8;
	[tilespmem:$0x1EFF0] =	vst v63  }
0x27: {  	_ =	swait.ge [sflag:s10], $0x2D00  }
0x28: {  	[sflag:s10] =	ssyncset.done $0x0  }
0x29: {  	[sflag:s10] =	ssyncadd.s32 $0xFFFFD300  }
0x2a: {  	_ =	swait.ge [sflag:s11], $0x2D00  }
0x2b: {  	[sflag:s11] =	ssyncset.done $0x0  }
0x2c: {  	s16 =	simm.s32 $0xF0;
	[sflag:s11] =	ssyncadd.s32 $0xFFFFD300  }
0x2d: {  	[tilespmem:s26], [sflag:$0x1] =	stream.indirect.gather [hbm4b:s4+s25], $0x90, s16, s25, $0xb8;
	[tilespmem:$0x1EFF0] =	vst v63  }
0x2e: {  	s17 =	simm.s32 $0x500  }
0x2f: {  	[spmem:s1] =	stream.indirect.scatter.add.f32 [tilespmem:s28], [sflag:$0x5], $0x90, s17, s25, $0xb8;
	[tilespmem:$0x1EFF0] =	vst v63  }
0x30: {  	_ =	swait.ge [sflag:s14], $0x2D00  }
0x31: {  	[sflag:s14] =	ssyncset.done $0x0  }
0x32: {  	[sflag:s14] =	ssyncadd.s32 $0xFFFFD300  }
0x33: {  	_ =	swait.ge [sflag:s15], $0x2D00  }
0x34: {  	[sflag:s15] =	ssyncset.done $0x0  }
0x35: {  	s23 =	simm.s32 $0x140;
	[sflag:s15] =	ssyncadd.s32 $0xFFFFD300  }
0x36: {  	[tilespmem:s28], [sflag:$0x2] =	stream.indirect.gather [hbm4b:s4+s25], $0x90, s23, s25, $0xb8;
	[tilespmem:$0x1EFF0] =	vst v63  }
0x37: {  	s29 =	simm.s32 $0x550  }
0x38: {  	[spmem:s1] =	stream.indirect.scatter.add.f32 [tilespmem:s8], [sflag:$0x6], $0x90, s29, s25, $0xb8;
	[tilespmem:$0x1EFF0] =	vst v63  }
0x39: {  	_ =	swait.ge [sflag:s2], $0x2D00  }
0x3a: {  	[sflag:s2] =	ssyncset.done $0x0  }
0x3b: {  	[sflag:s2] =	ssyncadd.s32 $0xFFFFD300  }
0x3c: {  	_ =	swait.ge [sflag:s22], $0x2D00  }
0x3d: {  	[sflag:s22] =	ssyncset.done $0x0  }
0x3e: {  	s16 =	simm.s32 $0x5A0;
	[sflag:s22] =	ssyncadd.s32 $0xFFFFD300  }
0x3f: {  	[spmem:s1] =	stream.indirect.scatter.add.f32 [tilespmem:s26], [sflag:$0x4], $0x90, s16, s25, $0xb8;
	[tilespmem:$0x1EFF0] =	vst v63  }
0x40: {  	_ =	swait.ge [sflag:s10], $0x2D00  }
0x41: {  	[sflag:s10] =	ssyncset.done $0x0  }
0x42: {  	[sflag:s10] =	ssyncadd.s32 $0xFFFFD300  }
0x43: {  	_ =	swait.ge [sflag:s11], $0x2D00  }
0x44: {  	[sflag:s11] =	ssyncset.done $0x0  }
0x45: {  	s17 =	simm.s32 $0x5F0;
	[sflag:s11] =	ssyncadd.s32 $0xFFFFD300  }
0x46: {  	[spmem:s1] =	stream.indirect.scatter.add.f32 [tilespmem:s28], [sflag:$0x5], $0x90, s17, s25, $0xb8;
	[tilespmem:$0x1EFF0] =	vst v63  }
0x47: {  	_ =	swait.ge [sflag:s15], $0x2D00  }
0x48: {  	[sflag:s15] =	ssyncset.done $0x0  }
0x49: {  	[sflag:s15] =	ssyncadd.s32 $0xFFFFD300  }
0x4a: {  	[bflag:$0x0] =	sbarrier.arrive $0xFFFF  }
0x4b: {  	s16 =	rddreg [dreg:$0x5]  }
0x4c: {  	s23 =	rddreg [dreg:$0xd]  }
0x4d: {  	s17 =	rddreg [dreg:$0x10]  }
0x4e: {  	[hbm:s23], [sflag:s16] =	dma.local [spmem:s17], $0x2BF2  }
0x4f: {  	s17 =	simm.s32 $0xA  }
0x50: {  	_ =	swait.ge [sflag:s17], $0x2BF2  }
0x51: {  	s23 =	rddreg [dreg:$0xf]  }
0x52: {  	s29 =	rddreg [dreg:$0xc];
	s23 =	sadd.s32 $0x1, s23  }
0x53: {  	p0 =	sne.s32 s23, s29  }
.Ltmp1:
0x54: {  	_ = 	snop;
	(pc) =	sbr.rel @!p0 .LBB2_5-.Ltmp1, $3  }
0x55: {  	_ =	sdelay $0x1  }
0x56: {  	[sflag:s17] =	ssyncset.done $0x0  }
0x57: {  	[sflag:s17] =	ssyncadd.s32 $0xFFFFD40E  }
.LBB2_1:
0x58: {  	[dreg:$0xf] =	wrdreg s23  }
0x59: {  	s7 =	rddreg [dreg:$0x4]  }
0x5a: {  	s29 =	rddreg [dreg:$0x3];
	s7 =	sshrl.u32 s7, $0x3  }
0x5b: {  	[dreg:$0x10] =	wrdreg s7  }
0x5c: {  	[spmem:s7], [sflag:s16] =	dma.local [hbm:s29], $0x2BF2  }
0x5d: {  	_ =	swait.ge [sflag:s17], $0x2BF2  }
0x5e: {  	[sflag:s17] =	ssyncset.done $0x0  }
0x5f: {  	s29 =	rddreg [dreg:$0x6];
	[sflag:s17] =	ssyncadd.s32 $0xFFFFD40E  }
0x60: {  	[tilespmem:s3], [sflag:$0xA] =	stream.linear.gather [hbm4b:s29+s3], $0x190, $0x38;
	[tilespmem:$0x1EFF0] =	vst v63  }
0x61: {  	_ =	swait.ge [sflag:s17], $0x190  }
0x62: {  	[sflag:s17] =	ssyncset.done $0x0  }
0x63: {  	s16 =	rddreg [dreg:$0x7];
	[sflag:s17] =	ssyncadd.s32 $0xFFFFFE70  }
0x64: {  	[tilespmem:s24], [sflag:$0xA] =	stream.linear.gather [hbm4b:s16+s3], $0x190, $0x38;
	[tilespmem:$0x1EFF0] =	vst v63  }
0x65: {  	_ =	swait.ge [sflag:s17], $0x190  }
0x66: {  	[sflag:s17] =	ssyncset.done $0x0  }
0x67: {  	[sflag:s17] =	ssyncadd.s32 $0xFFFFFE70  }
0x68: {  	[tilespmem:s26], [sflag:$0x1] =	stream.indirect.gather [hbm4b:s4+s25], $0x90, s3, s25, $0xb8;
	[tilespmem:$0x1EFF0] =	vst v63  }
0x69: {  	_ = 	snop  }
0x6a: {  	[tilespmem:s28], [sflag:$0x2] =	stream.indirect.gather [hbm4b:s4+s25], $0x90, s25, s25, $0xb8;
	[tilespmem:$0x1EFF0] =	vst v63  }
0x6b: {  	s29 =	simm.s32 $0x190;
	s23 =	rddreg [dreg:$0x8]  }
0x6c: {  	[tilespmem:s29], [sflag:$0x8] =	stream.linear.gather [hbm4b:s23+s3], $0x190, $0x38;
	[tilespmem:$0x1EFF0] =	vst v63  }
0x6d: {  	s16 =	rddreg [dreg:$0x9];
	s17 =	simm.s32 $0x640  }
0x6e: {  	[tilespmem:s17], [sflag:$0x8] =	stream.linear.gather [hbm4b:s16+s3], $0x190, $0x38;
	[tilespmem:$0x1EFF0] =	vst v63  }
0x6f: {  	s23 =	rddreg [dreg:$0xa]  }
0x70: {  	[tilespmem:s31], [sflag:$0x9] =	stream.linear.gather [hbm4b:s23+s3], $0x190, $0x38;
	[tilespmem:$0x1EFF0] =	vst v63  }
0x71: {  	s29 =	rddreg [dreg:$0xb]  }
0x72: {  	[tilespmem:s0], [sflag:$0x9] =	stream.linear.gather [hbm4b:s29+s3], $0x190, $0x38;
	[tilespmem:$0x1EFF0] =	vst v63  }
0x73: {  	[bflag:$0x0] =	sbarrier.arrive $0xFFFF  }
0x74: {  	s23 =	simm.s32 $0x0;
	s7 =	rddreg [dreg:$0xe]  }
.LBB2_2:
0x75: {  	_ =	swait.ge [sflag:s2], $0x2D00  }
0x76: {  	p0 =	seq.s32 s23, $0x0;
	[sflag:s2] =	ssyncset.done $0x0  }
0x77: {  	s16 =	simm.s32 @!p0 $0x6;
	[sflag:s2] =	ssyncadd.s32 $0xFFFFD300  }
0x78: {  	_ =	swait.ge @!p0 [sflag:s16], $0x2D00  }
0x79: {  	[sflag:s16] =	ssyncset.done @!p0 $0x0  }
0x7a: {  	s29 =	simm.s32 $0xA0;
	[sflag:s16] =	ssyncadd.s32 @!p0 $0xFFFFD300  }
0x7b: {  	[tilespmem:s8], [sflag:$0x3] =	stream.indirect.gather [hbm4b:s4+s25], $0x90, s29, s25, $0xb8;
	[tilespmem:$0x1EFF0] =	vst v63  }
0x7c: {  	_ = 	snop  }
0x7d: {  	[spmem:s1] =	stream.indirect.scatter.add.f32 [tilespmem:s26], [sflag:$0x4], $0x90, s24, s25, $0xb8;
	[tilespmem:$0x1EFF0] =	vst v63  }
0x7e: {  	_ =	swait.ge [sflag:s10], $0x2D00  }
0x7f: {  	[sflag:s10] =	ssyncset.done $0x0  }
0x80: {  	[sflag:s10] =	ssyncadd.s32 $0xFFFFD300  }
0x81: {  	_ =	swait.ge [sflag:s11], $0x2D00  }
0x82: {  	[sflag:s11] =	ssyncset.done $0x0  }
0x83: {  	s17 =	simm.s32 $0xF0;
	[sflag:s11] =	ssyncadd.s32 $0xFFFFD300  }
0x84: {  	[tilespmem:s26], [sflag:$0x1] =	stream.indirect.gather [hbm4b:s4+s25], $0x90, s17, s25, $0xb8;
	[tilespmem:$0x1EFF0] =	vst v63  }
0x85: {  	s29 =	simm.s32 $0x500  }
0x86: {  	[spmem:s1] =	stream.indirect.scatter.add.f32 [tilespmem:s28], [sflag:$0x5], $0x90, s29, s25, $0xb8;
	[tilespmem:$0x1EFF0] =	vst v63  }
0x87: {  	_ =	swait.ge [sflag:s14], $0x2D00  }
0x88: {  	[sflag:s14] =	ssyncset.done $0x0  }
0x89: {  	[sflag:s14] =	ssyncadd.s32 $0xFFFFD300  }
0x8a: {  	_ =	swait.ge [sflag:s15], $0x2D00  }
0x8b: {  	[sflag:s15] =	ssyncset.done $0x0  }
0x8c: {  	s17 =	simm.s32 $0x140;
	[sflag:s15] =	ssyncadd.s32 $0xFFFFD300  }
0x8d: {  	[tilespmem:s28], [sflag:$0x2] =	stream.indirect.gather [hbm4b:s4+s25], $0x90, s17, s25, $0xb8;
	[tilespmem:$0x1EFF0] =	vst v63  }
0x8e: {  	s29 =	simm.s32 $0x550  }
0x8f: {  	[spmem:s1] =	stream.indirect.scatter.add.f32 [tilespmem:s8], [sflag:$0x6], $0x90, s29, s25, $0xb8;
	[tilespmem:$0x1EFF0] =	vst v63  }
0x90: {  	_ =	swait.ge [sflag:s2], $0x2D00  }
0x91: {  	[sflag:s2] =	ssyncset.done $0x0  }
0x92: {  	[sflag:s2] =	ssyncadd.s32 $0xFFFFD300  }
0x93: {  	_ =	swait.ge [sflag:s22], $0x2D00  }
0x94: {  	[sflag:s22] =	ssyncset.done $0x0  }
0x95: {  	[sflag:s22] =	ssyncadd.s32 $0xFFFFD300  }
0x96: {  	_ =	swait.ge [sflag:s9], $0x190  }
0x97: {  	[sflag:s9] =	ssyncset.done $0x0  }
0x98: {  	[sflag:s9] =	ssyncadd.s32 $0xFFFFFE70  }
0x99: {  	_ =	swait.ge [sflag:s9], $0x190  }
0x9a: {  	[sflag:s9] =	ssyncset.done $0x0  }
0x9b: {  	s17 =	simm.s32 $0x190;
	[sflag:s9] =	ssyncadd.s32 $0xFFFFFE70  }
0x9c: {  	[tilespmem:s8], [sflag:$0x3] =	stream.indirect.gather [hbm4b:s4+s25], $0x90, s17, s25, $0xb8;
	[tilespmem:$0x1EFF0] =	vst v63  }
0x9d: {  	s29 =	simm.s32 $0x5A0  }
0x9e: {  	[spmem:s1] =	stream.indirect.scatter.add.f32 [tilespmem:s26], [sflag:$0x4], $0x90, s29, s25, $0xb8;
	[tilespmem:$0x1EFF0] =	vst v63  }
0x9f: {  	_ =	swait.ge [sflag:s10], $0x2D00  }
0xa0: {  	[sflag:s10] =	ssyncset.done $0x0  }
0xa1: {  	[sflag:s10] =	ssyncadd.s32 $0xFFFFD300  }
0xa2: {  	_ =	swait.ge [sflag:s11], $0x2D00  }
0xa3: {  	[sflag:s11] =	ssyncset.done $0x0  }
0xa4: {  	s17 =	simm.s32 $0x1E0;
	[sflag:s11] =	ssyncadd.s32 $0xFFFFD300  }
0xa5: {  	[tilespmem:s26], [sflag:$0x1] =	stream.indirect.gather [hbm4b:s4+s25], $0x90, s17, s25, $0xb8;
	[tilespmem:$0x1EFF0] =	vst v63  }
0xa6: {  	s29 =	simm.s32 $0x5F0;
	s17 =	sshrl.u32 s7, $0x3  }
0xa7: {  	[spmem:s1] =	stream.indirect.scatter.add.f32 [tilespmem:s28], [sflag:$0x5], $0x90, s29, s25, $0xb8;
	[tilespmem:$0x1EFF0] =	vst v63  }
0xa8: {  	s29 =	sadd.s32 s5, s17  }
0xa9: {  	[tilespmem:s3], [sflag:$0x7] =	stream.linear.gather [hbm4b:s29+s3], $0x190, $0x38;
	[tilespmem:$0x1EFF0] =	vst v63  }
0xaa: {  	s16 =	sadd.s32 s6, s17  }
0xab: {  	[tilespmem:s24], [sflag:$0x7] =	stream.linear.gather [hbm4b:s16+s3], $0x190, $0x38;
	[tilespmem:$0x1EFF0] =	vst v63  }
0xac: {  	_ =	swait.ge [sflag:s14], $0x2D00  }
0xad: {  	[sflag:s14] =	ssyncset.done $0x0  }
0xae: {  	[sflag:s14] =	ssyncadd.s32 $0xFFFFD300  }
0xaf: {  	_ =	swait.ge [sflag:s15], $0x2D00  }
0xb0: {  	[sflag:s15] =	ssyncset.done $0x0  }
0xb1: {  	s29 =	simm.s32 $0x230;
	[sflag:s15] =	ssyncadd.s32 $0xFFFFD300  }
0xb2: {  	[tilespmem:s28], [sflag:$0x2] =	stream.indirect.gather [hbm4b:s4+s25], $0x90, s29, s25, $0xb8;
	[tilespmem:$0x1EFF0] =	vst v63  }
0xb3: {  	s17 =	simm.s32 $0x640  }
0xb4: {  	[spmem:s1] =	stream.indirect.scatter.add.f32 [tilespmem:s8], [sflag:$0x6], $0x90, s17, s25, $0xb8;
	[tilespmem:$0x1EFF0] =	vst v63  }
0xb5: {  	_ =	swait.ge [sflag:s2], $0x2D00  }
0xb6: {  	[sflag:s2] =	ssyncset.done $0x0  }
0xb7: {  	[sflag:s2] =	ssyncadd.s32 $0xFFFFD300  }
0xb8: {  	_ =	swait.ge [sflag:s22], $0x2D00  }
0xb9: {  	[sflag:s22] =	ssyncset.done $0x0  }
0xba: {  	s29 =	simm.s32 $0x280;
	[sflag:s22] =	ssyncadd.s32 $0xFFFFD300  }
0xbb: {  	[tilespmem:s8], [sflag:$0x3] =	stream.indirect.gather [hbm4b:s4+s25], $0x90, s29, s25, $0xb8;
	[tilespmem:$0x1EFF0] =	vst v63  }
0xbc: {  	s17 =	simm.s32 $0x690  }
0xbd: {  	[spmem:s1] =	stream.indirect.scatter.add.f32 [tilespmem:s26], [sflag:$0x4], $0x90, s17, s25, $0xb8;
	[tilespmem:$0x1EFF0] =	vst v63  }
0xbe: {  	_ =	swait.ge [sflag:s10], $0x2D00  }
0xbf: {  	[sflag:s10] =	ssyncset.done $0x0  }
0xc0: {  	[sflag:s10] =	ssyncadd.s32 $0xFFFFD300  }
0xc1: {  	_ =	swait.ge [sflag:s11], $0x2D00  }
0xc2: {  	[sflag:s11] =	ssyncset.done $0x0  }
0xc3: {  	s29 =	simm.s32 $0x2D0;
	[sflag:s11] =	ssyncadd.s32 $0xFFFFD300  }
0xc4: {  	[tilespmem:s26], [sflag:$0x1] =	stream.indirect.gather [hbm4b:s4+s25], $0x90, s29, s25, $0xb8;
	[tilespmem:$0x1EFF0] =	vst v63  }
0xc5: {  	s17 =	simm.s32 $0x6E0  }
0xc6: {  	[spmem:s1] =	stream.indirect.scatter.add.f32 [tilespmem:s28], [sflag:$0x5], $0x90, s17, s25, $0xb8;
	[tilespmem:$0x1EFF0] =	vst v63  }
0xc7: {  	_ =	swait.ge [sflag:s14], $0x2D00  }
0xc8: {  	[sflag:s14] =	ssyncset.done $0x0  }
0xc9: {  	[sflag:s14] =	ssyncadd.s32 $0xFFFFD300  }
0xca: {  	_ =	swait.ge [sflag:s15], $0x2D00  }
0xcb: {  	[sflag:s15] =	ssyncset.done $0x0  }
0xcc: {  	[sflag:s15] =	ssyncadd.s32 $0xFFFFD300  }
0xcd: {  	_ =	swait.ge [sflag:s12], $0x190  }
0xce: {  	[sflag:s12] =	ssyncset.done $0x0  }
0xcf: {  	[sflag:s12] =	ssyncadd.s32 $0xFFFFFE70  }
0xd0: {  	_ =	swait.ge [sflag:s12], $0x190  }
0xd1: {  	[sflag:s12] =	ssyncset.done $0x0  }
0xd2: {  	[sflag:s12] =	ssyncadd.s32 $0xFFFFFE70  }
0xd3: {  	[tilespmem:s28], [sflag:$0x2] =	stream.indirect.gather [hbm4b:s4+s25], $0x90, s31, s25, $0xb8;
	[tilespmem:$0x1EFF0] =	vst v63  }
0xd4: {  	s29 =	simm.s32 $0x730  }
0xd5: {  	[spmem:s1] =	stream.indirect.scatter.add.f32 [tilespmem:s8], [sflag:$0x6], $0x90, s29, s25, $0xb8;
	[tilespmem:$0x1EFF0] =	vst v63  }
0xd6: {  	_ =	swait.ge [sflag:s2], $0x2D00  }
0xd7: {  	[sflag:s2] =	ssyncset.done $0x0  }
0xd8: {  	[sflag:s2] =	ssyncadd.s32 $0xFFFFD300  }
0xd9: {  	_ =	swait.ge [sflag:s22], $0x2D00  }
0xda: {  	[sflag:s22] =	ssyncset.done $0x0  }
0xdb: {  	s17 =	simm.s32 $0x370;
	[sflag:s22] =	ssyncadd.s32 $0xFFFFD300  }
0xdc: {  	[tilespmem:s8], [sflag:$0x3] =	stream.indirect.gather [hbm4b:s4+s25], $0x90, s17, s25, $0xb8;
	[tilespmem:$0x1EFF0] =	vst v63  }
0xdd: {  	p0 =	seq.s32 s23, $0x41A;
	s29 =	simm.s32 $0x780  }
0xde: {  	[spmem:s1] =	stream.indirect.scatter.add.f32 [tilespmem:s26], [sflag:$0x4], $0x90, s29, s25, $0xb8;
	[tilespmem:$0x1EFF0] =	vst v63  }
0xdf: {  	s16 =	sadd.s32 @!p0 s23, s19;
	s17 =	simm.s32 @!p0 $0x190;
	s29 =	simm.s32 @!p0 $0x0  }
0xe0: {  	[tilespmem:s17], [sflag:$0x8] =	stream.linear.gather @!p0 [hbm4b:s16+s29], $0x190, $0x38;
	[tilespmem:$0x1EFF0] =	vst v63  }
0xe1: {  	s16 =	sadd.s32 @!p0 s23, s18;
	s17 =	simm.s32 @!p0 $0x640  }
0xe2: {  	[tilespmem:s17], [sflag:$0x8] =	stream.linear.gather @!p0 [hbm4b:s16+s29], $0x190, $0x38;
	[tilespmem:$0x1EFF0] =	vst v63  }
0xe3: {  	_ =	swait.ge [sflag:s10], $0x2D00  }
0xe4: {  	[sflag:s10] =	ssyncset.done $0x0  }
0xe5: {  	[sflag:s10] =	ssyncadd.s32 $0xFFFFD300  }
0xe6: {  	_ =	swait.ge [sflag:s11], $0x2D00  }
0xe7: {  	[sflag:s11] =	ssyncset.done $0x0  }
0xe8: {  	s17 =	simm.s32 $0x3C0;
	[sflag:s11] =	ssyncadd.s32 $0xFFFFD300  }
0xe9: {  	[tilespmem:s26], [sflag:$0x1] =	stream.indirect.gather [hbm4b:s4+s25], $0x90, s17, s25, $0xb8;
	[tilespmem:$0x1EFF0] =	vst v63  }
0xea: {  	_ = 	snop  }
0xeb: {  	[spmem:s1] =	stream.indirect.scatter.add.f32 [tilespmem:s28], [sflag:$0x5], $0x90, s0, s25, $0xb8;
	[tilespmem:$0x1EFF0] =	vst v63  }
0xec: {  	_ =	swait.ge [sflag:s14], $0x2D00  }
0xed: {  	[sflag:s14] =	ssyncset.done $0x0  }
0xee: {  	[sflag:s14] =	ssyncadd.s32 $0xFFFFD300  }
0xef: {  	_ =	swait.ge [sflag:s15], $0x2D00  }
0xf0: {  	[sflag:s15] =	ssyncset.done $0x0  }
0xf1: {  	s29 =	simm.s32 $0x410;
	[sflag:s15] =	ssyncadd.s32 $0xFFFFD300  }
0xf2: {  	[tilespmem:s28], [sflag:$0x2] =	stream.indirect.gather [hbm4b:s4+s25], $0x90, s29, s25, $0xb8;
	[tilespmem:$0x1EFF0] =	vst v63  }
0xf3: {  	s17 =	simm.s32 $0x820  }
0xf4: {  	[spmem:s1] =	stream.indirect.scatter.add.f32 [tilespmem:s8], [sflag:$0x6], $0x90, s17, s25, $0xb8;
	[tilespmem:$0x1EFF0] =	vst v63  }
0xf5: {  	_ =	swait.ge [sflag:s2], $0x2D00  }
0xf6: {  	[sflag:s2] =	ssyncset.done $0x0  }
0xf7: {  	[sflag:s2] =	ssyncadd.s32 $0xFFFFD300  }
0xf8: {  	_ =	swait.ge [sflag:s22], $0x2D00  }
0xf9: {  	[sflag:s22] =	ssyncset.done $0x0  }
0xfa: {  	s29 =	simm.s32 $0x460;
	[sflag:s22] =	ssyncadd.s32 $0xFFFFD300  }
0xfb: {  	[tilespmem:s8], [sflag:$0x3] =	stream.indirect.gather [hbm4b:s4+s25], $0x90, s29, s25, $0xb8;
	[tilespmem:$0x1EFF0] =	vst v63  }
0xfc: {  	s17 =	simm.s32 $0x870  }
0xfd: {  	[spmem:s1] =	stream.indirect.scatter.add.f32 [tilespmem:s26], [sflag:$0x4], $0x90, s17, s25, $0xb8;
	[tilespmem:$0x1EFF0] =	vst v63  }
0xfe: {  	_ =	swait.ge [sflag:s10], $0x2D00  }
0xff: {  	[sflag:s10] =	ssyncset.done $0x0  }
0x100: {  	[sflag:s10] =	ssyncadd.s32 $0xFFFFD300  }
0x101: {  	_ =	swait.ge [sflag:s11], $0x2D00  }
0x102: {  	[sflag:s11] =	ssyncset.done $0x0  }
0x103: {  	[sflag:s11] =	ssyncadd.s32 $0xFFFFD300  }
0x104: {  	_ =	swait.ge [sflag:s30], $0x190  }
0x105: {  	[sflag:s30] =	ssyncset.done $0x0  }
0x106: {  	[sflag:s30] =	ssyncadd.s32 $0xFFFFFE70  }
0x107: {  	_ =	swait.ge [sflag:s30], $0x190  }
0x108: {  	[sflag:s30] =	ssyncset.done $0x0  }
0x109: {  	[sflag:s30] =	ssyncadd.s32 $0xFFFFFE70  }
0x10a: {  	[tilespmem:s26], [sflag:$0x1] =	stream.indirect.gather [hbm4b:s4+s25], $0x90, s3, s25, $0xb8;
	[tilespmem:$0x1EFF0] =	vst v63  }
0x10b: {  	s29 =	simm.s32 $0x8C0  }
0x10c: {  	[spmem:s1] =	stream.indirect.scatter.add.f32 [tilespmem:s28], [sflag:$0x5], $0x90, s29, s25, $0xb8;
	[tilespmem:$0x1EFF0] =	vst v63  }
0x10d: {  	_ =	swait.ge [sflag:s14], $0x2D00  }
0x10e: {  	[sflag:s14] =	ssyncset.done $0x0  }
0x10f: {  	[sflag:s14] =	ssyncadd.s32 $0xFFFFD300  }
0x110: {  	_ =	swait.ge [sflag:s15], $0x2D00  }
.Ltmp2:
0x111: {  	[sflag:s15] =	ssyncset.done $0x0;
	(pc) =	sbr.rel @p0 .LBB2_4-.Ltmp2, $4  }
0x112: {  	[sflag:s15] =	ssyncadd.s32 $0xFFFFD300  }
0x113: {  	[tilespmem:s28], [sflag:$0x2] =	stream.indirect.gather [hbm4b:s4+s25], $0x90, s25, s25, $0xb8;
	[tilespmem:$0x1EFF0] =	vst v63  }
0x114: {  	_ = 	snop  }
0x115: {  	[spmem:s1] =	stream.indirect.scatter.add.f32 [tilespmem:s8], [sflag:$0x6], $0x90, s13, s25, $0xb8;
	[tilespmem:$0x1EFF0] =	vst v63  }
.Ltmp3:
0x116: {  	(pc) =	sbr.rel .LBB2_2-.Ltmp3, $4  }
0x117: {  	s16 =	sadd.s32 s23, s21  }
0x118: {  	[tilespmem:s31], [sflag:$0x9] =	stream.linear.gather [hbm4b:s16+s3], $0x190, $0x38;
	[tilespmem:$0x1EFF0] =	vst v63  }
0x119: {  	s29 =	sadd.s32 s23, s20;
	s23 =	sadd.s32 $0x96, s23;
	s7 =	sadd.s32 $0x4B0, s7  }
0x11a: {  	[tilespmem:s0], [sflag:$0x9] =	stream.linear.gather [hbm4b:s29+s3], $0x190, $0x38;
	[tilespmem:$0x1EFF0] =	vst v63  }
.LBB2_5:
0x11b: {  	_ =	sfence.sel $0x180000  }
0x11c: {  	[bflag:$0x0] =	sbarrier.arrive $0xFFFF  }
0x11d: {  	_ =	strace $0x9000004A  }
0x11e: {  	s0 =	stileid.u32;
	[bflag:$0x2] =	sbarrier.arrive $0xFFFF  }
0x11f: {  	p0 =	sne.s32 s0, $0x0;
	s0 =	rddreg [dreg:$0x2]  }
0x120: {  	s0 =	sadd.s32 @!p0 $0x100000, s0  }
0x121: {  	[sflag:s0] =	ssyncadd.tile.s32 @!p0 $0x1;
	_ =	shalt  }
.Lfunc_end2:
_tile_overlayer_lowered:
.L_overlay_start_2:
0x122: {  	(tag) =	ssettag $0x2  }
0x123: {  	s0 =	rddreg [dreg:$0x0];
	s2 =	stileid.u32  }
0x124: {  	s1 =	rddreg [dreg:$0x1];
	p0 =	sne.s32 s2, $0x0  }
0x125: {  	s3 =	rddreg [dreg:$0x2];
	[bflag:$0x3] =	sbarrier.arrive $0xFFFF;
	s2 =	simm.s32 @!p0 $0x1C0A  }
0x126: {  	[timem:s3], [sflag:s2] =	dma.local @!p0 [hbm:s0], s1  }
0x127: {  	s0 =	simm.s32 @!p0 $0xA  }
0x128: {  	_ =	swait.ge @!p0 [sflag:s0], s1  }
0x129: {  	s1 =	ssub.s32 @!p0 $0x0, s1;
	[sflag:s0] =	ssyncset.done @!p0 $0x0  }
0x12a: {  	[sflag:s0] =	ssyncadd.s32 @!p0 s1  }
0x12b: {  	[bflag:$0x3] =	sbarrier.arrive $0xFFFF  }
0x12c: {  	_ =	shalt  }

// kernel: kernel.8.cloned.1.call-start
scs
__scs_entry_jumppad:
0x0: {  	(pc) =	sbr.rel $0x88, $3  }
0x1: {  	(tag) =	ssettag $0x0;
	lr =	simm.s32 $0x1  }
0x2: {  	[smem:$0x3F9A] =	sst lr;
	_ =	strace $0xD0000000  }
0x3: {  	_ = 	snop  }
0x4: {  	_ = 	snop  }
0x5: {  	_ = 	snop  }
0x6: {  	_ = 	snop  }
0x7: {  	_ = 	snop  }
__scs_overlays_trampoline_lowered:
0x8: {  	[smem:$0x3FA9] =	sst s0  }
0x9: {  	[smem:$0x3FAA] =	sst s1  }
0xa: {  	[smem:$0x3FAB] =	sst s2  }
0xb: {  	[smem:$0x3FAC] =	sst s3  }
0xc: {  	[smem:$0x3FAD] =	sst s4  }
0xd: {  	[smem:$0x3FAE] =	sst s5  }
0xe: {  	[smem:$0x3FAF] =	sst s6  }
0xf: {  	[smem:$0x3FB0] =	sst s7  }
0x10: {  	[smem:$0x3FB1] =	sst s8  }
0x11: {  	[smem:$0x3FB2] =	sst s9;
	s0 =	simm.s32 @!p0 $0x0  }
0x12: {  	s1 =	sld [smem:$0x3F98];
	s0 =	simm.s32 @p0 $0x1  }
0x13: {  	[smem:$0x3FB3] =	sst s0;
	s0 =	simm.s32 @!p1 $0x0  }
0x14: {  	s2 =	sld [smem:$0x3F97];
	s0 =	simm.s32 @p1 $0x1  }
0x15: {  	[smem:$0x3FB4] =	sst s0;
	s0 =	simm.s32 @!p2 $0x0  }
0x16: {  	s3 =	sld [smem:$0x3FDB];
	s0 =	simm.s32 @p2 $0x1  }
0x17: {  	s4 =	simm.s32 $0x1BF5;
	[smem:$0x3FB6] =	sst s0  }
0x18: {  	s0 =	sld [smem:$0x3F99];
	_ =	swait.ge [sflag:s4], $0x0  }
0x19: {  	s7 =	sld [smem:$0x3F9A]  }
0x1a: {  	s8 =	sadd.s32 $0xFFFFE003, lr  }
0x1b: {  	s9 =	sadd.s32 $0xFFFFFEF7, lr;
	s5 =	simm.s32 $0xFFFFFFFF;
	p2 =	slt.u32 s8, $0xFFFFF086  }
0x1c: {  	p1 =	slt.u32 s9, $0xF7A;
	s5 =	simm.s32 @!p2 $0x0  }
0x1d: {  	s5 =	simm.s32 @p1 $0x1;
	p0 =	seq.s32 s7, s2  }
0x1e: {  	s7 =	smul.u32 @!p0 $0xF7A, s2;
	p2 =	seq.s32 @!p0 s5, $0x0  }
0x1f: {  	s9 =	smul.u32 $0xF7A, s1;
	s8 =	simm.s32 @!p0 $0x1BF5;
	p2 =	por !p2, p0  }
0x20: {  	[sflag:s8] =	ssyncset.s32 @!p0 $0xFFFFF086;
	s6 =	sadd.s32 @!p0 s3, s7;
	s7 =	simm.s32 @!p0 $0x108  }
0x21: {  	s3 =	sadd.s32 s3, s9;
	s6 =	sadd.s32 @!p0 $0x88, s6;
	s7 =	simm.s32 @p2 $0x1082  }
0x22: {  	[simem:s7], [sflag:s8] =	dma.local @!p0 [hbm:s6], $0xF7A  }
0x23: {  	s9 =	sor.u32 $0xD0000000, s2;
	s6 =	simm.s32 $0x108;
	_ =	swait.ge @!p0 [sflag:s8], $0x0  }
0x24: {  	s3 =	sadd.s32 $0x88, s3;
	s6 =	simm.s32 @!p1 $0x1082;
	[sflag:s4] =	ssyncset.s32 $0xFFFFF086  }
0x25: {  	[simem:s6], [sflag:s4] =	dma.local [hbm:s3], $0xF7A  }
0x26: {  	[smem:$0x3F9A] =	sst s1;
	(tag) =	ssettag s2;
	_ =	strace s9  }
0x27: {  	s1 =	sld [smem:$0x3FAA]  }
0x28: {  	s2 =	sld [smem:$0x3FAB]  }
0x29: {  	s4 =	sld [smem:$0x3FAD]  }
0x2a: {  	p0 =	seq.s32 s5, $0x0;
	s5 =	sld [smem:$0x3FAE]  }
0x2b: {  	s6 =	sld [smem:$0x3FAF]  }
0x2c: {  	s7 =	sld [smem:$0x3FB0]  }
0x2d: {  	s3 =	simm.s32 $0x108;
	s8 =	sld [smem:$0x3FB1]  }
0x2e: {  	s3 =	simm.s32 @!p0 $0x1082;
	s9 =	sld [smem:$0x3FB2]  }
0x2f: {  	lr =	sadd.s32 s0, s3;
	s0 =	sld [smem:$0x3FA9]  }
0x30: {  	s3 =	sld [smem:$0x3FAC]  }
0x31: {  	[smem:$0x3FB5] =	sst s10  }
0x32: {  	s10 =	sld [smem:$0x3FB3];
	_ =	sdelay $0x3  }
0x33: {  	p0 =	seq.s32 s10, $0x1;
	s10 =	sld [smem:$0x3FB5];
	_ =	sdelay $0x3  }
0x34: {  	[smem:$0x3FB5] =	sst s10  }
0x35: {  	s10 =	sld [smem:$0x3FB4];
	_ =	sdelay $0x3  }
0x36: {  	p1 =	seq.s32 s10, $0x1;
	s10 =	sld [smem:$0x3FB5];
	_ =	sdelay $0x3  }
0x37: {  	[smem:$0x3FB5] =	sst s10  }
0x38: {  	s10 =	sld [smem:$0x3FB6]  }
0x39: {  	_ = 	snop;
	(pc) =	sbr.ind lr, $3  }
0x3a: {  	_ = 	snop  }
0x3b: {  	_ = 	snop  }
0x3c: {  	p2 =	seq.s32 s10, $0x1;
	s10 =	sld [smem:$0x3FB5]  }
0x3d: {  	_ =	shalt  }
0x3e: {  	_ =	shalt  }
0x3f: {  	_ =	shalt  }
0x40: {  	_ =	shalt  }
0x41: {  	_ =	shalt  }
0x42: {  	_ =	shalt  }
0x43: {  	_ =	shalt  }
0x44: {  	_ =	shalt  }
0x45: {  	_ =	shalt  }
0x46: {  	_ =	shalt  }
0x47: {  	_ =	shalt  }
0x48: {  	_ =	shalt  }
0x49: {  	_ =	shalt  }
0x4a: {  	_ =	shalt  }
0x4b: {  	_ =	shalt  }
0x4c: {  	_ =	shalt  }
0x4d: {  	_ =	shalt  }
0x4e: {  	_ =	shalt  }
0x4f: {  	_ =	shalt  }
0x50: {  	_ =	shalt  }
0x51: {  	_ =	shalt  }
0x52: {  	_ =	shalt  }
0x53: {  	_ =	shalt  }
0x54: {  	_ =	shalt  }
0x55: {  	_ =	shalt  }
0x56: {  	_ =	shalt  }
0x57: {  	_ =	shalt  }
0x58: {  	_ =	shalt  }
0x59: {  	_ =	shalt  }
0x5a: {  	_ =	shalt  }
0x5b: {  	_ =	shalt  }
0x5c: {  	_ =	shalt  }
0x5d: {  	_ =	shalt  }
0x5e: {  	_ =	shalt  }
0x5f: {  	_ =	shalt  }
0x60: {  	_ =	shalt  }
0x61: {  	_ =	shalt  }
0x62: {  	_ =	shalt  }
0x63: {  	_ =	shalt  }
0x64: {  	_ =	shalt  }
0x65: {  	_ =	shalt  }
0x66: {  	_ =	shalt  }
0x67: {  	_ =	shalt  }
0x68: {  	_ =	shalt  }
0x69: {  	_ =	shalt  }
0x6a: {  	_ =	shalt  }
0x6b: {  	_ =	shalt  }
0x6c: {  	_ =	shalt  }
0x6d: {  	_ =	shalt  }
0x6e: {  	_ =	shalt  }
0x6f: {  	_ =	shalt  }
0x70: {  	_ =	shalt  }
0x71: {  	_ =	shalt  }
0x72: {  	_ =	shalt  }
0x73: {  	_ =	shalt  }
0x74: {  	_ =	shalt  }
0x75: {  	_ =	shalt  }
0x76: {  	_ =	shalt  }
0x77: {  	_ =	shalt  }
0x78: {  	_ =	shalt  }
0x79: {  	_ =	shalt  }
0x7a: {  	_ =	shalt  }
0x7b: {  	_ =	shalt  }
0x7c: {  	_ =	shalt  }
0x7d: {  	_ =	shalt  }
0x7e: {  	_ =	shalt  }
0x7f: {  	_ =	shalt  }
0x80: {  	_ =	shalt  }
0x81: {  	_ =	shalt  }
0x82: {  	_ =	shalt  }
0x83: {  	_ =	shalt  }
0x84: {  	_ =	shalt  }
0x85: {  	_ =	shalt  }
0x86: {  	_ =	shalt  }
0x87: {  	_ =	shalt  }
.Lfunc_end0:
.L_simem_size_0:
called_computation_lowered:
.L_overlay_start_0:
0x88: {  	s2 =	sld [smem:$0x3FD9]  }
0x89: {  	s3 =	sld [smem:$0x3FFE];
	_ =	sdelay $0x1  }
0x8a: {  	s1 =	srdreg.scid  }
0x8b: {  	s0 =	sand.u32 $0x1, s1  }
0x8c: {  	s17 =	sshll.u32 s0, $0xA;
	s2 =	sadd.s32 s3, s2  }
0x8d: {  	s2 =	sadd.s32 s2, s17  }
0x8e: {  	[smem:$0x3FC1] =	sst s2  }
0x8f: {  	_ = 	snop  }
0x90: {  	s2 =	sld [smem:$0x3FD0];
	(tm) =	ssettm $0x1  }
0x91: {  	s18 =	sld [smem:$0x3FFB];
	_ =	sdelay $0x3  }
0x92: {  	_ =	strace s18  }
0x93: {  	s3 =	sld [smem:$0x3FFC];
	_ =	sdelay $0x3  }
0x94: {  	_ =	strace s3  }
0x95: {  	s3 =	sld [smem:$0x3FFD];
	_ =	sdelay $0x3  }
0x96: {  	_ =	strace s3  }
0x97: {  	_ =	strace $0x8FFFFFFF  }
0x98: {  	s19 =	sld [smem:$0x3FDB];
	_ =	sdelay $0x1  }
0x99: {  	s4 =	simm.s32 $_scs_section_size  }
0x9a: {  	s5 =	simm.s32 $_size__tile_overlayer_lowered;
	s6 =	simm.s32 $_tile_overlayer_lowered  }
0x9b: {  	s22 =	simm.s32 $0x1BFF;
	s21 =	sshll.u32 s6, $0x1;
	s3 =	sadd.s32 s4, s19  }
0x9c: {  	s7 =	simm.s32 $0x0;
	s20 =	sshll.u32 s5, $0x1;
	s5 =	sadd.s32 s21, s3  }
0x9d: {  	[timem:s7], [sflag:s22] =	dma.local [hbm:s5], s20  }
0x9e: {  	_ =	swait.ge [sflag:s22], s20  }
0x9f: {  	s4 =	ssub.s32 $0x0, s20;
	[sflag:s22] =	ssyncset.done $0x0  }
0xa0: {  	[sflag:s22] =	ssyncadd.s32 s4;
	_ =	sdelay $0x1  }
0xa1: {  	s23 =	simm.s32 $0x1B8B  }
0xa2: {  	_ =	swait.ge [sflag:s23], $0x1  }
0xa3: {  	[sflag:s23] =	ssyncset.done $0x0  }
0xa4: {  	s25 =	simm.s32 $0x1B8E;
	s24 =	sld [smem:$0x3FFE];
	[sflag:s23] =	ssyncadd.s32 $0xFFFFFFFF  }
0xa5: {  	s26 =	simm.s32 $execute0_lowered;
	[smem:$0x3FD2] =	sst s25  }
0xa6: {  	s5 =	sshll.u32 s26, $0x1;
	_ =	strace $0x80000046;
	[dreg:$0x1] =	wrdreg $0xFFFFFFFF  }
0xa7: {  	s28 =	simm.s32 $_size_execute0_lowered;
	s3 =	sadd.s32 s3, s5;
	[dreg:$0x0] =	wrdreg $0x0  }
0xa8: {  	s5 =	sshll.u32 s28, $0x1;
	[dreg:$0x2] =	wrdreg s3  }
0xa9: {  	[dreg:$0x3] =	wrdreg s5  }
0xaa: {  	[dreg:$0x4] =	wrdreg $0xC0  }
0xab: {  	_ =	task [dreg:s7], $0x5FFFF  }
0xac: {  	[dreg:$0x1] =	wrdreg $0xFFFFFFFF  }
0xad: {  	[dreg:$0x0] =	wrdreg $0x60  }
0xae: {  	[dreg:$0x2] =	wrdreg s2  }
0xaf: {  	[dreg:$0x3] =	wrdreg s24  }
0xb0: {  	[dreg:$0x4] =	wrdreg $0x90600  }
0xb1: {  	[dreg:$0x5] =	wrdreg $0x9  }
0xb2: {  	_ =	task.clear_ibuf [dreg:s7], $0x6FFFF;
	_ =	strace $0x90000046  }
0xb3: {  	s29 =	simm.s32 $0x9;
	_ =	strace $0x80000048  }
0xb4: {  	_ =	swait.ge [sflag:s29], $0x1  }
0xb5: {  	[sflag:s29] =	ssyncadd.s32 $0xFFFFFFFF  }
0xb6: {  	_ =	strace $0x90000048  }
0xb7: {  	_ =	sfence  }
0xb8: {  	s30 =	sld [smem:$0x0];
	_ =	sdelay $0x2  }
0xb9: {  	s31 =	sshll.u32 s1, $0xD;
	s1 =	sshrl.u32 s1, $0x2  }
0xba: {  	s3 =	sand.u32 $0x4000, s31;
	s1 =	sadd.s32 s1, s30  }
0xbb: {  	s0 =	sor.u32 s3, s0;
	s1 =	sshll.u32 s1, $0x11  }
0xbc: {  	s0 =	sor.u32 s1, s0  }
0xbd: {  	s0 =	sadd.s32 $0x8F2B, s0  }
0xbe: {  	[sflag:s0] =	ssyncadd.remote.s32 $0x1  }
0xbf: {  	_ =	sfence.sel $0xFFFF  }
0xc0: {  	[dreg:$0x0] =	wrdreg $0xFFFFFFFF;
	(pc) =	sbr.abs _section_cstart, $3  }
0xc1: {  	[dreg:$0x1] =	wrdreg $0xFFFFFFFF  }
0xc2: {  	_ =	task.clear_ibuf [dreg:s7], $0x2FFFF;
	_ =	strace $0x9FFFFFFF  }
0xc3: {  	(tm) =	ssettm $0x7FFFFFFF  }
tec
execute0_lowered:
.L_overlay_start_1:
0x0: {  	(tag) =	ssettag $0x1  }
0x1: {  	s1 =	rddreg [dreg:$0x0]  }
0x2: {  	s0 =	rddreg [dreg:$0x1]  }
0x3: {  	s2 =	rddreg [dreg:$0x2]  }
0x4: {  	s3 =	srdreg.scid;
	s4 =	simm.s32 $0x0;
	s12 =	stileid.u32  }
0x5: {  	s28 =	simm.s32 $0x3660;
	s31 =	simm.s32 $0x320;
	s30 =	simm.s32 $0x7  }
0x6: {  	s3 =	sand.u32 $0x1, s3;
	[smem:$0x7FF] =	sst s4;
	s7 =	smul.u32 $0x7D, s12  }
0x7: {  	s5 =	sadd.s32 $0xB800, s0;
	s11 =	sadd.s32 $0x63800, s0;
	s25 =	smul.u32 $0x15F90, s12  }
0x8: {  	s26 =	sshll.u32 s12, $0x6;
	s21 =	smul.u32 $0x2710, s12;
	s12 =	simm.s32 $0x9  }
0x9: {  	s6 =	smul.u32 $0x7D0, s3;
	_ =	strace $0x80000047;
	s8 =	ssub.s32 $0x2, s3  }
0xa: {  	[dreg:$0x4] =	wrdreg s11;
	s16 =	sor.u32 $0x1C0A, s26;
	s19 =	smul.u32 $0x27100, s3  }
0xb: {  	p0 =	seq.s32 s3, $0x1;
	s3 =	simm.s32 $0x1;
	s11 =	simm.s32 $0x4  }
0xc: {  	s9 =	sshrl.u32 s8, $0x1;
	s13 =	sadd.s32 s25, s2;
	s22 =	sshrl.u32 s25, $0x3  }
0xd: {  	[dreg:$0x6] =	wrdreg s16;
	s7 =	sadd.s32 s7, s6;
	s6 =	sadd.s32 $0x1A00, s0  }
0xe: {  	s8 =	ssub.s32 s8, s9;
	[dreg:$0x5] =	wrdreg s13;
	s10 =	smul.u32 $0x50, s7  }
0xf: {  	s9 =	simm.s32 $0x66400;
	s7 =	smul.u32 $0xA, s7;
	s8 =	smax.u32 s8, $0x1  }
0x10: {  	s13 =	simm.s32 $0x910;
	s9 =	simm.s32 @!p0 $0x92400;
	[dreg:$0xd] =	wrdreg s8  }
0x11: {  	s0 =	sadd.s32 s9, s0;
	s8 =	simm.s32 $0x6360;
	s14 =	sadd.s32 s5, s7  }
0x12: {  	s10 =	sshrl.u32 s10, $0x3;
	s7 =	sadd.s32 s6, s7;
	[dreg:$0x7] =	wrdreg s14  }
0x13: {  	s0 =	sadd.s32 s0, s22;
	s29 =	sadd.s32 $0x32, s10;
	[dreg:$0x8] =	wrdreg s7  }
0x14: {  	s9 =	simm.s32 $0x8;
	[dreg:$0xe] =	wrdreg s0;
	s15 =	sadd.s32 s5, s29  }
0x15: {  	s18 =	sadd.s32 $0x64, s10;
	s17 =	sadd.s32 s6, s29;
	[dreg:$0x9] =	wrdreg s15  }
0x16: {  	s22 =	simm.s32 $0x6;
	s20 =	sadd.s32 s5, s18;
	[dreg:$0xa] =	wrdreg s17  }
0x17: {  	s0 =	simm.s32 $0x7D0;
	s7 =	sadd.s32 s6, s18;
	[dreg:$0xb] =	wrdreg s20  }
0x18: {  	s10 =	simm.s32 $0x2;
	s14 =	simm.s32 $0x3;
	[dreg:$0xc] =	wrdreg s7  }
0x19: {  	s7 =	sadd.s32 s21, s19;
	s17 =	simm.s32 $0xA;
	s15 =	simm.s32 $0x5  }
.Ltmp0:
0x1a: {  	s23 =	sadd.s32 $0x640, s7;
	s24 =	sadd.s32 $0x7D0, s7;
	(pc) =	sbr.rel .LBB2_1-.Ltmp0, $4  }
0x1b: {  	s29 =	sadd.s32 $0x4B0, s7;
	s25 =	sshrl.u32 s23, $0x3;
	s26 =	sshrl.u32 s24, $0x3  }
0x1c: {  	[dreg:$0xf] =	wrdreg s29;
	s24 =	simm.s32 $0x4B0;
	s23 =	simm.s32 $0x0  }
0x1d: {  	s18 =	sadd.s32 s25, s6;
	s19 =	sadd.s32 s25, s5;
	s20 =	sadd.s32 s26, s6  }
0x1e: {  	s21 =	sadd.s32 s26, s5;
	s25 =	simm.s32 $0x50;
	s26 =	simm.s32 $0x960  }
.LBB2_4:
0x1f: {  	_ =	swait.ge [sflag:s3], $0x2D00  }
0x20: {  	[sflag:s3] =	ssyncset.done $0x0  }
0x21: {  	[sflag:s3] =	ssyncadd.s32 $0xFFFFD300  }
0x22: {  	_ =	swait.ge [sflag:s22], $0x2D00  }
0x23: {  	[sflag:s22] =	ssyncset.done $0x0  }
0x24: {  	s7 =	simm.s32 $0xA0;
	[sflag:s22] =	ssyncadd.s32 $0xFFFFD300  }
0x25: {  	[tilespmem:s8], [sflag:$0x3] =	stream.indirect.gather [hbm4b:s1+s25], $0x90, s7, s25, $0xb8;
	[tilespmem:$0x1EFF0] =	vst v63  }
0x26: {  	_ = 	snop  }
0x27: {  	[spmem:s2] =	stream.indirect.scatter.add.f32 [tilespmem:s26], [sflag:$0x4], $0x90, s24, s25, $0xb8;
	[tilespmem:$0x1EFF0] =	vst v63  }
0x28: {  	_ =	swait.ge [sflag:s10], $0x2D00  }
0x29: {  	[sflag:s10] =	ssyncset.done $0x0  }
0x2a: {  	[sflag:s10] =	ssyncadd.s32 $0xFFFFD300  }
0x2b: {  	_ =	swait.ge [sflag:s11], $0x2D00  }
0x2c: {  	[sflag:s11] =	ssyncset.done $0x0  }
0x2d: {  	s16 =	simm.s32 $0xF0;
	[sflag:s11] =	ssyncadd.s32 $0xFFFFD300  }
0x2e: {  	[tilespmem:s26], [sflag:$0x1] =	stream.indirect.gather [hbm4b:s1+s25], $0x90, s16, s25, $0xb8;
	[tilespmem:$0x1EFF0] =	vst v63  }
0x2f: {  	s17 =	simm.s32 $0x500  }
0x30: {  	[spmem:s2] =	stream.indirect.scatter.add.f32 [tilespmem:s28], [sflag:$0x5], $0x90, s17, s25, $0xb8;
	[tilespmem:$0x1EFF0] =	vst v63  }
0x31: {  	_ =	swait.ge [sflag:s14], $0x2D00  }
0x32: {  	[sflag:s14] =	ssyncset.done $0x0  }
0x33: {  	[sflag:s14] =	ssyncadd.s32 $0xFFFFD300  }
0x34: {  	_ =	swait.ge [sflag:s15], $0x2D00  }
0x35: {  	[sflag:s15] =	ssyncset.done $0x0  }
0x36: {  	s23 =	simm.s32 $0x140;
	[sflag:s15] =	ssyncadd.s32 $0xFFFFD300  }
0x37: {  	[tilespmem:s28], [sflag:$0x2] =	stream.indirect.gather [hbm4b:s1+s25], $0x90, s23, s25, $0xb8;
	[tilespmem:$0x1EFF0] =	vst v63  }
0x38: {  	s29 =	simm.s32 $0x550  }
0x39: {  	[spmem:s2] =	stream.indirect.scatter.add.f32 [tilespmem:s8], [sflag:$0x6], $0x90, s29, s25, $0xb8;
	[tilespmem:$0x1EFF0] =	vst v63  }
0x3a: {  	_ =	swait.ge [sflag:s3], $0x2D00  }
0x3b: {  	[sflag:s3] =	ssyncset.done $0x0  }
0x3c: {  	[sflag:s3] =	ssyncadd.s32 $0xFFFFD300  }
0x3d: {  	_ =	swait.ge [sflag:s22], $0x2D00  }
0x3e: {  	[sflag:s22] =	ssyncset.done $0x0  }
0x3f: {  	s16 =	simm.s32 $0x5A0;
	[sflag:s22] =	ssyncadd.s32 $0xFFFFD300  }
0x40: {  	[spmem:s2] =	stream.indirect.scatter.add.f32 [tilespmem:s26], [sflag:$0x4], $0x90, s16, s25, $0xb8;
	[tilespmem:$0x1EFF0] =	vst v63  }
0x41: {  	_ =	swait.ge [sflag:s10], $0x2D00  }
0x42: {  	[sflag:s10] =	ssyncset.done $0x0  }
0x43: {  	[sflag:s10] =	ssyncadd.s32 $0xFFFFD300  }
0x44: {  	_ =	swait.ge [sflag:s11], $0x2D00  }
0x45: {  	[sflag:s11] =	ssyncset.done $0x0  }
0x46: {  	s17 =	simm.s32 $0x5F0;
	[sflag:s11] =	ssyncadd.s32 $0xFFFFD300  }
0x47: {  	[spmem:s2] =	stream.indirect.scatter.add.f32 [tilespmem:s28], [sflag:$0x5], $0x90, s17, s25, $0xb8;
	[tilespmem:$0x1EFF0] =	vst v63  }
0x48: {  	_ =	swait.ge [sflag:s15], $0x2D00  }
0x49: {  	[sflag:s15] =	ssyncset.done $0x0  }
0x4a: {  	[sflag:s15] =	ssyncadd.s32 $0xFFFFD300  }
0x4b: {  	[bflag:$0x0] =	sbarrier.arrive $0xFFFF  }
0x4c: {  	s16 =	rddreg [dreg:$0x6]  }
0x4d: {  	s23 =	rddreg [dreg:$0xe]  }
0x4e: {  	s17 =	rddreg [dreg:$0x11]  }
0x4f: {  	[hbm:s23], [sflag:s16] =	dma.local [spmem:s17], $0x2BF2  }
0x50: {  	s17 =	simm.s32 $0xA  }
0x51: {  	_ =	swait.ge [sflag:s17], $0x2BF2  }
0x52: {  	s23 =	rddreg [dreg:$0x10]  }
0x53: {  	s29 =	rddreg [dreg:$0xd];
	s23 =	sadd.s32 $0x1, s23  }
0x54: {  	p0 =	sne.s32 s23, s29  }
.Ltmp1:
0x55: {  	_ = 	snop;
	(pc) =	sbr.rel @!p0 .LBB2_5-.Ltmp1, $3  }
0x56: {  	_ =	sdelay $0x1  }
0x57: {  	[sflag:s17] =	ssyncset.done $0x0  }
0x58: {  	[sflag:s17] =	ssyncadd.s32 $0xFFFFD40E  }
.LBB2_1:
0x59: {  	[dreg:$0x10] =	wrdreg s23  }
0x5a: {  	s7 =	rddreg [dreg:$0x5]  }
0x5b: {  	s29 =	rddreg [dreg:$0x4];
	s7 =	sshrl.u32 s7, $0x3  }
0x5c: {  	[dreg:$0x11] =	wrdreg s7  }
0x5d: {  	[spmem:s7], [sflag:s16] =	dma.local [hbm:s29], $0x2BF2  }
0x5e: {  	_ =	swait.ge [sflag:s17], $0x2BF2  }
0x5f: {  	[sflag:s17] =	ssyncset.done $0x0  }
0x60: {  	s29 =	rddreg [dreg:$0x7];
	[sflag:s17] =	ssyncadd.s32 $0xFFFFD40E  }
0x61: {  	[tilespmem:s4], [sflag:$0xA] =	stream.linear.gather [hbm4b:s29+s4], $0x190, $0x38;
	[tilespmem:$0x1EFF0] =	vst v63  }
0x62: {  	_ =	swait.ge [sflag:s17], $0x190  }
0x63: {  	[sflag:s17] =	ssyncset.done $0x0  }
0x64: {  	s16 =	rddreg [dreg:$0x8];
	[sflag:s17] =	ssyncadd.s32 $0xFFFFFE70  }
0x65: {  	[tilespmem:s24], [sflag:$0xA] =	stream.linear.gather [hbm4b:s16+s4], $0x190, $0x38;
	[tilespmem:$0x1EFF0] =	vst v63  }
0x66: {  	_ =	swait.ge [sflag:s17], $0x190  }
0x67: {  	[sflag:s17] =	ssyncset.done $0x0  }
0x68: {  	[sflag:s17] =	ssyncadd.s32 $0xFFFFFE70  }
0x69: {  	[tilespmem:s26], [sflag:$0x1] =	stream.indirect.gather [hbm4b:s1+s25], $0x90, s4, s25, $0xb8;
	[tilespmem:$0x1EFF0] =	vst v63  }
0x6a: {  	_ = 	snop  }
0x6b: {  	[tilespmem:s28], [sflag:$0x2] =	stream.indirect.gather [hbm4b:s1+s25], $0x90, s25, s25, $0xb8;
	[tilespmem:$0x1EFF0] =	vst v63  }
0x6c: {  	s29 =	simm.s32 $0x190;
	s23 =	rddreg [dreg:$0x9]  }
0x6d: {  	[tilespmem:s29], [sflag:$0x8] =	stream.linear.gather [hbm4b:s23+s4], $0x190, $0x38;
	[tilespmem:$0x1EFF0] =	vst v63  }
0x6e: {  	s16 =	rddreg [dreg:$0xa];
	s17 =	simm.s32 $0x640  }
0x6f: {  	[tilespmem:s17], [sflag:$0x8] =	stream.linear.gather [hbm4b:s16+s4], $0x190, $0x38;
	[tilespmem:$0x1EFF0] =	vst v63  }
0x70: {  	s23 =	rddreg [dreg:$0xb]  }
0x71: {  	[tilespmem:s31], [sflag:$0x9] =	stream.linear.gather [hbm4b:s23+s4], $0x190, $0x38;
	[tilespmem:$0x1EFF0] =	vst v63  }
0x72: {  	s29 =	rddreg [dreg:$0xc]  }
0x73: {  	[tilespmem:s0], [sflag:$0x9] =	stream.linear.gather [hbm4b:s29+s4], $0x190, $0x38;
	[tilespmem:$0x1EFF0] =	vst v63  }
0x74: {  	[bflag:$0x0] =	sbarrier.arrive $0xFFFF  }
0x75: {  	s23 =	simm.s32 $0x0;
	s7 =	rddreg [dreg:$0xf]  }
.LBB2_2:
0x76: {  	_ =	swait.ge [sflag:s3], $0x2D00  }
0x77: {  	p0 =	seq.s32 s23, $0x0;
	[sflag:s3] =	ssyncset.done $0x0  }
0x78: {  	s16 =	simm.s32 @!p0 $0x6;
	[sflag:s3] =	ssyncadd.s32 $0xFFFFD300  }
0x79: {  	_ =	swait.ge @!p0 [sflag:s16], $0x2D00  }
0x7a: {  	[sflag:s16] =	ssyncset.done @!p0 $0x0  }
0x7b: {  	s29 =	simm.s32 $0xA0;
	[sflag:s16] =	ssyncadd.s32 @!p0 $0xFFFFD300  }
0x7c: {  	[tilespmem:s8], [sflag:$0x3] =	stream.indirect.gather [hbm4b:s1+s25], $0x90, s29, s25, $0xb8;
	[tilespmem:$0x1EFF0] =	vst v63  }
0x7d: {  	_ = 	snop  }
0x7e: {  	[spmem:s2] =	stream.indirect.scatter.add.f32 [tilespmem:s26], [sflag:$0x4], $0x90, s24, s25, $0xb8;
	[tilespmem:$0x1EFF0] =	vst v63  }
0x7f: {  	_ =	swait.ge [sflag:s10], $0x2D00  }
0x80: {  	[sflag:s10] =	ssyncset.done $0x0  }
0x81: {  	[sflag:s10] =	ssyncadd.s32 $0xFFFFD300  }
0x82: {  	_ =	swait.ge [sflag:s11], $0x2D00  }
0x83: {  	[sflag:s11] =	ssyncset.done $0x0  }
0x84: {  	s17 =	simm.s32 $0xF0;
	[sflag:s11] =	ssyncadd.s32 $0xFFFFD300  }
0x85: {  	[tilespmem:s26], [sflag:$0x1] =	stream.indirect.gather [hbm4b:s1+s25], $0x90, s17, s25, $0xb8;
	[tilespmem:$0x1EFF0] =	vst v63  }
0x86: {  	s29 =	simm.s32 $0x500  }
0x87: {  	[spmem:s2] =	stream.indirect.scatter.add.f32 [tilespmem:s28], [sflag:$0x5], $0x90, s29, s25, $0xb8;
	[tilespmem:$0x1EFF0] =	vst v63  }
0x88: {  	_ =	swait.ge [sflag:s14], $0x2D00  }
0x89: {  	[sflag:s14] =	ssyncset.done $0x0  }
0x8a: {  	[sflag:s14] =	ssyncadd.s32 $0xFFFFD300  }
0x8b: {  	_ =	swait.ge [sflag:s15], $0x2D00  }
0x8c: {  	[sflag:s15] =	ssyncset.done $0x0  }
0x8d: {  	s17 =	simm.s32 $0x140;
	[sflag:s15] =	ssyncadd.s32 $0xFFFFD300  }
0x8e: {  	[tilespmem:s28], [sflag:$0x2] =	stream.indirect.gather [hbm4b:s1+s25], $0x90, s17, s25, $0xb8;
	[tilespmem:$0x1EFF0] =	vst v63  }
0x8f: {  	s29 =	simm.s32 $0x550  }
0x90: {  	[spmem:s2] =	stream.indirect.scatter.add.f32 [tilespmem:s8], [sflag:$0x6], $0x90, s29, s25, $0xb8;
	[tilespmem:$0x1EFF0] =	vst v63  }
0x91: {  	_ =	swait.ge [sflag:s3], $0x2D00  }
0x92: {  	[sflag:s3] =	ssyncset.done $0x0  }
0x93: {  	[sflag:s3] =	ssyncadd.s32 $0xFFFFD300  }
0x94: {  	_ =	swait.ge [sflag:s22], $0x2D00  }
0x95: {  	[sflag:s22] =	ssyncset.done $0x0  }
0x96: {  	[sflag:s22] =	ssyncadd.s32 $0xFFFFD300  }
0x97: {  	_ =	swait.ge [sflag:s9], $0x190  }
0x98: {  	[sflag:s9] =	ssyncset.done $0x0  }
0x99: {  	[sflag:s9] =	ssyncadd.s32 $0xFFFFFE70  }
0x9a: {  	_ =	swait.ge [sflag:s9], $0x190  }
0x9b: {  	[sflag:s9] =	ssyncset.done $0x0  }
0x9c: {  	s17 =	simm.s32 $0x190;
	[sflag:s9] =	ssyncadd.s32 $0xFFFFFE70  }
0x9d: {  	[tilespmem:s8], [sflag:$0x3] =	stream.indirect.gather [hbm4b:s1+s25], $0x90, s17, s25, $0xb8;
	[tilespmem:$0x1EFF0] =	vst v63  }
0x9e: {  	s29 =	simm.s32 $0x5A0  }
0x9f: {  	[spmem:s2] =	stream.indirect.scatter.add.f32 [tilespmem:s26], [sflag:$0x4], $0x90, s29, s25, $0xb8;
	[tilespmem:$0x1EFF0] =	vst v63  }
0xa0: {  	_ =	swait.ge [sflag:s10], $0x2D00  }
0xa1: {  	[sflag:s10] =	ssyncset.done $0x0  }
0xa2: {  	[sflag:s10] =	ssyncadd.s32 $0xFFFFD300  }
0xa3: {  	_ =	swait.ge [sflag:s11], $0x2D00  }
0xa4: {  	[sflag:s11] =	ssyncset.done $0x0  }
0xa5: {  	s17 =	simm.s32 $0x1E0;
	[sflag:s11] =	ssyncadd.s32 $0xFFFFD300  }
0xa6: {  	[tilespmem:s26], [sflag:$0x1] =	stream.indirect.gather [hbm4b:s1+s25], $0x90, s17, s25, $0xb8;
	[tilespmem:$0x1EFF0] =	vst v63  }
0xa7: {  	s29 =	simm.s32 $0x5F0;
	s17 =	sshrl.u32 s7, $0x3  }
0xa8: {  	[spmem:s2] =	stream.indirect.scatter.add.f32 [tilespmem:s28], [sflag:$0x5], $0x90, s29, s25, $0xb8;
	[tilespmem:$0x1EFF0] =	vst v63  }
0xa9: {  	s29 =	sadd.s32 s5, s17  }
0xaa: {  	[tilespmem:s4], [sflag:$0x7] =	stream.linear.gather [hbm4b:s29+s4], $0x190, $0x38;
	[tilespmem:$0x1EFF0] =	vst v63  }
0xab: {  	s16 =	sadd.s32 s6, s17  }
0xac: {  	[tilespmem:s24], [sflag:$0x7] =	stream.linear.gather [hbm4b:s16+s4], $0x190, $0x38;
	[tilespmem:$0x1EFF0] =	vst v63  }
0xad: {  	_ =	swait.ge [sflag:s14], $0x2D00  }
0xae: {  	[sflag:s14] =	ssyncset.done $0x0  }
0xaf: {  	[sflag:s14] =	ssyncadd.s32 $0xFFFFD300  }
0xb0: {  	_ =	swait.ge [sflag:s15], $0x2D00  }
0xb1: {  	[sflag:s15] =	ssyncset.done $0x0  }
0xb2: {  	s29 =	simm.s32 $0x230;
	[sflag:s15] =	ssyncadd.s32 $0xFFFFD300  }
0xb3: {  	[tilespmem:s28], [sflag:$0x2] =	stream.indirect.gather [hbm4b:s1+s25], $0x90, s29, s25, $0xb8;
	[tilespmem:$0x1EFF0] =	vst v63  }
0xb4: {  	s17 =	simm.s32 $0x640  }
0xb5: {  	[spmem:s2] =	stream.indirect.scatter.add.f32 [tilespmem:s8], [sflag:$0x6], $0x90, s17, s25, $0xb8;
	[tilespmem:$0x1EFF0] =	vst v63  }
0xb6: {  	_ =	swait.ge [sflag:s3], $0x2D00  }
0xb7: {  	[sflag:s3] =	ssyncset.done $0x0  }
0xb8: {  	[sflag:s3] =	ssyncadd.s32 $0xFFFFD300  }
0xb9: {  	_ =	swait.ge [sflag:s22], $0x2D00  }
0xba: {  	[sflag:s22] =	ssyncset.done $0x0  }
0xbb: {  	s29 =	simm.s32 $0x280;
	[sflag:s22] =	ssyncadd.s32 $0xFFFFD300  }
0xbc: {  	[tilespmem:s8], [sflag:$0x3] =	stream.indirect.gather [hbm4b:s1+s25], $0x90, s29, s25, $0xb8;
	[tilespmem:$0x1EFF0] =	vst v63  }
0xbd: {  	s17 =	simm.s32 $0x690  }
0xbe: {  	[spmem:s2] =	stream.indirect.scatter.add.f32 [tilespmem:s26], [sflag:$0x4], $0x90, s17, s25, $0xb8;
	[tilespmem:$0x1EFF0] =	vst v63  }
0xbf: {  	_ =	swait.ge [sflag:s10], $0x2D00  }
0xc0: {  	[sflag:s10] =	ssyncset.done $0x0  }
0xc1: {  	[sflag:s10] =	ssyncadd.s32 $0xFFFFD300  }
0xc2: {  	_ =	swait.ge [sflag:s11], $0x2D00  }
0xc3: {  	[sflag:s11] =	ssyncset.done $0x0  }
0xc4: {  	s29 =	simm.s32 $0x2D0;
	[sflag:s11] =	ssyncadd.s32 $0xFFFFD300  }
0xc5: {  	[tilespmem:s26], [sflag:$0x1] =	stream.indirect.gather [hbm4b:s1+s25], $0x90, s29, s25, $0xb8;
	[tilespmem:$0x1EFF0] =	vst v63  }
0xc6: {  	s17 =	simm.s32 $0x6E0  }
0xc7: {  	[spmem:s2] =	stream.indirect.scatter.add.f32 [tilespmem:s28], [sflag:$0x5], $0x90, s17, s25, $0xb8;
	[tilespmem:$0x1EFF0] =	vst v63  }
0xc8: {  	_ =	swait.ge [sflag:s14], $0x2D00  }
0xc9: {  	[sflag:s14] =	ssyncset.done $0x0  }
0xca: {  	[sflag:s14] =	ssyncadd.s32 $0xFFFFD300  }
0xcb: {  	_ =	swait.ge [sflag:s15], $0x2D00  }
0xcc: {  	[sflag:s15] =	ssyncset.done $0x0  }
0xcd: {  	[sflag:s15] =	ssyncadd.s32 $0xFFFFD300  }
0xce: {  	_ =	swait.ge [sflag:s12], $0x190  }
0xcf: {  	[sflag:s12] =	ssyncset.done $0x0  }
0xd0: {  	[sflag:s12] =	ssyncadd.s32 $0xFFFFFE70  }
0xd1: {  	_ =	swait.ge [sflag:s12], $0x190  }
0xd2: {  	[sflag:s12] =	ssyncset.done $0x0  }
0xd3: {  	[sflag:s12] =	ssyncadd.s32 $0xFFFFFE70  }
0xd4: {  	[tilespmem:s28], [sflag:$0x2] =	stream.indirect.gather [hbm4b:s1+s25], $0x90, s31, s25, $0xb8;
	[tilespmem:$0x1EFF0] =	vst v63  }
0xd5: {  	s29 =	simm.s32 $0x730  }
0xd6: {  	[spmem:s2] =	stream.indirect.scatter.add.f32 [tilespmem:s8], [sflag:$0x6], $0x90, s29, s25, $0xb8;
	[tilespmem:$0x1EFF0] =	vst v63  }
0xd7: {  	_ =	swait.ge [sflag:s3], $0x2D00  }
0xd8: {  	[sflag:s3] =	ssyncset.done $0x0  }
0xd9: {  	[sflag:s3] =	ssyncadd.s32 $0xFFFFD300  }
0xda: {  	_ =	swait.ge [sflag:s22], $0x2D00  }
0xdb: {  	[sflag:s22] =	ssyncset.done $0x0  }
0xdc: {  	s17 =	simm.s32 $0x370;
	[sflag:s22] =	ssyncadd.s32 $0xFFFFD300  }
0xdd: {  	[tilespmem:s8], [sflag:$0x3] =	stream.indirect.gather [hbm4b:s1+s25], $0x90, s17, s25, $0xb8;
	[tilespmem:$0x1EFF0] =	vst v63  }
0xde: {  	p0 =	seq.s32 s23, $0x41A;
	s29 =	simm.s32 $0x780  }
0xdf: {  	[spmem:s2] =	stream.indirect.scatter.add.f32 [tilespmem:s26], [sflag:$0x4], $0x90, s29, s25, $0xb8;
	[tilespmem:$0x1EFF0] =	vst v63  }
0xe0: {  	s16 =	sadd.s32 @!p0 s23, s19;
	s17 =	simm.s32 @!p0 $0x190;
	s29 =	simm.s32 @!p0 $0x0  }
0xe1: {  	[tilespmem:s17], [sflag:$0x8] =	stream.linear.gather @!p0 [hbm4b:s16+s29], $0x190, $0x38;
	[tilespmem:$0x1EFF0] =	vst v63  }
0xe2: {  	s16 =	sadd.s32 @!p0 s23, s18;
	s17 =	simm.s32 @!p0 $0x640  }
0xe3: {  	[tilespmem:s17], [sflag:$0x8] =	stream.linear.gather @!p0 [hbm4b:s16+s29], $0x190, $0x38;
	[tilespmem:$0x1EFF0] =	vst v63  }
0xe4: {  	_ =	swait.ge [sflag:s10], $0x2D00  }
0xe5: {  	[sflag:s10] =	ssyncset.done $0x0  }
0xe6: {  	[sflag:s10] =	ssyncadd.s32 $0xFFFFD300  }
0xe7: {  	_ =	swait.ge [sflag:s11], $0x2D00  }
0xe8: {  	[sflag:s11] =	ssyncset.done $0x0  }
0xe9: {  	s17 =	simm.s32 $0x3C0;
	[sflag:s11] =	ssyncadd.s32 $0xFFFFD300  }
0xea: {  	[tilespmem:s26], [sflag:$0x1] =	stream.indirect.gather [hbm4b:s1+s25], $0x90, s17, s25, $0xb8;
	[tilespmem:$0x1EFF0] =	vst v63  }
0xeb: {  	_ = 	snop  }
0xec: {  	[spmem:s2] =	stream.indirect.scatter.add.f32 [tilespmem:s28], [sflag:$0x5], $0x90, s0, s25, $0xb8;
	[tilespmem:$0x1EFF0] =	vst v63  }
0xed: {  	_ =	swait.ge [sflag:s14], $0x2D00  }
0xee: {  	[sflag:s14] =	ssyncset.done $0x0  }
0xef: {  	[sflag:s14] =	ssyncadd.s32 $0xFFFFD300  }
0xf0: {  	_ =	swait.ge [sflag:s15], $0x2D00  }
0xf1: {  	[sflag:s15] =	ssyncset.done $0x0  }
0xf2: {  	s29 =	simm.s32 $0x410;
	[sflag:s15] =	ssyncadd.s32 $0xFFFFD300  }
0xf3: {  	[tilespmem:s28], [sflag:$0x2] =	stream.indirect.gather [hbm4b:s1+s25], $0x90, s29, s25, $0xb8;
	[tilespmem:$0x1EFF0] =	vst v63  }
0xf4: {  	s17 =	simm.s32 $0x820  }
0xf5: {  	[spmem:s2] =	stream.indirect.scatter.add.f32 [tilespmem:s8], [sflag:$0x6], $0x90, s17, s25, $0xb8;
	[tilespmem:$0x1EFF0] =	vst v63  }
0xf6: {  	_ =	swait.ge [sflag:s3], $0x2D00  }
0xf7: {  	[sflag:s3] =	ssyncset.done $0x0  }
0xf8: {  	[sflag:s3] =	ssyncadd.s32 $0xFFFFD300  }
0xf9: {  	_ =	swait.ge [sflag:s22], $0x2D00  }
0xfa: {  	[sflag:s22] =	ssyncset.done $0x0  }
0xfb: {  	s29 =	simm.s32 $0x460;
	[sflag:s22] =	ssyncadd.s32 $0xFFFFD300  }
0xfc: {  	[tilespmem:s8], [sflag:$0x3] =	stream.indirect.gather [hbm4b:s1+s25], $0x90, s29, s25, $0xb8;
	[tilespmem:$0x1EFF0] =	vst v63  }
0xfd: {  	s17 =	simm.s32 $0x870  }
0xfe: {  	[spmem:s2] =	stream.indirect.scatter.add.f32 [tilespmem:s26], [sflag:$0x4], $0x90, s17, s25, $0xb8;
	[tilespmem:$0x1EFF0] =	vst v63  }
0xff: {  	_ =	swait.ge [sflag:s10], $0x2D00  }
0x100: {  	[sflag:s10] =	ssyncset.done $0x0  }
0x101: {  	[sflag:s10] =	ssyncadd.s32 $0xFFFFD300  }
0x102: {  	_ =	swait.ge [sflag:s11], $0x2D00  }
0x103: {  	[sflag:s11] =	ssyncset.done $0x0  }
0x104: {  	[sflag:s11] =	ssyncadd.s32 $0xFFFFD300  }
0x105: {  	_ =	swait.ge [sflag:s30], $0x190  }
0x106: {  	[sflag:s30] =	ssyncset.done $0x0  }
0x107: {  	[sflag:s30] =	ssyncadd.s32 $0xFFFFFE70  }
0x108: {  	_ =	swait.ge [sflag:s30], $0x190  }
0x109: {  	[sflag:s30] =	ssyncset.done $0x0  }
0x10a: {  	[sflag:s30] =	ssyncadd.s32 $0xFFFFFE70  }
0x10b: {  	[tilespmem:s26], [sflag:$0x1] =	stream.indirect.gather [hbm4b:s1+s25], $0x90, s4, s25, $0xb8;
	[tilespmem:$0x1EFF0] =	vst v63  }
0x10c: {  	s29 =	simm.s32 $0x8C0  }
0x10d: {  	[spmem:s2] =	stream.indirect.scatter.add.f32 [tilespmem:s28], [sflag:$0x5], $0x90, s29, s25, $0xb8;
	[tilespmem:$0x1EFF0] =	vst v63  }
0x10e: {  	_ =	swait.ge [sflag:s14], $0x2D00  }
0x10f: {  	[sflag:s14] =	ssyncset.done $0x0  }
0x110: {  	[sflag:s14] =	ssyncadd.s32 $0xFFFFD300  }
0x111: {  	_ =	swait.ge [sflag:s15], $0x2D00  }
.Ltmp2:
0x112: {  	[sflag:s15] =	ssyncset.done $0x0;
	(pc) =	sbr.rel @p0 .LBB2_4-.Ltmp2, $4  }
0x113: {  	[sflag:s15] =	ssyncadd.s32 $0xFFFFD300  }
0x114: {  	[tilespmem:s28], [sflag:$0x2] =	stream.indirect.gather [hbm4b:s1+s25], $0x90, s25, s25, $0xb8;
	[tilespmem:$0x1EFF0] =	vst v63  }
0x115: {  	_ = 	snop  }
0x116: {  	[spmem:s2] =	stream.indirect.scatter.add.f32 [tilespmem:s8], [sflag:$0x6], $0x90, s13, s25, $0xb8;
	[tilespmem:$0x1EFF0] =	vst v63  }
.Ltmp3:
0x117: {  	(pc) =	sbr.rel .LBB2_2-.Ltmp3, $4  }
0x118: {  	s16 =	sadd.s32 s23, s21  }
0x119: {  	[tilespmem:s31], [sflag:$0x9] =	stream.linear.gather [hbm4b:s16+s4], $0x190, $0x38;
	[tilespmem:$0x1EFF0] =	vst v63  }
0x11a: {  	s29 =	sadd.s32 s23, s20;
	s23 =	sadd.s32 $0x96, s23;
	s7 =	sadd.s32 $0x4B0, s7  }
0x11b: {  	[tilespmem:s0], [sflag:$0x9] =	stream.linear.gather [hbm4b:s29+s4], $0x190, $0x38;
	[tilespmem:$0x1EFF0] =	vst v63  }
.LBB2_5:
0x11c: {  	_ =	sfence.sel $0x180000  }
0x11d: {  	[bflag:$0x0] =	sbarrier.arrive $0xFFFF  }
0x11e: {  	_ =	strace $0x90000047  }
0x11f: {  	s0 =	stileid.u32;
	[bflag:$0x2] =	sbarrier.arrive $0xFFFF  }
0x120: {  	p0 =	sne.s32 s0, $0x0;
	s0 =	rddreg [dreg:$0x3]  }
0x121: {  	s0 =	sadd.s32 @!p0 $0x100000, s0  }
0x122: {  	[sflag:s0] =	ssyncadd.tile.s32 @!p0 $0x1;
	_ =	shalt  }
.Lfunc_end2:
_tile_overlayer_lowered:
.L_overlay_start_2:
0x123: {  	(tag) =	ssettag $0x2  }
0x124: {  	s0 =	rddreg [dreg:$0x0];
	s2 =	stileid.u32  }
0x125: {  	s1 =	rddreg [dreg:$0x1];
	p0 =	sne.s32 s2, $0x0  }
0x126: {  	s3 =	rddreg [dreg:$0x2];
	[bflag:$0x3] =	sbarrier.arrive $0xFFFF;
	s2 =	simm.s32 @!p0 $0x1C0A  }
0x127: {  	[timem:s3], [sflag:s2] =	dma.local @!p0 [hbm:s0], s1  }
0x128: {  	s0 =	simm.s32 @!p0 $0xA  }
0x129: {  	_ =	swait.ge @!p0 [sflag:s0], s1  }
0x12a: {  	s1 =	ssub.s32 @!p0 $0x0, s1;
	[sflag:s0] =	ssyncset.done @!p0 $0x0  }
0x12b: {  	[sflag:s0] =	ssyncadd.s32 @!p0 s1  }
0x12c: {  	[bflag:$0x3] =	sbarrier.arrive $0xFFFF  }
0x12d: {  	_ =	shalt  }

</sc_bundles>
